<compile_context>
chip_gen: v7x
topology: tpu7x:2x2x1
jax: 0.10.2.dev20260603
libtpu: 0.0.44.dev20260713+nightly
codegen_flags: <defaults>
</compile_context>

<pallas_src>
import functools

import jax
import jax.numpy as jnp
from jax import lax
from jax.experimental import pallas as pl
from jax.experimental.pallas import tpu as pltpu
from jax.experimental.pallas import tpu_sc as plsc

_NUM_CLASSES = 1000000
_FEAT_DIM = 64
_BATCH = 16384

_NC = 2
_NS = 16
_NW = _NC * _NS
_LANES = 16

_B_PER_W = _BATCH // _NW
_JSTEPS = _FEAT_DIM // _LANES

_CHUNK = 128
_NCHUNK = _B_PER_W // _CHUNK
_CGROUPS = _CHUNK // _LANES


def _sc_center_loss_body(labels_hbm, feats_hbm, centers_hbm, out_hbm,
                         lab_v, feat0, feat1, tile0, tile1, acc_v,
                         semf0, semf1, semt0, semt1):
    wid = lax.axis_index("s") * _NC + lax.axis_index("c")
    base = wid * _B_PER_W

    pltpu.sync_copy(labels_hbm.at[wid], lab_v)

    fbufs = (feat0, feat1)
    tbufs = (tile0, tile1)
    fsems = (semf0, semf1)
    tsems = (semt0, semt1)

    def fire(c):
        hf = pltpu.async_copy(
            feats_hbm.at[pl.ds(base + c * _CHUNK, _CHUNK)],
            fbufs[c % 2], fsems[c % 2],
        )
        buf = tbufs[c % 2]
        sem = tsems[c % 2]

        def fire_group(g, carry):
            lv = lab_v[pl.ds(c * _CHUNK + g * _LANES, _LANES)]
            for l in range(_LANES):
                pltpu.async_copy(
                    centers_hbm.at[lv[l]],
                    buf.at[g * _LANES + l],
                    sem,
                )
            return carry

        lax.fori_loop(0, _CGROUPS, fire_group, 0)
        return hf

    def drain_rows(c):
        pltpu.make_async_copy(
            centers_hbm.at[pl.ds(0, _CHUNK)], tbufs[c % 2], tsems[c % 2]
        ).wait()

    handles = [None] * _NCHUNK
    handles[0] = fire(0)
    accs = tuple(jnp.zeros((_LANES,), jnp.float32) for _ in range(_JSTEPS))
    for c in range(_NCHUNK):
        if c + 1 < _NCHUNK:
            handles[c + 1] = fire(c + 1)
        handles[c].wait()
        drain_rows(c)
        fbuf = fbufs[c % 2]
        tbuf = tbufs[c % 2]

        def row_body(i, accs, fbuf=fbuf, tbuf=tbuf):
            new = []
            for j in range(_JSTEPS):
                f = fbuf[i, pl.ds(j * _LANES, _LANES)]
                cc = tbuf[i, pl.ds(j * _LANES, _LANES)]
                d = f - cc
                new.append(accs[j] + d * d)
            return tuple(new)

        accs = lax.fori_loop(0, _CHUNK, row_body, accs)

    total = accs[0] + accs[1] + accs[2] + accs[3]
    acc_v[...] = total
    pltpu.sync_copy(acc_v, out_hbm.at[wid])


_sc_center_loss = functools.partial(
    pl.kernel,
    out_type=jax.ShapeDtypeStruct((_NW, _LANES), jnp.float32),
    mesh=plsc.VectorSubcoreMesh(core_axis_name="c", subcore_axis_name="s"),
    scratch_types=[
        pltpu.VMEM((_B_PER_W,), jnp.int32),
        pltpu.VMEM((_CHUNK, _FEAT_DIM), jnp.float32),
        pltpu.VMEM((_CHUNK, _FEAT_DIM), jnp.float32),
        pltpu.VMEM((_CHUNK, _FEAT_DIM), jnp.float32),
        pltpu.VMEM((_CHUNK, _FEAT_DIM), jnp.float32),
        pltpu.VMEM((_LANES,), jnp.float32),
        pltpu.SemaphoreType.DMA,
        pltpu.SemaphoreType.DMA,
        pltpu.SemaphoreType.DMA,
        pltpu.SemaphoreType.DMA,
    ],
)(_sc_center_loss_body)


def kernel(features, labels, centers):
    labels2 = labels.astype(jnp.int32).reshape(_NW, _B_PER_W)
    partials = _sc_center_loss(labels2, features, centers)
    return jnp.sum(partials) / _BATCH

# --- scband reference (transcript-rebuilt; emitter-appended) ---
"""Pipeline reference for scband-center-loss-84490596647681 (READ-ONLY COPY).

The authoritative reference and input builder live on the scoring server;
editing this copy changes nothing except your own understanding.
"""

import jax, jax.numpy as jnp
import numpy as np

NUM_CLASSES = 1000000
FEAT_DIM = 64
BATCH = 16384

def _xavier_uniform(key, shape, dtype=jnp.float32):
    fan_in, fan_out = shape[1], shape[0]
    limit = float(np.sqrt(6.0 / (fan_in + fan_out)))
    return jax.random.uniform(key, shape, dtype=dtype, minval=-limit, maxval=limit)

def setup_inputs(seed: int = 0) -> dict:
    key = jax.random.key(seed)
    k1, k2, k3 = jax.random.split(key, 3)
    features = jax.random.normal(k1, (BATCH, FEAT_DIM), dtype=jnp.float32)
    labels = jax.random.randint(k2, (BATCH,), 0, NUM_CLASSES, dtype=jnp.int64 if jax.config.jax_enable_x64 else jnp.int32)
    centers = _xavier_uniform(k3, (NUM_CLASSES, FEAT_DIM))
    return {"features": features, "labels": labels, "centers": centers}

def reference(features, labels, centers):
    # gather class centers for each sample (memory-bound gather)
    batch_centers = jnp.take(centers, labels, axis=0)
    diff = features - batch_centers
    loss = jnp.mean(jnp.sum(diff * diff, axis=1))
    return loss

if __name__ == "__main__":
    import jax
    _d = setup_inputs()
    print(jax.jit(kernel)(*tuple(_d.values())))

</pallas_src>

<mosaic_0001>
#map = affine_map<(d0, d1) -> (0, 0)>
module attributes {stable_mosaic.version = 14 : i64} {
  func.func @_sc_center_loss_body(%arg0: i32, %arg1: i32, %arg2: memref<32x512xi32, #tpu.memory_space<hbm>>, %arg3: memref<16384x64xf32, #tpu.memory_space<hbm>>, %arg4: memref<1000000x64xf32, #tpu.memory_space<hbm>>, %arg5: memref<32x16xf32, #tpu.memory_space<hbm>>, %arg6: memref<512xi32, #tpu.memory_space<vmem>>, %arg7: memref<128x64xf32, #tpu.memory_space<vmem>>, %arg8: memref<128x64xf32, #tpu.memory_space<vmem>>, %arg9: memref<128x64xf32, #tpu.memory_space<vmem>>, %arg10: memref<128x64xf32, #tpu.memory_space<vmem>>, %arg11: memref<16xf32, #tpu.memory_space<vmem>>, %arg12: memref<!tpu.dma_semaphore, #tpu.memory_space<semaphore_mem>>, %arg13: memref<!tpu.dma_semaphore, #tpu.memory_space<semaphore_mem>>, %arg14: memref<!tpu.dma_semaphore, #tpu.memory_space<semaphore_mem>>, %arg15: memref<!tpu.dma_semaphore, #tpu.memory_space<semaphore_mem>>) attributes {dimension_semantics = [#tpu.dimension_semantics<core_parallel>, #tpu.dimension_semantics<subcore_parallel>], iteration_bounds = array<i64: 2, 16>, scalar_prefetch = 0 : i64, scratch_operands = 10 : i64, tpu.core_type = #tpu.core_type<sc_vector_subcore>, window_params = [{transform_indices = #map}, {transform_indices = #map}, {transform_indices = #map}, {transform_indices = #map}]} {
    %mul3A = arith.constant 2 : i32
    %mul3A_0 = arith.muli %arg1, %mul3A : i32
    %add3A = arith.addi %mul3A_0, %arg0 : i32
    %mul3A_1 = arith.constant 512 : i32
    %mul3A_2 = arith.muli %add3A, %mul3A_1 : i32
    "tpu.region"() ({
      %run_scoped3A = tpu.sem_alloc : memref<!tpu.dma_semaphore, #tpu.memory_space<semaphore_mem>>
      %dma_start3A_125 = arith.constant 0 : i32
      %dma_start3A_126 = tpu.memref_slice %arg2[%add3A, %dma_start3A_125] : memref<32x512xi32, #tpu.memory_space<hbm>> -> memref<1x512xi32, #tpu.memory_space<hbm>>
      %dma_start3A_127 = tpu.memref_squeeze %dma_start3A_126 : memref<1x512xi32, #tpu.memory_space<hbm>> -> memref<512xi32, #tpu.memory_space<hbm>>
      %dma_start3A_128 = arith.constant 0 : i32
      %dma_start3A_129 = tpu.memref_slice %arg2[%add3A, %dma_start3A_128] : memref<32x512xi32, #tpu.memory_space<hbm>> -> memref<1x512xi32, #tpu.memory_space<hbm>>
      %dma_start3A_130 = tpu.memref_squeeze %dma_start3A_129 : memref<1x512xi32, #tpu.memory_space<hbm>> -> memref<512xi32, #tpu.memory_space<hbm>>
      tpu.enqueue_dma source(%dma_start3A_130 : memref<512xi32, #tpu.memory_space<hbm>>) target(%arg6 : memref<512xi32, #tpu.memory_space<vmem>>) target_semaphore(%run_scoped3A : memref<!tpu.dma_semaphore, #tpu.memory_space<semaphore_mem>>)
      %dma_wait3A_131 = arith.constant 0 : i32
      %dma_wait3A_132 = tpu.memref_slice %arg2[%add3A, %dma_wait3A_131] : memref<32x512xi32, #tpu.memory_space<hbm>> -> memref<1x512xi32, #tpu.memory_space<hbm>>
      %dma_wait3A_133 = tpu.memref_squeeze %dma_wait3A_132 : memref<1x512xi32, #tpu.memory_space<hbm>> -> memref<512xi32, #tpu.memory_space<hbm>>
      %dma_wait3A_134 = arith.constant 0 : i32
      %dma_wait3A_135 = tpu.memref_slice %arg2[%add3A, %dma_wait3A_134] : memref<32x512xi32, #tpu.memory_space<hbm>> -> memref<1x512xi32, #tpu.memory_space<hbm>>
      %dma_wait3A_136 = tpu.memref_squeeze %dma_wait3A_135 : memref<1x512xi32, #tpu.memory_space<hbm>> -> memref<512xi32, #tpu.memory_space<hbm>>
      tpu.wait_dma2 semaphore(%run_scoped3A : memref<!tpu.dma_semaphore, #tpu.memory_space<semaphore_mem>>) src(%dma_wait3A_136 : memref<512xi32, #tpu.memory_space<hbm>>) dst(%arg6 : memref<512xi32, #tpu.memory_space<vmem>>)
      tpu.yield
    }) : () -> ()
    %add3A_3 = arith.constant 0 : i32
    %add3A_4 = arith.addi %mul3A_2, %add3A_3 : i32
    %dma_start3A = arith.constant 0 : i32
    %dma_start3A_5 = tpu.memref_slice %arg3[%add3A_4, %dma_start3A] : memref<16384x64xf32, #tpu.memory_space<hbm>> -> memref<128x64xf32, #tpu.memory_space<hbm>>
    %dma_start3A_6 = arith.constant 0 : i32
    %dma_start3A_7 = tpu.memref_slice %arg3[%add3A_4, %dma_start3A_6] : memref<16384x64xf32, #tpu.memory_space<hbm>> -> memref<128x64xf32, #tpu.memory_space<hbm>>
    tpu.enqueue_dma source(%dma_start3A_7 : memref<128x64xf32, #tpu.memory_space<hbm>>) target(%arg7 : memref<128x64xf32, #tpu.memory_space<vmem>>) target_semaphore(%arg12 : memref<!tpu.dma_semaphore, #tpu.memory_space<semaphore_mem>>)
    %scan3A = arith.constant 0 : i32
    %scan3A_8 = arith.constant 0 : i32
    %scan3A_9 = arith.constant 8 : i32
    %scan3A_10 = arith.addi %scan3A_8, %scan3A_9 : i32
    %scan3A_11 = arith.constant 1 : i32
    scf.for %scan3A_125 = %scan3A_8 to %scan3A_10 step %scan3A_11  : i32 {
      %mul3A_126 = arith.constant 16 : i32
      %mul3A_127 = arith.muli %scan3A_125, %mul3A_126 : i32
      %add3A_128 = arith.constant 0 : i32
      %add3A_129 = arith.addi %add3A_128, %mul3A_127 : i32
      %get3A = arith.index_cast %add3A_129 : i32 to index
      %get3A_130 = tpu.vector_load %arg6[%get3A] {strides = array<i32>} : memref<512xi32, #tpu.memory_space<vmem>>, vector<16xi32>,
      %get3A_131 = vector.shape_cast %get3A_130 : vector<16xi32> to vector<16xi32>
      %slice3A = vector.extract_strided_slice %get3A_131 {offsets = [0], sizes = [1], strides = [1]} : vector<16xi32> to vector<1xi32>
      %squeeze3A = vector.extract %slice3A[0] : i32 from vector<1xi32>
      %mul3A_132 = arith.constant 16 : i32
      %mul3A_133 = arith.muli %scan3A_125, %mul3A_132 : i32
      %add3A_134 = arith.constant 0 : i32
      %add3A_135 = arith.addi %mul3A_133, %add3A_134 : i32
      %dma_start3A_136 = arith.constant 0 : i32
      %dma_start3A_137 = tpu.memref_slice %arg9[%add3A_135, %dma_start3A_136] : memref<128x64xf32, #tpu.memory_space<vmem>> -> memref<1x64xf32, #tpu.memory_space<vmem>>
      %dma_start3A_138 = tpu.memref_squeeze %dma_start3A_137 : memref<1x64xf32, #tpu.memory_space<vmem>> -> memref<64xf32, #tpu.memory_space<vmem>>
      %dma_start3A_139 = arith.constant 0 : i32
      %dma_start3A_140 = tpu.memref_slice %arg4[%squeeze3A, %dma_start3A_139] : memref<1000000x64xf32, #tpu.memory_space<hbm>> -> memref<1x64xf32, #tpu.memory_space<hbm>>
      %dma_start3A_141 = tpu.memref_squeeze %dma_start3A_140 : memref<1x64xf32, #tpu.memory_space<hbm>> -> memref<64xf32, #tpu.memory_space<hbm>>
      %dma_start3A_142 = arith.constant 0 : i32
      %dma_start3A_143 = tpu.memref_slice %arg9[%add3A_135, %dma_start3A_142] : memref<128x64xf32, #tpu.memory_space<vmem>> -> memref<1x64xf32, #tpu.memory_space<vmem>>
      %dma_start3A_144 = tpu.memref_squeeze %dma_start3A_143 : memref<1x64xf32, #tpu.memory_space<vmem>> -> memref<64xf32, #tpu.memory_space<vmem>>
      %dma_start3A_145 = arith.constant 0 : i32
      %dma_start3A_146 = tpu.memref_slice %arg4[%squeeze3A, %dma_start3A_145] : memref<1000000x64xf32, #tpu.memory_space<hbm>> -> memref<1x64xf32, #tpu.memory_space<hbm>>
      %dma_start3A_147 = tpu.memref_squeeze %dma_start3A_146 : memref<1x64xf32, #tpu.memory_space<hbm>> -> memref<64xf32, #tpu.memory_space<hbm>>
      tpu.enqueue_dma source(%dma_start3A_147 : memref<64xf32, #tpu.memory_space<hbm>>) target(%dma_start3A_144 : memref<64xf32, #tpu.memory_space<vmem>>) target_semaphore(%arg14 : memref<!tpu.dma_semaphore, #tpu.memory_space<semaphore_mem>>)
      %slice3A_148 = vector.extract_strided_slice %get3A_131 {offsets = [1], sizes = [1], strides = [1]} : vector<16xi32> to vector<1xi32>
      %squeeze3A_149 = vector.extract %slice3A_148[0] : i32 from vector<1xi32>
      %mul3A_150 = arith.constant 16 : i32
      %mul3A_151 = arith.muli %scan3A_125, %mul3A_150 : i32
      %add3A_152 = arith.constant 1 : i32
      %add3A_153 = arith.addi %mul3A_151, %add3A_152 : i32
      %dma_start3A_154 = arith.constant 0 : i32
      %dma_start3A_155 = tpu.memref_slice %arg9[%add3A_153, %dma_start3A_154] : memref<128x64xf32, #tpu.memory_space<vmem>> -> memref<1x64xf32, #tpu.memory_space<vmem>>
      %dma_start3A_156 = tpu.memref_squeeze %dma_start3A_155 : memref<1x64xf32, #tpu.memory_space<vmem>> -> memref<64xf32, #tpu.memory_space<vmem>>
      %dma_start3A_157 = arith.constant 0 : i32
      %dma_start3A_158 = tpu.memref_slice %arg4[%squeeze3A_149, %dma_start3A_157] : memref<1000000x64xf32, #tpu.memory_space<hbm>> -> memref<1x64xf32, #tpu.memory_space<hbm>>
      %dma_start3A_159 = tpu.memref_squeeze %dma_start3A_158 : memref<1x64xf32, #tpu.memory_space<hbm>> -> memref<64xf32, #tpu.memory_space<hbm>>
      %dma_start3A_160 = arith.constant 0 : i32
      %dma_start3A_161 = tpu.memref_slice %arg9[%add3A_153, %dma_start3A_160] : memref<128x64xf32, #tpu.memory_space<vmem>> -> memref<1x64xf32, #tpu.memory_space<vmem>>
      %dma_start3A_162 = tpu.memref_squeeze %dma_start3A_161 : memref<1x64xf32, #tpu.memory_space<vmem>> -> memref<64xf32, #tpu.memory_space<vmem>>
      %dma_start3A_163 = arith.constant 0 : i32
      %dma_start3A_164 = tpu.memref_slice %arg4[%squeeze3A_149, %dma_start3A_163] : memref<1000000x64xf32, #tpu.memory_space<hbm>> -> memref<1x64xf32, #tpu.memory_space<hbm>>
      %dma_start3A_165 = tpu.memref_squeeze %dma_start3A_164 : memref<1x64xf32, #tpu.memory_space<hbm>> -> memref<64xf32, #tpu.memory_space<hbm>>
      tpu.enqueue_dma source(%dma_start3A_165 : memref<64xf32, #tpu.memory_space<hbm>>) target(%dma_start3A_162 : memref<64xf32, #tpu.memory_space<vmem>>) target_semaphore(%arg14 : memref<!tpu.dma_semaphore, #tpu.memory_space<semaphore_mem>>)
      %slice3A_166 = vector.extract_strided_slice %get3A_131 {offsets = [2], sizes = [1], strides = [1]} : vector<16xi32> to vector<1xi32>
      %squeeze3A_167 = vector.extract %slice3A_166[0] : i32 from vector<1xi32>
      %mul3A_168 = arith.constant 16 : i32
      %mul3A_169 = arith.muli %scan3A_125, %mul3A_168 : i32
      %add3A_170 = arith.constant 2 : i32
      %add3A_171 = arith.addi %mul3A_169, %add3A_170 : i32
      %dma_start3A_172 = arith.constant 0 : i32
      %dma_start3A_173 = tpu.memref_slice %arg9[%add3A_171, %dma_start3A_172] : memref<128x64xf32, #tpu.memory_space<vmem>> -> memref<1x64xf32, #tpu.memory_space<vmem>>
      %dma_start3A_174 = tpu.memref_squeeze %dma_start3A_173 : memref<1x64xf32, #tpu.memory_space<vmem>> -> memref<64xf32, #tpu.memory_space<vmem>>
      %dma_start3A_175 = arith.constant 0 : i32
      %dma_start3A_176 = tpu.memref_slice %arg4[%squeeze3A_167, %dma_start3A_175] : memref<1000000x64xf32, #tpu.memory_space<hbm>> -> memref<1x64xf32, #tpu.memory_space<hbm>>
      %dma_start3A_177 = tpu.memref_squeeze %dma_start3A_176 : memref<1x64xf32, #tpu.memory_space<hbm>> -> memref<64xf32, #tpu.memory_space<hbm>>
      %dma_start3A_178 = arith.constant 0 : i32
      %dma_start3A_179 = tpu.memref_slice %arg9[%add3A_171, %dma_start3A_178] : memref<128x64xf32, #tpu.memory_space<vmem>> -> memref<1x64xf32, #tpu.memory_space<vmem>>
      %dma_start3A_180 = tpu.memref_squeeze %dma_start3A_179 : memref<1x64xf32, #tpu.memory_space<vmem>> -> memref<64xf32, #tpu.memory_space<vmem>>
      %dma_start3A_181 = arith.constant 0 : i32
      %dma_start3A_182 = tpu.memref_slice %arg4[%squeeze3A_167, %dma_start3A_181] : memref<1000000x64xf32, #tpu.memory_space<hbm>> -> memref<1x64xf32, #tpu.memory_space<hbm>>
      %dma_start3A_183 = tpu.memref_squeeze %dma_start3A_182 : memref<1x64xf32, #tpu.memory_space<hbm>> -> memref<64xf32, #tpu.memory_space<hbm>>
      tpu.enqueue_dma source(%dma_start3A_183 : memref<64xf32, #tpu.memory_space<hbm>>) target(%dma_start3A_180 : memref<64xf32, #tpu.memory_space<vmem>>) target_semaphore(%arg14 : memref<!tpu.dma_semaphore, #tpu.memory_space<semaphore_mem>>)
      %slice3A_184 = vector.extract_strided_slice %get3A_131 {offsets = [3], sizes = [1], strides = [1]} : vector<16xi32> to vector<1xi32>
      %squeeze3A_185 = vector.extract %slice3A_184[0] : i32 from vector<1xi32>
      %mul3A_186 = arith.constant 16 : i32
      %mul3A_187 = arith.muli %scan3A_125, %mul3A_186 : i32
      %add3A_188 = arith.constant 3 : i32
      %add3A_189 = arith.addi %mul3A_187, %add3A_188 : i32
      %dma_start3A_190 = arith.constant 0 : i32
      %dma_start3A_191 = tpu.memref_slice %arg9[%add3A_189, %dma_start3A_190] : memref<128x64xf32, #tpu.memory_space<vmem>> -> memref<1x64xf32, #tpu.memory_space<vmem>>
      %dma_start3A_192 = tpu.memref_squeeze %dma_start3A_191 : memref<1x64xf32, #tpu.memory_space<vmem>> -> memref<64xf32, #tpu.memory_space<vmem>>
      %dma_start3A_193 = arith.constant 0 : i32
      %dma_start3A_194 = tpu.memref_slice %arg4[%squeeze3A_185, %dma_start3A_193] : memref<1000000x64xf32, #tpu.memory_space<hbm>> -> memref<1x64xf32, #tpu.memory_space<hbm>>
      %dma_start3A_195 = tpu.memref_squeeze %dma_start3A_194 : memref<1x64xf32, #tpu.memory_space<hbm>> -> memref<64xf32, #tpu.memory_space<hbm>>
      %dma_start3A_196 = arith.constant 0 : i32
      %dma_start3A_197 = tpu.memref_slice %arg9[%add3A_189, %dma_start3A_196] : memref<128x64xf32, #tpu.memory_space<vmem>> -> memref<1x64xf32, #tpu.memory_space<vmem>>
      %dma_start3A_198 = tpu.memref_squeeze %dma_start3A_197 : memref<1x64xf32, #tpu.memory_space<vmem>> -> memref<64xf32, #tpu.memory_space<vmem>>
      %dma_start3A_199 = arith.constant 0 : i32
      %dma_start3A_200 = tpu.memref_slice %arg4[%squeeze3A_185, %dma_start3A_199] : memref<1000000x64xf32, #tpu.memory_space<hbm>> -> memref<1x64xf32, #tpu.memory_space<hbm>>
      %dma_start3A_201 = tpu.memref_squeeze %dma_start3A_200 : memref<1x64xf32, #tpu.memory_space<hbm>> -> memref<64xf32, #tpu.memory_space<hbm>>
      tpu.enqueue_dma source(%dma_start3A_201 : memref<64xf32, #tpu.memory_space<hbm>>) target(%dma_start3A_198 : memref<64xf32, #tpu.memory_space<vmem>>) target_semaphore(%arg14 : memref<!tpu.dma_semaphore, #tpu.memory_space<semaphore_mem>>)
      %slice3A_202 = vector.extract_strided_slice %get3A_131 {offsets = [4], sizes = [1], strides = [1]} : vector<16xi32> to vector<1xi32>
      %squeeze3A_203 = vector.extract %slice3A_202[0] : i32 from vector<1xi32>
      %mul3A_204 = arith.constant 16 : i32
      %mul3A_205 = arith.muli %scan3A_125, %mul3A_204 : i32
      %add3A_206 = arith.constant 4 : i32
      %add3A_207 = arith.addi %mul3A_205, %add3A_206 : i32
      %dma_start3A_208 = arith.constant 0 : i32
      %dma_start3A_209 = tpu.memref_slice %arg9[%add3A_207, %dma_start3A_208] : memref<128x64xf32, #tpu.memory_space<vmem>> -> memref<1x64xf32, #tpu.memory_space<vmem>>
      %dma_start3A_210 = tpu.memref_squeeze %dma_start3A_209 : memref<1x64xf32, #tpu.memory_space<vmem>> -> memref<64xf32, #tpu.memory_space<vmem>>
      %dma_start3A_211 = arith.constant 0 : i32
      %dma_start3A_212 = tpu.memref_slice %arg4[%squeeze3A_203, %dma_start3A_211] : memref<1000000x64xf32, #tpu.memory_space<hbm>> -> memref<1x64xf32, #tpu.memory_space<hbm>>
      %dma_start3A_213 = tpu.memref_squeeze %dma_start3A_212 : memref<1x64xf32, #tpu.memory_space<hbm>> -> memref<64xf32, #tpu.memory_space<hbm>>
      %dma_start3A_214 = arith.constant 0 : i32
      %dma_start3A_215 = tpu.memref_slice %arg9[%add3A_207, %dma_start3A_214] : memref<128x64xf32, #tpu.memory_space<vmem>> -> memref<1x64xf32, #tpu.memory_space<vmem>>
      %dma_start3A_216 = tpu.memref_squeeze %dma_start3A_215 : memref<1x64xf32, #tpu.memory_space<vmem>> -> memref<64xf32, #tpu.memory_space<vmem>>
      %dma_start3A_217 = arith.constant 0 : i32
      %dma_start3A_218 = tpu.memref_slice %arg4[%squeeze3A_203, %dma_start3A_217] : memref<1000000x64xf32, #tpu.memory_space<hbm>> -> memref<1x64xf32, #tpu.memory_space<hbm>>
      %dma_start3A_219 = tpu.memref_squeeze %dma_start3A_218 : memref<1x64xf32, #tpu.memory_space<hbm>> -> memref<64xf32, #tpu.memory_space<hbm>>
      tpu.enqueue_dma source(%dma_start3A_219 : memref<64xf32, #tpu.memory_space<hbm>>) target(%dma_start3A_216 : memref<64xf32, #tpu.memory_space<vmem>>) target_semaphore(%arg14 : memref<!tpu.dma_semaphore, #tpu.memory_space<semaphore_mem>>)
      %slice3A_220 = vector.extract_strided_slice %get3A_131 {offsets = [5], sizes = [1], strides = [1]} : vector<16xi32> to vector<1xi32>
      %squeeze3A_221 = vector.extract %slice3A_220[0] : i32 from vector<1xi32>
      %mul3A_222 = arith.constant 16 : i32
      %mul3A_223 = arith.muli %scan3A_125, %mul3A_222 : i32
      %add3A_224 = arith.constant 5 : i32
      %add3A_225 = arith.addi %mul3A_223, %add3A_224 : i32
      %dma_start3A_226 = arith.constant 0 : i32
      %dma_start3A_227 = tpu.memref_slice %arg9[%add3A_225, %dma_start3A_226] : memref<128x64xf32, #tpu.memory_space<vmem>> -> memref<1x64xf32, #tpu.memory_space<vmem>>
      %dma_start3A_228 = tpu.memref_squeeze %dma_start3A_227 : memref<1x64xf32, #tpu.memory_space<vmem>> -> memref<64xf32, #tpu.memory_space<vmem>>
      %dma_start3A_229 = arith.constant 0 : i32
      %dma_start3A_230 = tpu.memref_slice %arg4[%squeeze3A_221, %dma_start3A_229] : memref<1000000x64xf32, #tpu.memory_space<hbm>> -> memref<1x64xf32, #tpu.memory_space<hbm>>
      %dma_start3A_231 = tpu.memref_squeeze %dma_start3A_230 : memref<1x64xf32, #tpu.memory_space<hbm>> -> memref<64xf32, #tpu.memory_space<hbm>>
      %dma_start3A_232 = arith.constant 0 : i32
      %dma_start3A_233 = tpu.memref_slice %arg9[%add3A_225, %dma_start3A_232] : memref<128x64xf32, #tpu.memory_space<vmem>> -> memref<1x64xf32, #tpu.memory_space<vmem>>
      %dma_start3A_234 = tpu.memref_squeeze %dma_start3A_233 : memref<1x64xf32, #tpu.memory_space<vmem>> -> memref<64xf32, #tpu.memory_space<vmem>>
      %dma_start3A_235 = arith.constant 0 : i32
      %dma_start3A_236 = tpu.memref_slice %arg4[%squeeze3A_221, %dma_start3A_235] : memref<1000000x64xf32, #tpu.memory_space<hbm>> -> memref<1x64xf32, #tpu.memory_space<hbm>>
      %dma_start3A_237 = tpu.memref_squeeze %dma_start3A_236 : memref<1x64xf32, #tpu.memory_space<hbm>> -> memref<64xf32, #tpu.memory_space<hbm>>
      tpu.enqueue_dma source(%dma_start3A_237 : memref<64xf32, #tpu.memory_space<hbm>>) target(%dma_start3A_234 : memref<64xf32, #tpu.memory_space<vmem>>) target_semaphore(%arg14 : memref<!tpu.dma_semaphore, #tpu.memory_space<semaphore_mem>>)
      %slice3A_238 = vector.extract_strided_slice %get3A_131 {offsets = [6], sizes = [1], strides = [1]} : vector<16xi32> to vector<1xi32>
      %squeeze3A_239 = vector.extract %slice3A_238[0] : i32 from vector<1xi32>
      %mul3A_240 = arith.constant 16 : i32
      %mul3A_241 = arith.muli %scan3A_125, %mul3A_240 : i32
      %add3A_242 = arith.constant 6 : i32
      %add3A_243 = arith.addi %mul3A_241, %add3A_242 : i32
      %dma_start3A_244 = arith.constant 0 : i32
      %dma_start3A_245 = tpu.memref_slice %arg9[%add3A_243, %dma_start3A_244] : memref<128x64xf32, #tpu.memory_space<vmem>> -> memref<1x64xf32, #tpu.memory_space<vmem>>
      %dma_start3A_246 = tpu.memref_squeeze %dma_start3A_245 : memref<1x64xf32, #tpu.memory_space<vmem>> -> memref<64xf32, #tpu.memory_space<vmem>>
      %dma_start3A_247 = arith.constant 0 : i32
      %dma_start3A_248 = tpu.memref_slice %arg4[%squeeze3A_239, %dma_start3A_247] : memref<1000000x64xf32, #tpu.memory_space<hbm>> -> memref<1x64xf32, #tpu.memory_space<hbm>>
      %dma_start3A_249 = tpu.memref_squeeze %dma_start3A_248 : memref<1x64xf32, #tpu.memory_space<hbm>> -> memref<64xf32, #tpu.memory_space<hbm>>
      %dma_start3A_250 = arith.constant 0 : i32
      %dma_start3A_251 = tpu.memref_slice %arg9[%add3A_243, %dma_start3A_250] : memref<128x64xf32, #tpu.memory_space<vmem>> -> memref<1x64xf32, #tpu.memory_space<vmem>>
      %dma_start3A_252 = tpu.memref_squeeze %dma_start3A_251 : memref<1x64xf32, #tpu.memory_space<vmem>> -> memref<64xf32, #tpu.memory_space<vmem>>
      %dma_start3A_253 = arith.constant 0 : i32
      %dma_start3A_254 = tpu.memref_slice %arg4[%squeeze3A_239, %dma_start3A_253] : memref<1000000x64xf32, #tpu.memory_space<hbm>> -> memref<1x64xf32, #tpu.memory_space<hbm>>
      %dma_start3A_255 = tpu.memref_squeeze %dma_start3A_254 : memref<1x64xf32, #tpu.memory_space<hbm>> -> memref<64xf32, #tpu.memory_space<hbm>>
      tpu.enqueue_dma source(%dma_start3A_255 : memref<64xf32, #tpu.memory_space<hbm>>) target(%dma_start3A_252 : memref<64xf32, #tpu.memory_space<vmem>>) target_semaphore(%arg14 : memref<!tpu.dma_semaphore, #tpu.memory_space<semaphore_mem>>)
      %slice3A_256 = vector.extract_strided_slice %get3A_131 {offsets = [7], sizes = [1], strides = [1]} : vector<16xi32> to vector<1xi32>
      %squeeze3A_257 = vector.extract %slice3A_256[0] : i32 from vector<1xi32>
      %mul3A_258 = arith.constant 16 : i32
      %mul3A_259 = arith.muli %scan3A_125, %mul3A_258 : i32
      %add3A_260 = arith.constant 7 : i32
      %add3A_261 = arith.addi %mul3A_259, %add3A_260 : i32
      %dma_start3A_262 = arith.constant 0 : i32
      %dma_start3A_263 = tpu.memref_slice %arg9[%add3A_261, %dma_start3A_262] : memref<128x64xf32, #tpu.memory_space<vmem>> -> memref<1x64xf32, #tpu.memory_space<vmem>>
      %dma_start3A_264 = tpu.memref_squeeze %dma_start3A_263 : memref<1x64xf32, #tpu.memory_space<vmem>> -> memref<64xf32, #tpu.memory_space<vmem>>
      %dma_start3A_265 = arith.constant 0 : i32
      %dma_start3A_266 = tpu.memref_slice %arg4[%squeeze3A_257, %dma_start3A_265] : memref<1000000x64xf32, #tpu.memory_space<hbm>> -> memref<1x64xf32, #tpu.memory_space<hbm>>
      %dma_start3A_267 = tpu.memref_squeeze %dma_start3A_266 : memref<1x64xf32, #tpu.memory_space<hbm>> -> memref<64xf32, #tpu.memory_space<hbm>>
      %dma_start3A_268 = arith.constant 0 : i32
      %dma_start3A_269 = tpu.memref_slice %arg9[%add3A_261, %dma_start3A_268] : memref<128x64xf32, #tpu.memory_space<vmem>> -> memref<1x64xf32, #tpu.memory_space<vmem>>
      %dma_start3A_270 = tpu.memref_squeeze %dma_start3A_269 : memref<1x64xf32, #tpu.memory_space<vmem>> -> memref<64xf32, #tpu.memory_space<vmem>>
      %dma_start3A_271 = arith.constant 0 : i32
      %dma_start3A_272 = tpu.memref_slice %arg4[%squeeze3A_257, %dma_start3A_271] : memref<1000000x64xf32, #tpu.memory_space<hbm>> -> memref<1x64xf32, #tpu.memory_space<hbm>>
      %dma_start3A_273 = tpu.memref_squeeze %dma_start3A_272 : memref<1x64xf32, #tpu.memory_space<hbm>> -> memref<64xf32, #tpu.memory_space<hbm>>
      tpu.enqueue_dma source(%dma_start3A_273 : memref<64xf32, #tpu.memory_space<hbm>>) target(%dma_start3A_270 : memref<64xf32, #tpu.memory_space<vmem>>) target_semaphore(%arg14 : memref<!tpu.dma_semaphore, #tpu.memory_space<semaphore_mem>>)
      %slice3A_274 = vector.extract_strided_slice %get3A_131 {offsets = [8], sizes = [1], strides = [1]} : vector<16xi32> to vector<1xi32>
      %squeeze3A_275 = vector.extract %slice3A_274[0] : i32 from vector<1xi32>
      %mul3A_276 = arith.constant 16 : i32
      %mul3A_277 = arith.muli %scan3A_125, %mul3A_276 : i32
      %add3A_278 = arith.constant 8 : i32
      %add3A_279 = arith.addi %mul3A_277, %add3A_278 : i32
      %dma_start3A_280 = arith.constant 0 : i32
      %dma_start3A_281 = tpu.memref_slice %arg9[%add3A_279, %dma_start3A_280] : memref<128x64xf32, #tpu.memory_space<vmem>> -> memref<1x64xf32, #tpu.memory_space<vmem>>
      %dma_start3A_282 = tpu.memref_squeeze %dma_start3A_281 : memref<1x64xf32, #tpu.memory_space<vmem>> -> memref<64xf32, #tpu.memory_space<vmem>>
      %dma_start3A_283 = arith.constant 0 : i32
      %dma_start3A_284 = tpu.memref_slice %arg4[%squeeze3A_275, %dma_start3A_283] : memref<1000000x64xf32, #tpu.memory_space<hbm>> -> memref<1x64xf32, #tpu.memory_space<hbm>>
      %dma_start3A_285 = tpu.memref_squeeze %dma_start3A_284 : memref<1x64xf32, #tpu.memory_space<hbm>> -> memref<64xf32, #tpu.memory_space<hbm>>
      %dma_start3A_286 = arith.constant 0 : i32
      %dma_start3A_287 = tpu.memref_slice %arg9[%add3A_279, %dma_start3A_286] : memref<128x64xf32, #tpu.memory_space<vmem>> -> memref<1x64xf32, #tpu.memory_space<vmem>>
      %dma_start3A_288 = tpu.memref_squeeze %dma_start3A_287 : memref<1x64xf32, #tpu.memory_space<vmem>> -> memref<64xf32, #tpu.memory_space<vmem>>
      %dma_start3A_289 = arith.constant 0 : i32
      %dma_start3A_290 = tpu.memref_slice %arg4[%squeeze3A_275, %dma_start3A_289] : memref<1000000x64xf32, #tpu.memory_space<hbm>> -> memref<1x64xf32, #tpu.memory_space<hbm>>
      %dma_start3A_291 = tpu.memref_squeeze %dma_start3A_290 : memref<1x64xf32, #tpu.memory_space<hbm>> -> memref<64xf32, #tpu.memory_space<hbm>>
      tpu.enqueue_dma source(%dma_start3A_291 : memref<64xf32, #tpu.memory_space<hbm>>) target(%dma_start3A_288 : memref<64xf32, #tpu.memory_space<vmem>>) target_semaphore(%arg14 : memref<!tpu.dma_semaphore, #tpu.memory_space<semaphore_mem>>)
      %slice3A_292 = vector.extract_strided_slice %get3A_131 {offsets = [9], sizes = [1], strides = [1]} : vector<16xi32> to vector<1xi32>
      %squeeze3A_293 = vector.extract %slice3A_292[0] : i32 from vector<1xi32>
      %mul3A_294 = arith.constant 16 : i32
      %mul3A_295 = arith.muli %scan3A_125, %mul3A_294 : i32
      %add3A_296 = arith.constant 9 : i32
      %add3A_297 = arith.addi %mul3A_295, %add3A_296 : i32
      %dma_start3A_298 = arith.constant 0 : i32
      %dma_start3A_299 = tpu.memref_slice %arg9[%add3A_297, %dma_start3A_298] : memref<128x64xf32, #tpu.memory_space<vmem>> -> memref<1x64xf32, #tpu.memory_space<vmem>>
      %dma_start3A_300 = tpu.memref_squeeze %dma_start3A_299 : memref<1x64xf32, #tpu.memory_space<vmem>> -> memref<64xf32, #tpu.memory_space<vmem>>
      %dma_start3A_301 = arith.constant 0 : i32
      %dma_start3A_302 = tpu.memref_slice %arg4[%squeeze3A_293, %dma_start3A_301] : memref<1000000x64xf32, #tpu.memory_space<hbm>> -> memref<1x64xf32, #tpu.memory_space<hbm>>
      %dma_start3A_303 = tpu.memref_squeeze %dma_start3A_302 : memref<1x64xf32, #tpu.memory_space<hbm>> -> memref<64xf32, #tpu.memory_space<hbm>>
      %dma_start3A_304 = arith.constant 0 : i32
      %dma_start3A_305 = tpu.memref_slice %arg9[%add3A_297, %dma_start3A_304] : memref<128x64xf32, #tpu.memory_space<vmem>> -> memref<1x64xf32, #tpu.memory_space<vmem>>
      %dma_start3A_306 = tpu.memref_squeeze %dma_start3A_305 : memref<1x64xf32, #tpu.memory_space<vmem>> -> memref<64xf32, #tpu.memory_space<vmem>>
      %dma_start3A_307 = arith.constant 0 : i32
      %dma_start3A_308 = tpu.memref_slice %arg4[%squeeze3A_293, %dma_start3A_307] : memref<1000000x64xf32, #tpu.memory_space<hbm>> -> memref<1x64xf32, #tpu.memory_space<hbm>>
      %dma_start3A_309 = tpu.memref_squeeze %dma_start3A_308 : memref<1x64xf32, #tpu.memory_space<hbm>> -> memref<64xf32, #tpu.memory_space<hbm>>
      tpu.enqueue_dma source(%dma_start3A_309 : memref<64xf32, #tpu.memory_space<hbm>>) target(%dma_start3A_306 : memref<64xf32, #tpu.memory_space<vmem>>) target_semaphore(%arg14 : memref<!tpu.dma_semaphore, #tpu.memory_space<semaphore_mem>>)
      %slice3A_310 = vector.extract_strided_slice %get3A_131 {offsets = [10], sizes = [1], strides = [1]} : vector<16xi32> to vector<1xi32>
      %squeeze3A_311 = vector.extract %slice3A_310[0] : i32 from vector<1xi32>
      %mul3A_312 = arith.constant 16 : i32
      %mul3A_313 = arith.muli %scan3A_125, %mul3A_312 : i32
      %add3A_314 = arith.constant 10 : i32
      %add3A_315 = arith.addi %mul3A_313, %add3A_314 : i32
      %dma_start3A_316 = arith.constant 0 : i32
      %dma_start3A_317 = tpu.memref_slice %arg9[%add3A_315, %dma_start3A_316] : memref<128x64xf32, #tpu.memory_space<vmem>> -> memref<1x64xf32, #tpu.memory_space<vmem>>
      %dma_start3A_318 = tpu.memref_squeeze %dma_start3A_317 : memref<1x64xf32, #tpu.memory_space<vmem>> -> memref<64xf32, #tpu.memory_space<vmem>>
      %dma_start3A_319 = arith.constant 0 : i32
      %dma_start3A_320 = tpu.memref_slice %arg4[%squeeze3A_311, %dma_start3A_319] : memref<1000000x64xf32, #tpu.memory_space<hbm>> -> memref<1x64xf32, #tpu.memory_space<hbm>>
      %dma_start3A_321 = tpu.memref_squeeze %dma_start3A_320 : memref<1x64xf32, #tpu.memory_space<hbm>> -> memref<64xf32, #tpu.memory_space<hbm>>
      %dma_start3A_322 = arith.constant 0 : i32
      %dma_start3A_323 = tpu.memref_slice %arg9[%add3A_315, %dma_start3A_322] : memref<128x64xf32, #tpu.memory_space<vmem>> -> memref<1x64xf32, #tpu.memory_space<vmem>>
      %dma_start3A_324 = tpu.memref_squeeze %dma_start3A_323 : memref<1x64xf32, #tpu.memory_space<vmem>> -> memref<64xf32, #tpu.memory_space<vmem>>
      %dma_start3A_325 = arith.constant 0 : i32
      %dma_start3A_326 = tpu.memref_slice %arg4[%squeeze3A_311, %dma_start3A_325] : memref<1000000x64xf32, #tpu.memory_space<hbm>> -> memref<1x64xf32, #tpu.memory_space<hbm>>
      %dma_start3A_327 = tpu.memref_squeeze %dma_start3A_326 : memref<1x64xf32, #tpu.memory_space<hbm>> -> memref<64xf32, #tpu.memory_space<hbm>>
      tpu.enqueue_dma source(%dma_start3A_327 : memref<64xf32, #tpu.memory_space<hbm>>) target(%dma_start3A_324 : memref<64xf32, #tpu.memory_space<vmem>>) target_semaphore(%arg14 : memref<!tpu.dma_semaphore, #tpu.memory_space<semaphore_mem>>)
      %slice3A_328 = vector.extract_strided_slice %get3A_131 {offsets = [11], sizes = [1], strides = [1]} : vector<16xi32> to vector<1xi32>
      %squeeze3A_329 = vector.extract %slice3A_328[0] : i32 from vector<1xi32>
      %mul3A_330 = arith.constant 16 : i32
      %mul3A_331 = arith.muli %scan3A_125, %mul3A_330 : i32
      %add3A_332 = arith.constant 11 : i32
      %add3A_333 = arith.addi %mul3A_331, %add3A_332 : i32
      %dma_start3A_334 = arith.constant 0 : i32
      %dma_start3A_335 = tpu.memref_slice %arg9[%add3A_333, %dma_start3A_334] : memref<128x64xf32, #tpu.memory_space<vmem>> -> memref<1x64xf32, #tpu.memory_space<vmem>>
      %dma_start3A_336 = tpu.memref_squeeze %dma_start3A_335 : memref<1x64xf32, #tpu.memory_space<vmem>> -> memref<64xf32, #tpu.memory_space<vmem>>
      %dma_start3A_337 = arith.constant 0 : i32
      %dma_start3A_338 = tpu.memref_slice %arg4[%squeeze3A_329, %dma_start3A_337] : memref<1000000x64xf32, #tpu.memory_space<hbm>> -> memref<1x64xf32, #tpu.memory_space<hbm>>
      %dma_start3A_339 = tpu.memref_squeeze %dma_start3A_338 : memref<1x64xf32, #tpu.memory_space<hbm>> -> memref<64xf32, #tpu.memory_space<hbm>>
      %dma_start3A_340 = arith.constant 0 : i32
      %dma_start3A_341 = tpu.memref_slice %arg9[%add3A_333, %dma_start3A_340] : memref<128x64xf32, #tpu.memory_space<vmem>> -> memref<1x64xf32, #tpu.memory_space<vmem>>
      %dma_start3A_342 = tpu.memref_squeeze %dma_start3A_341 : memref<1x64xf32, #tpu.memory_space<vmem>> -> memref<64xf32, #tpu.memory_space<vmem>>
      %dma_start3A_343 = arith.constant 0 : i32
      %dma_start3A_344 = tpu.memref_slice %arg4[%squeeze3A_329, %dma_start3A_343] : memref<1000000x64xf32, #tpu.memory_space<hbm>> -> memref<1x64xf32, #tpu.memory_space<hbm>>
      %dma_start3A_345 = tpu.memref_squeeze %dma_start3A_344 : memref<1x64xf32, #tpu.memory_space<hbm>> -> memref<64xf32, #tpu.memory_space<hbm>>
      tpu.enqueue_dma source(%dma_start3A_345 : memref<64xf32, #tpu.memory_space<hbm>>) target(%dma_start3A_342 : memref<64xf32, #tpu.memory_space<vmem>>) target_semaphore(%arg14 : memref<!tpu.dma_semaphore, #tpu.memory_space<semaphore_mem>>)
      %slice3A_346 = vector.extract_strided_slice %get3A_131 {offsets = [12], sizes = [1], strides = [1]} : vector<16xi32> to vector<1xi32>
      %squeeze3A_347 = vector.extract %slice3A_346[0] : i32 from vector<1xi32>
      %mul3A_348 = arith.constant 16 : i32
      %mul3A_349 = arith.muli %scan3A_125, %mul3A_348 : i32
      %add3A_350 = arith.constant 12 : i32
      %add3A_351 = arith.addi %mul3A_349, %add3A_350 : i32
      %dma_start3A_352 = arith.constant 0 : i32
      %dma_start3A_353 = tpu.memref_slice %arg9[%add3A_351, %dma_start3A_352] : memref<128x64xf32, #tpu.memory_space<vmem>> -> memref<1x64xf32, #tpu.memory_space<vmem>>
      %dma_start3A_354 = tpu.memref_squeeze %dma_start3A_353 : memref<1x64xf32, #tpu.memory_space<vmem>> -> memref<64xf32, #tpu.memory_space<vmem>>
      %dma_start3A_355 = arith.constant 0 : i32
      %dma_start3A_356 = tpu.memref_slice %arg4[%squeeze3A_347, %dma_start3A_355] : memref<1000000x64xf32, #tpu.memory_space<hbm>> -> memref<1x64xf32, #tpu.memory_space<hbm>>
      %dma_start3A_357 = tpu.memref_squeeze %dma_start3A_356 : memref<1x64xf32, #tpu.memory_space<hbm>> -> memref<64xf32, #tpu.memory_space<hbm>>
      %dma_start3A_358 = arith.constant 0 : i32
      %dma_start3A_359 = tpu.memref_slice %arg9[%add3A_351, %dma_start3A_358] : memref<128x64xf32, #tpu.memory_space<vmem>> -> memref<1x64xf32, #tpu.memory_space<vmem>>
      %dma_start3A_360 = tpu.memref_squeeze %dma_start3A_359 : memref<1x64xf32, #tpu.memory_space<vmem>> -> memref<64xf32, #tpu.memory_space<vmem>>
      %dma_start3A_361 = arith.constant 0 : i32
      %dma_start3A_362 = tpu.memref_slice %arg4[%squeeze3A_347, %dma_start3A_361] : memref<1000000x64xf32, #tpu.memory_space<hbm>> -> memref<1x64xf32, #tpu.memory_space<hbm>>
      %dma_start3A_363 = tpu.memref_squeeze %dma_start3A_362 : memref<1x64xf32, #tpu.memory_space<hbm>> -> memref<64xf32, #tpu.memory_space<hbm>>
      tpu.enqueue_dma source(%dma_start3A_363 : memref<64xf32, #tpu.memory_space<hbm>>) target(%dma_start3A_360 : memref<64xf32, #tpu.memory_space<vmem>>) target_semaphore(%arg14 : memref<!tpu.dma_semaphore, #tpu.memory_space<semaphore_mem>>)
      %slice3A_364 = vector.extract_strided_slice %get3A_131 {offsets = [13], sizes = [1], strides = [1]} : vector<16xi32> to vector<1xi32>
      %squeeze3A_365 = vector.extract %slice3A_364[0] : i32 from vector<1xi32>
      %mul3A_366 = arith.constant 16 : i32
      %mul3A_367 = arith.muli %scan3A_125, %mul3A_366 : i32
      %add3A_368 = arith.constant 13 : i32
      %add3A_369 = arith.addi %mul3A_367, %add3A_368 : i32
      %dma_start3A_370 = arith.constant 0 : i32
      %dma_start3A_371 = tpu.memref_slice %arg9[%add3A_369, %dma_start3A_370] : memref<128x64xf32, #tpu.memory_space<vmem>> -> memref<1x64xf32, #tpu.memory_space<vmem>>
      %dma_start3A_372 = tpu.memref_squeeze %dma_start3A_371 : memref<1x64xf32, #tpu.memory_space<vmem>> -> memref<64xf32, #tpu.memory_space<vmem>>
      %dma_start3A_373 = arith.constant 0 : i32
      %dma_start3A_374 = tpu.memref_slice %arg4[%squeeze3A_365, %dma_start3A_373] : memref<1000000x64xf32, #tpu.memory_space<hbm>> -> memref<1x64xf32, #tpu.memory_space<hbm>>
      %dma_start3A_375 = tpu.memref_squeeze %dma_start3A_374 : memref<1x64xf32, #tpu.memory_space<hbm>> -> memref<64xf32, #tpu.memory_space<hbm>>
      %dma_start3A_376 = arith.constant 0 : i32
      %dma_start3A_377 = tpu.memref_slice %arg9[%add3A_369, %dma_start3A_376] : memref<128x64xf32, #tpu.memory_space<vmem>> -> memref<1x64xf32, #tpu.memory_space<vmem>>
      %dma_start3A_378 = tpu.memref_squeeze %dma_start3A_377 : memref<1x64xf32, #tpu.memory_space<vmem>> -> memref<64xf32, #tpu.memory_space<vmem>>
      %dma_start3A_379 = arith.constant 0 : i32
      %dma_start3A_380 = tpu.memref_slice %arg4[%squeeze3A_365, %dma_start3A_379] : memref<1000000x64xf32, #tpu.memory_space<hbm>> -> memref<1x64xf32, #tpu.memory_space<hbm>>
      %dma_start3A_381 = tpu.memref_squeeze %dma_start3A_380 : memref<1x64xf32, #tpu.memory_space<hbm>> -> memref<64xf32, #tpu.memory_space<hbm>>
      tpu.enqueue_dma source(%dma_start3A_381 : memref<64xf32, #tpu.memory_space<hbm>>) target(%dma_start3A_378 : memref<64xf32, #tpu.memory_space<vmem>>) target_semaphore(%arg14 : memref<!tpu.dma_semaphore, #tpu.memory_space<semaphore_mem>>)
      %slice3A_382 = vector.extract_strided_slice %get3A_131 {offsets = [14], sizes = [1], strides = [1]} : vector<16xi32> to vector<1xi32>
      %squeeze3A_383 = vector.extract %slice3A_382[0] : i32 from vector<1xi32>
      %mul3A_384 = arith.constant 16 : i32
      %mul3A_385 = arith.muli %scan3A_125, %mul3A_384 : i32
      %add3A_386 = arith.constant 14 : i32
      %add3A_387 = arith.addi %mul3A_385, %add3A_386 : i32
      %dma_start3A_388 = arith.constant 0 : i32
      %dma_start3A_389 = tpu.memref_slice %arg9[%add3A_387, %dma_start3A_388] : memref<128x64xf32, #tpu.memory_space<vmem>> -> memref<1x64xf32, #tpu.memory_space<vmem>>
      %dma_start3A_390 = tpu.memref_squeeze %dma_start3A_389 : memref<1x64xf32, #tpu.memory_space<vmem>> -> memref<64xf32, #tpu.memory_space<vmem>>
      %dma_start3A_391 = arith.constant 0 : i32
      %dma_start3A_392 = tpu.memref_slice %arg4[%squeeze3A_383, %dma_start3A_391] : memref<1000000x64xf32, #tpu.memory_space<hbm>> -> memref<1x64xf32, #tpu.memory_space<hbm>>
      %dma_start3A_393 = tpu.memref_squeeze %dma_start3A_392 : memref<1x64xf32, #tpu.memory_space<hbm>> -> memref<64xf32, #tpu.memory_space<hbm>>
      %dma_start3A_394 = arith.constant 0 : i32
      %dma_start3A_395 = tpu.memref_slice %arg9[%add3A_387, %dma_start3A_394] : memref<128x64xf32, #tpu.memory_space<vmem>> -> memref<1x64xf32, #tpu.memory_space<vmem>>
      %dma_start3A_396 = tpu.memref_squeeze %dma_start3A_395 : memref<1x64xf32, #tpu.memory_space<vmem>> -> memref<64xf32, #tpu.memory_space<vmem>>
      %dma_start3A_397 = arith.constant 0 : i32
      %dma_start3A_398 = tpu.memref_slice %arg4[%squeeze3A_383, %dma_start3A_397] : memref<1000000x64xf32, #tpu.memory_space<hbm>> -> memref<1x64xf32, #tpu.memory_space<hbm>>
      %dma_start3A_399 = tpu.memref_squeeze %dma_start3A_398 : memref<1x64xf32, #tpu.memory_space<hbm>> -> memref<64xf32, #tpu.memory_space<hbm>>
      tpu.enqueue_dma source(%dma_start3A_399 : memref<64xf32, #tpu.memory_space<hbm>>) target(%dma_start3A_396 : memref<64xf32, #tpu.memory_space<vmem>>) target_semaphore(%arg14 : memref<!tpu.dma_semaphore, #tpu.memory_space<semaphore_mem>>)
      %slice3A_400 = vector.extract_strided_slice %get3A_131 {offsets = [15], sizes = [1], strides = [1]} : vector<16xi32> to vector<1xi32>
      %squeeze3A_401 = vector.extract %slice3A_400[0] : i32 from vector<1xi32>
      %mul3A_402 = arith.constant 16 : i32
      %mul3A_403 = arith.muli %scan3A_125, %mul3A_402 : i32
      %add3A_404 = arith.constant 15 : i32
      %add3A_405 = arith.addi %mul3A_403, %add3A_404 : i32
      %dma_start3A_406 = arith.constant 0 : i32
      %dma_start3A_407 = tpu.memref_slice %arg9[%add3A_405, %dma_start3A_406] : memref<128x64xf32, #tpu.memory_space<vmem>> -> memref<1x64xf32, #tpu.memory_space<vmem>>
      %dma_start3A_408 = tpu.memref_squeeze %dma_start3A_407 : memref<1x64xf32, #tpu.memory_space<vmem>> -> memref<64xf32, #tpu.memory_space<vmem>>
      %dma_start3A_409 = arith.constant 0 : i32
      %dma_start3A_410 = tpu.memref_slice %arg4[%squeeze3A_401, %dma_start3A_409] : memref<1000000x64xf32, #tpu.memory_space<hbm>> -> memref<1x64xf32, #tpu.memory_space<hbm>>
      %dma_start3A_411 = tpu.memref_squeeze %dma_start3A_410 : memref<1x64xf32, #tpu.memory_space<hbm>> -> memref<64xf32, #tpu.memory_space<hbm>>
      %dma_start3A_412 = arith.constant 0 : i32
      %dma_start3A_413 = tpu.memref_slice %arg9[%add3A_405, %dma_start3A_412] : memref<128x64xf32, #tpu.memory_space<vmem>> -> memref<1x64xf32, #tpu.memory_space<vmem>>
      %dma_start3A_414 = tpu.memref_squeeze %dma_start3A_413 : memref<1x64xf32, #tpu.memory_space<vmem>> -> memref<64xf32, #tpu.memory_space<vmem>>
      %dma_start3A_415 = arith.constant 0 : i32
      %dma_start3A_416 = tpu.memref_slice %arg4[%squeeze3A_401, %dma_start3A_415] : memref<1000000x64xf32, #tpu.memory_space<hbm>> -> memref<1x64xf32, #tpu.memory_space<hbm>>
      %dma_start3A_417 = tpu.memref_squeeze %dma_start3A_416 : memref<1x64xf32, #tpu.memory_space<hbm>> -> memref<64xf32, #tpu.memory_space<hbm>>
      tpu.enqueue_dma source(%dma_start3A_417 : memref<64xf32, #tpu.memory_space<hbm>>) target(%dma_start3A_414 : memref<64xf32, #tpu.memory_space<vmem>>) target_semaphore(%arg14 : memref<!tpu.dma_semaphore, #tpu.memory_space<semaphore_mem>>)
    }
    %scan3A_12 = arith.constant 8 : i32
    %broadcast_in_dim3A = arith.constant 0.000000e+00 : f32
    %broadcast_in_dim3A_13 = vector.broadcast %broadcast_in_dim3A : f32 to vector<16xf32>
    %broadcast_in_dim3A_14 = arith.constant 0.000000e+00 : f32
    %broadcast_in_dim3A_15 = vector.broadcast %broadcast_in_dim3A_14 : f32 to vector<16xf32>
    %broadcast_in_dim3A_16 = arith.constant 0.000000e+00 : f32
    %broadcast_in_dim3A_17 = vector.broadcast %broadcast_in_dim3A_16 : f32 to vector<16xf32>
    %broadcast_in_dim3A_18 = arith.constant 0.000000e+00 : f32
    %broadcast_in_dim3A_19 = vector.broadcast %broadcast_in_dim3A_18 : f32 to vector<16xf32>
    %add3A_20 = arith.constant 128 : i32
    %add3A_21 = arith.addi %mul3A_2, %add3A_20 : i32
    %dma_start3A_22 = arith.constant 0 : i32
    %dma_start3A_23 = tpu.memref_slice %arg3[%add3A_21, %dma_start3A_22] : memref<16384x64xf32, #tpu.memory_space<hbm>> -> memref<128x64xf32, #tpu.memory_space<hbm>>
    %dma_start3A_24 = arith.constant 0 : i32
    %dma_start3A_25 = tpu.memref_slice %arg3[%add3A_21, %dma_start3A_24] : memref<16384x64xf32, #tpu.memory_space<hbm>> -> memref<128x64xf32, #tpu.memory_space<hbm>>
    tpu.enqueue_dma source(%dma_start3A_25 : memref<128x64xf32, #tpu.memory_space<hbm>>) target(%arg8 : memref<128x64xf32, #tpu.memory_space<vmem>>) target_semaphore(%arg13 : memref<!tpu.dma_semaphore, #tpu.memory_space<semaphore_mem>>)
    %scan3A_26 = arith.constant 0 : i32
    %scan3A_27 = arith.constant 0 : i32
    %scan3A_28 = arith.constant 8 : i32
    %scan3A_29 = arith.addi %scan3A_27, %scan3A_28 : i32
    %scan3A_30 = arith.constant 1 : i32
    scf.for %scan3A_125 = %scan3A_27 to %scan3A_29 step %scan3A_30  : i32 {
      %mul3A_126 = arith.constant 16 : i32
      %mul3A_127 = arith.muli %scan3A_125, %mul3A_126 : i32
      %add3A_128 = arith.constant 128 : i32
      %add3A_129 = arith.addi %add3A_128, %mul3A_127 : i32
      %get3A = arith.index_cast %add3A_129 : i32 to index
      %get3A_130 = tpu.vector_load %arg6[%get3A] {strides = array<i32>} : memref<512xi32, #tpu.memory_space<vmem>>, vector<16xi32>,
      %get3A_131 = vector.shape_cast %get3A_130 : vector<16xi32> to vector<16xi32>
      %slice3A = vector.extract_strided_slice %get3A_131 {offsets = [0], sizes = [1], strides = [1]} : vector<16xi32> to vector<1xi32>
      %squeeze3A = vector.extract %slice3A[0] : i32 from vector<1xi32>
      %mul3A_132 = arith.constant 16 : i32
      %mul3A_133 = arith.muli %scan3A_125, %mul3A_132 : i32
      %add3A_134 = arith.constant 0 : i32
      %add3A_135 = arith.addi %mul3A_133, %add3A_134 : i32
      %dma_start3A_136 = arith.constant 0 : i32
      %dma_start3A_137 = tpu.memref_slice %arg10[%add3A_135, %dma_start3A_136] : memref<128x64xf32, #tpu.memory_space<vmem>> -> memref<1x64xf32, #tpu.memory_space<vmem>>
      %dma_start3A_138 = tpu.memref_squeeze %dma_start3A_137 : memref<1x64xf32, #tpu.memory_space<vmem>> -> memref<64xf32, #tpu.memory_space<vmem>>
      %dma_start3A_139 = arith.constant 0 : i32
      %dma_start3A_140 = tpu.memref_slice %arg4[%squeeze3A, %dma_start3A_139] : memref<1000000x64xf32, #tpu.memory_space<hbm>> -> memref<1x64xf32, #tpu.memory_space<hbm>>
      %dma_start3A_141 = tpu.memref_squeeze %dma_start3A_140 : memref<1x64xf32, #tpu.memory_space<hbm>> -> memref<64xf32, #tpu.memory_space<hbm>>
      %dma_start3A_142 = arith.constant 0 : i32
      %dma_start3A_143 = tpu.memref_slice %arg10[%add3A_135, %dma_start3A_142] : memref<128x64xf32, #tpu.memory_space<vmem>> -> memref<1x64xf32, #tpu.memory_space<vmem>>
      %dma_start3A_144 = tpu.memref_squeeze %dma_start3A_143 : memref<1x64xf32, #tpu.memory_space<vmem>> -> memref<64xf32, #tpu.memory_space<vmem>>
      %dma_start3A_145 = arith.constant 0 : i32
      %dma_start3A_146 = tpu.memref_slice %arg4[%squeeze3A, %dma_start3A_145] : memref<1000000x64xf32, #tpu.memory_space<hbm>> -> memref<1x64xf32, #tpu.memory_space<hbm>>
      %dma_start3A_147 = tpu.memref_squeeze %dma_start3A_146 : memref<1x64xf32, #tpu.memory_space<hbm>> -> memref<64xf32, #tpu.memory_space<hbm>>
      tpu.enqueue_dma source(%dma_start3A_147 : memref<64xf32, #tpu.memory_space<hbm>>) target(%dma_start3A_144 : memref<64xf32, #tpu.memory_space<vmem>>) target_semaphore(%arg15 : memref<!tpu.dma_semaphore, #tpu.memory_space<semaphore_mem>>)
      %slice3A_148 = vector.extract_strided_slice %get3A_131 {offsets = [1], sizes = [1], strides = [1]} : vector<16xi32> to vector<1xi32>
      %squeeze3A_149 = vector.extract %slice3A_148[0] : i32 from vector<1xi32>
      %mul3A_150 = arith.constant 16 : i32
      %mul3A_151 = arith.muli %scan3A_125, %mul3A_150 : i32
      %add3A_152 = arith.constant 1 : i32
      %add3A_153 = arith.addi %mul3A_151, %add3A_152 : i32
      %dma_start3A_154 = arith.constant 0 : i32
      %dma_start3A_155 = tpu.memref_slice %arg10[%add3A_153, %dma_start3A_154] : memref<128x64xf32, #tpu.memory_space<vmem>> -> memref<1x64xf32, #tpu.memory_space<vmem>>
      %dma_start3A_156 = tpu.memref_squeeze %dma_start3A_155 : memref<1x64xf32, #tpu.memory_space<vmem>> -> memref<64xf32, #tpu.memory_space<vmem>>
      %dma_start3A_157 = arith.constant 0 : i32
      %dma_start3A_158 = tpu.memref_slice %arg4[%squeeze3A_149, %dma_start3A_157] : memref<1000000x64xf32, #tpu.memory_space<hbm>> -> memref<1x64xf32, #tpu.memory_space<hbm>>
      %dma_start3A_159 = tpu.memref_squeeze %dma_start3A_158 : memref<1x64xf32, #tpu.memory_space<hbm>> -> memref<64xf32, #tpu.memory_space<hbm>>
      %dma_start3A_160 = arith.constant 0 : i32
      %dma_start3A_161 = tpu.memref_slice %arg10[%add3A_153, %dma_start3A_160] : memref<128x64xf32, #tpu.memory_space<vmem>> -> memref<1x64xf32, #tpu.memory_space<vmem>>
      %dma_start3A_162 = tpu.memref_squeeze %dma_start3A_161 : memref<1x64xf32, #tpu.memory_space<vmem>> -> memref<64xf32, #tpu.memory_space<vmem>>
      %dma_start3A_163 = arith.constant 0 : i32
      %dma_start3A_164 = tpu.memref_slice %arg4[%squeeze3A_149, %dma_start3A_163] : memref<1000000x64xf32, #tpu.memory_space<hbm>> -> memref<1x64xf32, #tpu.memory_space<hbm>>
      %dma_start3A_165 = tpu.memref_squeeze %dma_start3A_164 : memref<1x64xf32, #tpu.memory_space<hbm>> -> memref<64xf32, #tpu.memory_space<hbm>>
      tpu.enqueue_dma source(%dma_start3A_165 : memref<64xf32, #tpu.memory_space<hbm>>) target(%dma_start3A_162 : memref<64xf32, #tpu.memory_space<vmem>>) target_semaphore(%arg15 : memref<!tpu.dma_semaphore, #tpu.memory_space<semaphore_mem>>)
      %slice3A_166 = vector.extract_strided_slice %get3A_131 {offsets = [2], sizes = [1], strides = [1]} : vector<16xi32> to vector<1xi32>
      %squeeze3A_167 = vector.extract %slice3A_166[0] : i32 from vector<1xi32>
      %mul3A_168 = arith.constant 16 : i32
      %mul3A_169 = arith.muli %scan3A_125, %mul3A_168 : i32
      %add3A_170 = arith.constant 2 : i32
      %add3A_171 = arith.addi %mul3A_169, %add3A_170 : i32
      %dma_start3A_172 = arith.constant 0 : i32
      %dma_start3A_173 = tpu.memref_slice %arg10[%add3A_171, %dma_start3A_172] : memref<128x64xf32, #tpu.memory_space<vmem>> -> memref<1x64xf32, #tpu.memory_space<vmem>>
      %dma_start3A_174 = tpu.memref_squeeze %dma_start3A_173 : memref<1x64xf32, #tpu.memory_space<vmem>> -> memref<64xf32, #tpu.memory_space<vmem>>
      %dma_start3A_175 = arith.constant 0 : i32
      %dma_start3A_176 = tpu.memref_slice %arg4[%squeeze3A_167, %dma_start3A_175] : memref<1000000x64xf32, #tpu.memory_space<hbm>> -> memref<1x64xf32, #tpu.memory_space<hbm>>
      %dma_start3A_177 = tpu.memref_squeeze %dma_start3A_176 : memref<1x64xf32, #tpu.memory_space<hbm>> -> memref<64xf32, #tpu.memory_space<hbm>>
      %dma_start3A_178 = arith.constant 0 : i32
      %dma_start3A_179 = tpu.memref_slice %arg10[%add3A_171, %dma_start3A_178] : memref<128x64xf32, #tpu.memory_space<vmem>> -> memref<1x64xf32, #tpu.memory_space<vmem>>
      %dma_start3A_180 = tpu.memref_squeeze %dma_start3A_179 : memref<1x64xf32, #tpu.memory_space<vmem>> -> memref<64xf32, #tpu.memory_space<vmem>>
      %dma_start3A_181 = arith.constant 0 : i32
      %dma_start3A_182 = tpu.memref_slice %arg4[%squeeze3A_167, %dma_start3A_181] : memref<1000000x64xf32, #tpu.memory_space<hbm>> -> memref<1x64xf32, #tpu.memory_space<hbm>>
      %dma_start3A_183 = tpu.memref_squeeze %dma_start3A_182 : memref<1x64xf32, #tpu.memory_space<hbm>> -> memref<64xf32, #tpu.memory_space<hbm>>
      tpu.enqueue_dma source(%dma_start3A_183 : memref<64xf32, #tpu.memory_space<hbm>>) target(%dma_start3A_180 : memref<64xf32, #tpu.memory_space<vmem>>) target_semaphore(%arg15 : memref<!tpu.dma_semaphore, #tpu.memory_space<semaphore_mem>>)
      %slice3A_184 = vector.extract_strided_slice %get3A_131 {offsets = [3], sizes = [1], strides = [1]} : vector<16xi32> to vector<1xi32>
      %squeeze3A_185 = vector.extract %slice3A_184[0] : i32 from vector<1xi32>
      %mul3A_186 = arith.constant 16 : i32
      %mul3A_187 = arith.muli %scan3A_125, %mul3A_186 : i32
      %add3A_188 = arith.constant 3 : i32
      %add3A_189 = arith.addi %mul3A_187, %add3A_188 : i32
      %dma_start3A_190 = arith.constant 0 : i32
      %dma_start3A_191 = tpu.memref_slice %arg10[%add3A_189, %dma_start3A_190] : memref<128x64xf32, #tpu.memory_space<vmem>> -> memref<1x64xf32, #tpu.memory_space<vmem>>
      %dma_start3A_192 = tpu.memref_squeeze %dma_start3A_191 : memref<1x64xf32, #tpu.memory_space<vmem>> -> memref<64xf32, #tpu.memory_space<vmem>>
      %dma_start3A_193 = arith.constant 0 : i32
      %dma_start3A_194 = tpu.memref_slice %arg4[%squeeze3A_185, %dma_start3A_193] : memref<1000000x64xf32, #tpu.memory_space<hbm>> -> memref<1x64xf32, #tpu.memory_space<hbm>>
      %dma_start3A_195 = tpu.memref_squeeze %dma_start3A_194 : memref<1x64xf32, #tpu.memory_space<hbm>> -> memref<64xf32, #tpu.memory_space<hbm>>
      %dma_start3A_196 = arith.constant 0 : i32
      %dma_start3A_197 = tpu.memref_slice %arg10[%add3A_189, %dma_start3A_196] : memref<128x64xf32, #tpu.memory_space<vmem>> -> memref<1x64xf32, #tpu.memory_space<vmem>>
      %dma_start3A_198 = tpu.memref_squeeze %dma_start3A_197 : memref<1x64xf32, #tpu.memory_space<vmem>> -> memref<64xf32, #tpu.memory_space<vmem>>
      %dma_start3A_199 = arith.constant 0 : i32
      %dma_start3A_200 = tpu.memref_slice %arg4[%squeeze3A_185, %dma_start3A_199] : memref<1000000x64xf32, #tpu.memory_space<hbm>> -> memref<1x64xf32, #tpu.memory_space<hbm>>
      %dma_start3A_201 = tpu.memref_squeeze %dma_start3A_200 : memref<1x64xf32, #tpu.memory_space<hbm>> -> memref<64xf32, #tpu.memory_space<hbm>>
      tpu.enqueue_dma source(%dma_start3A_201 : memref<64xf32, #tpu.memory_space<hbm>>) target(%dma_start3A_198 : memref<64xf32, #tpu.memory_space<vmem>>) target_semaphore(%arg15 : memref<!tpu.dma_semaphore, #tpu.memory_space<semaphore_mem>>)
      %slice3A_202 = vector.extract_strided_slice %get3A_131 {offsets = [4], sizes = [1], strides = [1]} : vector<16xi32> to vector<1xi32>
      %squeeze3A_203 = vector.extract %slice3A_202[0] : i32 from vector<1xi32>
      %mul3A_204 = arith.constant 16 : i32
      %mul3A_205 = arith.muli %scan3A_125, %mul3A_204 : i32
      %add3A_206 = arith.constant 4 : i32
      %add3A_207 = arith.addi %mul3A_205, %add3A_206 : i32
      %dma_start3A_208 = arith.constant 0 : i32
      %dma_start3A_209 = tpu.memref_slice %arg10[%add3A_207, %dma_start3A_208] : memref<128x64xf32, #tpu.memory_space<vmem>> -> memref<1x64xf32, #tpu.memory_space<vmem>>
      %dma_start3A_210 = tpu.memref_squeeze %dma_start3A_209 : memref<1x64xf32, #tpu.memory_space<vmem>> -> memref<64xf32, #tpu.memory_space<vmem>>
      %dma_start3A_211 = arith.constant 0 : i32
      %dma_start3A_212 = tpu.memref_slice %arg4[%squeeze3A_203, %dma_start3A_211] : memref<1000000x64xf32, #tpu.memory_space<hbm>> -> memref<1x64xf32, #tpu.memory_space<hbm>>
      %dma_start3A_213 = tpu.memref_squeeze %dma_start3A_212 : memref<1x64xf32, #tpu.memory_space<hbm>> -> memref<64xf32, #tpu.memory_space<hbm>>
      %dma_start3A_214 = arith.constant 0 : i32
      %dma_start3A_215 = tpu.memref_slice %arg10[%add3A_207, %dma_start3A_214] : memref<128x64xf32, #tpu.memory_space<vmem>> -> memref<1x64xf32, #tpu.memory_space<vmem>>
      %dma_start3A_216 = tpu.memref_squeeze %dma_start3A_215 : memref<1x64xf32, #tpu.memory_space<vmem>> -> memref<64xf32, #tpu.memory_space<vmem>>
      %dma_start3A_217 = arith.constant 0 : i32
      %dma_start3A_218 = tpu.memref_slice %arg4[%squeeze3A_203, %dma_start3A_217] : memref<1000000x64xf32, #tpu.memory_space<hbm>> -> memref<1x64xf32, #tpu.memory_space<hbm>>
      %dma_start3A_219 = tpu.memref_squeeze %dma_start3A_218 : memref<1x64xf32, #tpu.memory_space<hbm>> -> memref<64xf32, #tpu.memory_space<hbm>>
      tpu.enqueue_dma source(%dma_start3A_219 : memref<64xf32, #tpu.memory_space<hbm>>) target(%dma_start3A_216 : memref<64xf32, #tpu.memory_space<vmem>>) target_semaphore(%arg15 : memref<!tpu.dma_semaphore, #tpu.memory_space<semaphore_mem>>)
      %slice3A_220 = vector.extract_strided_slice %get3A_131 {offsets = [5], sizes = [1], strides = [1]} : vector<16xi32> to vector<1xi32>
      %squeeze3A_221 = vector.extract %slice3A_220[0] : i32 from vector<1xi32>
      %mul3A_222 = arith.constant 16 : i32
      %mul3A_223 = arith.muli %scan3A_125, %mul3A_222 : i32
      %add3A_224 = arith.constant 5 : i32
      %add3A_225 = arith.addi %mul3A_223, %add3A_224 : i32
      %dma_start3A_226 = arith.constant 0 : i32
      %dma_start3A_227 = tpu.memref_slice %arg10[%add3A_225, %dma_start3A_226] : memref<128x64xf32, #tpu.memory_space<vmem>> -> memref<1x64xf32, #tpu.memory_space<vmem>>
      %dma_start3A_228 = tpu.memref_squeeze %dma_start3A_227 : memref<1x64xf32, #tpu.memory_space<vmem>> -> memref<64xf32, #tpu.memory_space<vmem>>
      %dma_start3A_229 = arith.constant 0 : i32
      %dma_start3A_230 = tpu.memref_slice %arg4[%squeeze3A_221, %dma_start3A_229] : memref<1000000x64xf32, #tpu.memory_space<hbm>> -> memref<1x64xf32, #tpu.memory_space<hbm>>
      %dma_start3A_231 = tpu.memref_squeeze %dma_start3A_230 : memref<1x64xf32, #tpu.memory_space<hbm>> -> memref<64xf32, #tpu.memory_space<hbm>>
      %dma_start3A_232 = arith.constant 0 : i32
      %dma_start3A_233 = tpu.memref_slice %arg10[%add3A_225, %dma_start3A_232] : memref<128x64xf32, #tpu.memory_space<vmem>> -> memref<1x64xf32, #tpu.memory_space<vmem>>
      %dma_start3A_234 = tpu.memref_squeeze %dma_start3A_233 : memref<1x64xf32, #tpu.memory_space<vmem>> -> memref<64xf32, #tpu.memory_space<vmem>>
      %dma_start3A_235 = arith.constant 0 : i32
      %dma_start3A_236 = tpu.memref_slice %arg4[%squeeze3A_221, %dma_start3A_235] : memref<1000000x64xf32, #tpu.memory_space<hbm>> -> memref<1x64xf32, #tpu.memory_space<hbm>>
      %dma_start3A_237 = tpu.memref_squeeze %dma_start3A_236 : memref<1x64xf32, #tpu.memory_space<hbm>> -> memref<64xf32, #tpu.memory_space<hbm>>
      tpu.enqueue_dma source(%dma_start3A_237 : memref<64xf32, #tpu.memory_space<hbm>>) target(%dma_start3A_234 : memref<64xf32, #tpu.memory_space<vmem>>) target_semaphore(%arg15 : memref<!tpu.dma_semaphore, #tpu.memory_space<semaphore_mem>>)
      %slice3A_238 = vector.extract_strided_slice %get3A_131 {offsets = [6], sizes = [1], strides = [1]} : vector<16xi32> to vector<1xi32>
      %squeeze3A_239 = vector.extract %slice3A_238[0] : i32 from vector<1xi32>
      %mul3A_240 = arith.constant 16 : i32
      %mul3A_241 = arith.muli %scan3A_125, %mul3A_240 : i32
      %add3A_242 = arith.constant 6 : i32
      %add3A_243 = arith.addi %mul3A_241, %add3A_242 : i32
      %dma_start3A_244 = arith.constant 0 : i32
      %dma_start3A_245 = tpu.memref_slice %arg10[%add3A_243, %dma_start3A_244] : memref<128x64xf32, #tpu.memory_space<vmem>> -> memref<1x64xf32, #tpu.memory_space<vmem>>
      %dma_start3A_246 = tpu.memref_squeeze %dma_start3A_245 : memref<1x64xf32, #tpu.memory_space<vmem>> -> memref<64xf32, #tpu.memory_space<vmem>>
      %dma_start3A_247 = arith.constant 0 : i32
      %dma_start3A_248 = tpu.memref_slice %arg4[%squeeze3A_239, %dma_start3A_247] : memref<1000000x64xf32, #tpu.memory_space<hbm>> -> memref<1x64xf32, #tpu.memory_space<hbm>>
      %dma_start3A_249 = tpu.memref_squeeze %dma_start3A_248 : memref<1x64xf32, #tpu.memory_space<hbm>> -> memref<64xf32, #tpu.memory_space<hbm>>
      %dma_start3A_250 = arith.constant 0 : i32
      %dma_start3A_251 = tpu.memref_slice %arg10[%add3A_243, %dma_start3A_250] : memref<128x64xf32, #tpu.memory_space<vmem>> -> memref<1x64xf32, #tpu.memory_space<vmem>>
      %dma_start3A_252 = tpu.memref_squeeze %dma_start3A_251 : memref<1x64xf32, #tpu.memory_space<vmem>> -> memref<64xf32, #tpu.memory_space<vmem>>
      %dma_start3A_253 = arith.constant 0 : i32
      %dma_start3A_254 = tpu.memref_slice %arg4[%squeeze3A_239, %dma_start3A_253] : memref<1000000x64xf32, #tpu.memory_space<hbm>> -> memref<1x64xf32, #tpu.memory_space<hbm>>
      %dma_start3A_255 = tpu.memref_squeeze %dma_start3A_254 : memref<1x64xf32, #tpu.memory_space<hbm>> -> memref<64xf32, #tpu.memory_space<hbm>>
      tpu.enqueue_dma source(%dma_start3A_255 : memref<64xf32, #tpu.memory_space<hbm>>) target(%dma_start3A_252 : memref<64xf32, #tpu.memory_space<vmem>>) target_semaphore(%arg15 : memref<!tpu.dma_semaphore, #tpu.memory_space<semaphore_mem>>)
      %slice3A_256 = vector.extract_strided_slice %get3A_131 {offsets = [7], sizes = [1], strides = [1]} : vector<16xi32> to vector<1xi32>
      %squeeze3A_257 = vector.extract %slice3A_256[0] : i32 from vector<1xi32>
      %mul3A_258 = arith.constant 16 : i32
      %mul3A_259 = arith.muli %scan3A_125, %mul3A_258 : i32
      %add3A_260 = arith.constant 7 : i32
      %add3A_261 = arith.addi %mul3A_259, %add3A_260 : i32
      %dma_start3A_262 = arith.constant 0 : i32
      %dma_start3A_263 = tpu.memref_slice %arg10[%add3A_261, %dma_start3A_262] : memref<128x64xf32, #tpu.memory_space<vmem>> -> memref<1x64xf32, #tpu.memory_space<vmem>>
      %dma_start3A_264 = tpu.memref_squeeze %dma_start3A_263 : memref<1x64xf32, #tpu.memory_space<vmem>> -> memref<64xf32, #tpu.memory_space<vmem>>
      %dma_start3A_265 = arith.constant 0 : i32
      %dma_start3A_266 = tpu.memref_slice %arg4[%squeeze3A_257, %dma_start3A_265] : memref<1000000x64xf32, #tpu.memory_space<hbm>> -> memref<1x64xf32, #tpu.memory_space<hbm>>
      %dma_start3A_267 = tpu.memref_squeeze %dma_start3A_266 : memref<1x64xf32, #tpu.memory_space<hbm>> -> memref<64xf32, #tpu.memory_space<hbm>>
      %dma_start3A_268 = arith.constant 0 : i32
      %dma_start3A_269 = tpu.memref_slice %arg10[%add3A_261, %dma_start3A_268] : memref<128x64xf32, #tpu.memory_space<vmem>> -> memref<1x64xf32, #tpu.memory_space<vmem>>
      %dma_start3A_270 = tpu.memref_squeeze %dma_start3A_269 : memref<1x64xf32, #tpu.memory_space<vmem>> -> memref<64xf32, #tpu.memory_space<vmem>>
      %dma_start3A_271 = arith.constant 0 : i32
      %dma_start3A_272 = tpu.memref_slice %arg4[%squeeze3A_257, %dma_start3A_271] : memref<1000000x64xf32, #tpu.memory_space<hbm>> -> memref<1x64xf32, #tpu.memory_space<hbm>>
      %dma_start3A_273 = tpu.memref_squeeze %dma_start3A_272 : memref<1x64xf32, #tpu.memory_space<hbm>> -> memref<64xf32, #tpu.memory_space<hbm>>
      tpu.enqueue_dma source(%dma_start3A_273 : memref<64xf32, #tpu.memory_space<hbm>>) target(%dma_start3A_270 : memref<64xf32, #tpu.memory_space<vmem>>) target_semaphore(%arg15 : memref<!tpu.dma_semaphore, #tpu.memory_space<semaphore_mem>>)
      %slice3A_274 = vector.extract_strided_slice %get3A_131 {offsets = [8], sizes = [1], strides = [1]} : vector<16xi32> to vector<1xi32>
      %squeeze3A_275 = vector.extract %slice3A_274[0] : i32 from vector<1xi32>
      %mul3A_276 = arith.constant 16 : i32
      %mul3A_277 = arith.muli %scan3A_125, %mul3A_276 : i32
      %add3A_278 = arith.constant 8 : i32
      %add3A_279 = arith.addi %mul3A_277, %add3A_278 : i32
      %dma_start3A_280 = arith.constant 0 : i32
      %dma_start3A_281 = tpu.memref_slice %arg10[%add3A_279, %dma_start3A_280] : memref<128x64xf32, #tpu.memory_space<vmem>> -> memref<1x64xf32, #tpu.memory_space<vmem>>
      %dma_start3A_282 = tpu.memref_squeeze %dma_start3A_281 : memref<1x64xf32, #tpu.memory_space<vmem>> -> memref<64xf32, #tpu.memory_space<vmem>>
      %dma_start3A_283 = arith.constant 0 : i32
      %dma_start3A_284 = tpu.memref_slice %arg4[%squeeze3A_275, %dma_start3A_283] : memref<1000000x64xf32, #tpu.memory_space<hbm>> -> memref<1x64xf32, #tpu.memory_space<hbm>>
      %dma_start3A_285 = tpu.memref_squeeze %dma_start3A_284 : memref<1x64xf32, #tpu.memory_space<hbm>> -> memref<64xf32, #tpu.memory_space<hbm>>
      %dma_start3A_286 = arith.constant 0 : i32
      %dma_start3A_287 = tpu.memref_slice %arg10[%add3A_279, %dma_start3A_286] : memref<128x64xf32, #tpu.memory_space<vmem>> -> memref<1x64xf32, #tpu.memory_space<vmem>>
      %dma_start3A_288 = tpu.memref_squeeze %dma_start3A_287 : memref<1x64xf32, #tpu.memory_space<vmem>> -> memref<64xf32, #tpu.memory_space<vmem>>
      %dma_start3A_289 = arith.constant 0 : i32
      %dma_start3A_290 = tpu.memref_slice %arg4[%squeeze3A_275, %dma_start3A_289] : memref<1000000x64xf32, #tpu.memory_space<hbm>> -> memref<1x64xf32, #tpu.memory_space<hbm>>
      %dma_start3A_291 = tpu.memref_squeeze %dma_start3A_290 : memref<1x64xf32, #tpu.memory_space<hbm>> -> memref<64xf32, #tpu.memory_space<hbm>>
      tpu.enqueue_dma source(%dma_start3A_291 : memref<64xf32, #tpu.memory_space<hbm>>) target(%dma_start3A_288 : memref<64xf32, #tpu.memory_space<vmem>>) target_semaphore(%arg15 : memref<!tpu.dma_semaphore, #tpu.memory_space<semaphore_mem>>)
      %slice3A_292 = vector.extract_strided_slice %get3A_131 {offsets = [9], sizes = [1], strides = [1]} : vector<16xi32> to vector<1xi32>
      %squeeze3A_293 = vector.extract %slice3A_292[0] : i32 from vector<1xi32>
      %mul3A_294 = arith.constant 16 : i32
      %mul3A_295 = arith.muli %scan3A_125, %mul3A_294 : i32
      %add3A_296 = arith.constant 9 : i32
      %add3A_297 = arith.addi %mul3A_295, %add3A_296 : i32
      %dma_start3A_298 = arith.constant 0 : i32
      %dma_start3A_299 = tpu.memref_slice %arg10[%add3A_297, %dma_start3A_298] : memref<128x64xf32, #tpu.memory_space<vmem>> -> memref<1x64xf32, #tpu.memory_space<vmem>>
      %dma_start3A_300 = tpu.memref_squeeze %dma_start3A_299 : memref<1x64xf32, #tpu.memory_space<vmem>> -> memref<64xf32, #tpu.memory_space<vmem>>
      %dma_start3A_301 = arith.constant 0 : i32
      %dma_start3A_302 = tpu.memref_slice %arg4[%squeeze3A_293, %dma_start3A_301] : memref<1000000x64xf32, #tpu.memory_space<hbm>> -> memref<1x64xf32, #tpu.memory_space<hbm>>
      %dma_start3A_303 = tpu.memref_squeeze %dma_start3A_302 : memref<1x64xf32, #tpu.memory_space<hbm>> -> memref<64xf32, #tpu.memory_space<hbm>>
      %dma_start3A_304 = arith.constant 0 : i32
      %dma_start3A_305 = tpu.memref_slice %arg10[%add3A_297, %dma_start3A_304] : memref<128x64xf32, #tpu.memory_space<vmem>> -> memref<1x64xf32, #tpu.memory_space<vmem>>
      %dma_start3A_306 = tpu.memref_squeeze %dma_start3A_305 : memref<1x64xf32, #tpu.memory_space<vmem>> -> memref<64xf32, #tpu.memory_space<vmem>>
      %dma_start3A_307 = arith.constant 0 : i32
      %dma_start3A_308 = tpu.memref_slice %arg4[%squeeze3A_293, %dma_start3A_307] : memref<1000000x64xf32, #tpu.memory_space<hbm>> -> memref<1x64xf32, #tpu.memory_space<hbm>>
      %dma_start3A_309 = tpu.memref_squeeze %dma_start3A_308 : memref<1x64xf32, #tpu.memory_space<hbm>> -> memref<64xf32, #tpu.memory_space<hbm>>
      tpu.enqueue_dma source(%dma_start3A_309 : memref<64xf32, #tpu.memory_space<hbm>>) target(%dma_start3A_306 : memref<64xf32, #tpu.memory_space<vmem>>) target_semaphore(%arg15 : memref<!tpu.dma_semaphore, #tpu.memory_space<semaphore_mem>>)
      %slice3A_310 = vector.extract_strided_slice %get3A_131 {offsets = [10], sizes = [1], strides = [1]} : vector<16xi32> to vector<1xi32>
      %squeeze3A_311 = vector.extract %slice3A_310[0] : i32 from vector<1xi32>
      %mul3A_312 = arith.constant 16 : i32
      %mul3A_313 = arith.muli %scan3A_125, %mul3A_312 : i32
      %add3A_314 = arith.constant 10 : i32
      %add3A_315 = arith.addi %mul3A_313, %add3A_314 : i32
      %dma_start3A_316 = arith.constant 0 : i32
      %dma_start3A_317 = tpu.memref_slice %arg10[%add3A_315, %dma_start3A_316] : memref<128x64xf32, #tpu.memory_space<vmem>> -> memref<1x64xf32, #tpu.memory_space<vmem>>
      %dma_start3A_318 = tpu.memref_squeeze %dma_start3A_317 : memref<1x64xf32, #tpu.memory_space<vmem>> -> memref<64xf32, #tpu.memory_space<vmem>>
      %dma_start3A_319 = arith.constant 0 : i32
      %dma_start3A_320 = tpu.memref_slice %arg4[%squeeze3A_311, %dma_start3A_319] : memref<1000000x64xf32, #tpu.memory_space<hbm>> -> memref<1x64xf32, #tpu.memory_space<hbm>>
      %dma_start3A_321 = tpu.memref_squeeze %dma_start3A_320 : memref<1x64xf32, #tpu.memory_space<hbm>> -> memref<64xf32, #tpu.memory_space<hbm>>
      %dma_start3A_322 = arith.constant 0 : i32
      %dma_start3A_323 = tpu.memref_slice %arg10[%add3A_315, %dma_start3A_322] : memref<128x64xf32, #tpu.memory_space<vmem>> -> memref<1x64xf32, #tpu.memory_space<vmem>>
      %dma_start3A_324 = tpu.memref_squeeze %dma_start3A_323 : memref<1x64xf32, #tpu.memory_space<vmem>> -> memref<64xf32, #tpu.memory_space<vmem>>
      %dma_start3A_325 = arith.constant 0 : i32
      %dma_start3A_326 = tpu.memref_slice %arg4[%squeeze3A_311, %dma_start3A_325] : memref<1000000x64xf32, #tpu.memory_space<hbm>> -> memref<1x64xf32, #tpu.memory_space<hbm>>
      %dma_start3A_327 = tpu.memref_squeeze %dma_start3A_326 : memref<1x64xf32, #tpu.memory_space<hbm>> -> memref<64xf32, #tpu.memory_space<hbm>>
      tpu.enqueue_dma source(%dma_start3A_327 : memref<64xf32, #tpu.memory_space<hbm>>) target(%dma_start3A_324 : memref<64xf32, #tpu.memory_space<vmem>>) target_semaphore(%arg15 : memref<!tpu.dma_semaphore, #tpu.memory_space<semaphore_mem>>)
      %slice3A_328 = vector.extract_strided_slice %get3A_131 {offsets = [11], sizes = [1], strides = [1]} : vector<16xi32> to vector<1xi32>
      %squeeze3A_329 = vector.extract %slice3A_328[0] : i32 from vector<1xi32>
      %mul3A_330 = arith.constant 16 : i32
      %mul3A_331 = arith.muli %scan3A_125, %mul3A_330 : i32
      %add3A_332 = arith.constant 11 : i32
      %add3A_333 = arith.addi %mul3A_331, %add3A_332 : i32
      %dma_start3A_334 = arith.constant 0 : i32
      %dma_start3A_335 = tpu.memref_slice %arg10[%add3A_333, %dma_start3A_334] : memref<128x64xf32, #tpu.memory_space<vmem>> -> memref<1x64xf32, #tpu.memory_space<vmem>>
      %dma_start3A_336 = tpu.memref_squeeze %dma_start3A_335 : memref<1x64xf32, #tpu.memory_space<vmem>> -> memref<64xf32, #tpu.memory_space<vmem>>
      %dma_start3A_337 = arith.constant 0 : i32
      %dma_start3A_338 = tpu.memref_slice %arg4[%squeeze3A_329, %dma_start3A_337] : memref<1000000x64xf32, #tpu.memory_space<hbm>> -> memref<1x64xf32, #tpu.memory_space<hbm>>
      %dma_start3A_339 = tpu.memref_squeeze %dma_start3A_338 : memref<1x64xf32, #tpu.memory_space<hbm>> -> memref<64xf32, #tpu.memory_space<hbm>>
      %dma_start3A_340 = arith.constant 0 : i32
      %dma_start3A_341 = tpu.memref_slice %arg10[%add3A_333, %dma_start3A_340] : memref<128x64xf32, #tpu.memory_space<vmem>> -> memref<1x64xf32, #tpu.memory_space<vmem>>
      %dma_start3A_342 = tpu.memref_squeeze %dma_start3A_341 : memref<1x64xf32, #tpu.memory_space<vmem>> -> memref<64xf32, #tpu.memory_space<vmem>>
      %dma_start3A_343 = arith.constant 0 : i32
      %dma_start3A_344 = tpu.memref_slice %arg4[%squeeze3A_329, %dma_start3A_343] : memref<1000000x64xf32, #tpu.memory_space<hbm>> -> memref<1x64xf32, #tpu.memory_space<hbm>>
      %dma_start3A_345 = tpu.memref_squeeze %dma_start3A_344 : memref<1x64xf32, #tpu.memory_space<hbm>> -> memref<64xf32, #tpu.memory_space<hbm>>
      tpu.enqueue_dma source(%dma_start3A_345 : memref<64xf32, #tpu.memory_space<hbm>>) target(%dma_start3A_342 : memref<64xf32, #tpu.memory_space<vmem>>) target_semaphore(%arg15 : memref<!tpu.dma_semaphore, #tpu.memory_space<semaphore_mem>>)
      %slice3A_346 = vector.extract_strided_slice %get3A_131 {offsets = [12], sizes = [1], strides = [1]} : vector<16xi32> to vector<1xi32>
      %squeeze3A_347 = vector.extract %slice3A_346[0] : i32 from vector<1xi32>
      %mul3A_348 = arith.constant 16 : i32
      %mul3A_349 = arith.muli %scan3A_125, %mul3A_348 : i32
      %add3A_350 = arith.constant 12 : i32
      %add3A_351 = arith.addi %mul3A_349, %add3A_350 : i32
      %dma_start3A_352 = arith.constant 0 : i32
      %dma_start3A_353 = tpu.memref_slice %arg10[%add3A_351, %dma_start3A_352] : memref<128x64xf32, #tpu.memory_space<vmem>> -> memref<1x64xf32, #tpu.memory_space<vmem>>
      %dma_start3A_354 = tpu.memref_squeeze %dma_start3A_353 : memref<1x64xf32, #tpu.memory_space<vmem>> -> memref<64xf32, #tpu.memory_space<vmem>>
      %dma_start3A_355 = arith.constant 0 : i32
      %dma_start3A_356 = tpu.memref_slice %arg4[%squeeze3A_347, %dma_start3A_355] : memref<1000000x64xf32, #tpu.memory_space<hbm>> -> memref<1x64xf32, #tpu.memory_space<hbm>>
      %dma_start3A_357 = tpu.memref_squeeze %dma_start3A_356 : memref<1x64xf32, #tpu.memory_space<hbm>> -> memref<64xf32, #tpu.memory_space<hbm>>
      %dma_start3A_358 = arith.constant 0 : i32
      %dma_start3A_359 = tpu.memref_slice %arg10[%add3A_351, %dma_start3A_358] : memref<128x64xf32, #tpu.memory_space<vmem>> -> memref<1x64xf32, #tpu.memory_space<vmem>>
      %dma_start3A_360 = tpu.memref_squeeze %dma_start3A_359 : memref<1x64xf32, #tpu.memory_space<vmem>> -> memref<64xf32, #tpu.memory_space<vmem>>
      %dma_start3A_361 = arith.constant 0 : i32
      %dma_start3A_362 = tpu.memref_slice %arg4[%squeeze3A_347, %dma_start3A_361] : memref<1000000x64xf32, #tpu.memory_space<hbm>> -> memref<1x64xf32, #tpu.memory_space<hbm>>
      %dma_start3A_363 = tpu.memref_squeeze %dma_start3A_362 : memref<1x64xf32, #tpu.memory_space<hbm>> -> memref<64xf32, #tpu.memory_space<hbm>>
      tpu.enqueue_dma source(%dma_start3A_363 : memref<64xf32, #tpu.memory_space<hbm>>) target(%dma_start3A_360 : memref<64xf32, #tpu.memory_space<vmem>>) target_semaphore(%arg15 : memref<!tpu.dma_semaphore, #tpu.memory_space<semaphore_mem>>)
      %slice3A_364 = vector.extract_strided_slice %get3A_131 {offsets = [13], sizes = [1], strides = [1]} : vector<16xi32> to vector<1xi32>
      %squeeze3A_365 = vector.extract %slice3A_364[0] : i32 from vector<1xi32>
      %mul3A_366 = arith.constant 16 : i32
      %mul3A_367 = arith.muli %scan3A_125, %mul3A_366 : i32
      %add3A_368 = arith.constant 13 : i32
      %add3A_369 = arith.addi %mul3A_367, %add3A_368 : i32
      %dma_start3A_370 = arith.constant 0 : i32
      %dma_start3A_371 = tpu.memref_slice %arg10[%add3A_369, %dma_start3A_370] : memref<128x64xf32, #tpu.memory_space<vmem>> -> memref<1x64xf32, #tpu.memory_space<vmem>>
      %dma_start3A_372 = tpu.memref_squeeze %dma_start3A_371 : memref<1x64xf32, #tpu.memory_space<vmem>> -> memref<64xf32, #tpu.memory_space<vmem>>
      %dma_start3A_373 = arith.constant 0 : i32
      %dma_start3A_374 = tpu.memref_slice %arg4[%squeeze3A_365, %dma_start3A_373] : memref<1000000x64xf32, #tpu.memory_space<hbm>> -> memref<1x64xf32, #tpu.memory_space<hbm>>
      %dma_start3A_375 = tpu.memref_squeeze %dma_start3A_374 : memref<1x64xf32, #tpu.memory_space<hbm>> -> memref<64xf32, #tpu.memory_space<hbm>>
      %dma_start3A_376 = arith.constant 0 : i32
      %dma_start3A_377 = tpu.memref_slice %arg10[%add3A_369, %dma_start3A_376] : memref<128x64xf32, #tpu.memory_space<vmem>> -> memref<1x64xf32, #tpu.memory_space<vmem>>
      %dma_start3A_378 = tpu.memref_squeeze %dma_start3A_377 : memref<1x64xf32, #tpu.memory_space<vmem>> -> memref<64xf32, #tpu.memory_space<vmem>>
      %dma_start3A_379 = arith.constant 0 : i32
      %dma_start3A_380 = tpu.memref_slice %arg4[%squeeze3A_365, %dma_start3A_379] : memref<1000000x64xf32, #tpu.memory_space<hbm>> -> memref<1x64xf32, #tpu.memory_space<hbm>>
      %dma_start3A_381 = tpu.memref_squeeze %dma_start3A_380 : memref<1x64xf32, #tpu.memory_space<hbm>> -> memref<64xf32, #tpu.memory_space<hbm>>
      tpu.enqueue_dma source(%dma_start3A_381 : memref<64xf32, #tpu.memory_space<hbm>>) target(%dma_start3A_378 : memref<64xf32, #tpu.memory_space<vmem>>) target_semaphore(%arg15 : memref<!tpu.dma_semaphore, #tpu.memory_space<semaphore_mem>>)
      %slice3A_382 = vector.extract_strided_slice %get3A_131 {offsets = [14], sizes = [1], strides = [1]} : vector<16xi32> to vector<1xi32>
      %squeeze3A_383 = vector.extract %slice3A_382[0] : i32 from vector<1xi32>
      %mul3A_384 = arith.constant 16 : i32
      %mul3A_385 = arith.muli %scan3A_125, %mul3A_384 : i32
      %add3A_386 = arith.constant 14 : i32
      %add3A_387 = arith.addi %mul3A_385, %add3A_386 : i32
      %dma_start3A_388 = arith.constant 0 : i32
      %dma_start3A_389 = tpu.memref_slice %arg10[%add3A_387, %dma_start3A_388] : memref<128x64xf32, #tpu.memory_space<vmem>> -> memref<1x64xf32, #tpu.memory_space<vmem>>
      %dma_start3A_390 = tpu.memref_squeeze %dma_start3A_389 : memref<1x64xf32, #tpu.memory_space<vmem>> -> memref<64xf32, #tpu.memory_space<vmem>>
      %dma_start3A_391 = arith.constant 0 : i32
      %dma_start3A_392 = tpu.memref_slice %arg4[%squeeze3A_383, %dma_start3A_391] : memref<1000000x64xf32, #tpu.memory_space<hbm>> -> memref<1x64xf32, #tpu.memory_space<hbm>>
      %dma_start3A_393 = tpu.memref_squeeze %dma_start3A_392 : memref<1x64xf32, #tpu.memory_space<hbm>> -> memref<64xf32, #tpu.memory_space<hbm>>
      %dma_start3A_394 = arith.constant 0 : i32
      %dma_start3A_395 = tpu.memref_slice %arg10[%add3A_387, %dma_start3A_394] : memref<128x64xf32, #tpu.memory_space<vmem>> -> memref<1x64xf32, #tpu.memory_space<vmem>>
      %dma_start3A_396 = tpu.memref_squeeze %dma_start3A_395 : memref<1x64xf32, #tpu.memory_space<vmem>> -> memref<64xf32, #tpu.memory_space<vmem>>
      %dma_start3A_397 = arith.constant 0 : i32
      %dma_start3A_398 = tpu.memref_slice %arg4[%squeeze3A_383, %dma_start3A_397] : memref<1000000x64xf32, #tpu.memory_space<hbm>> -> memref<1x64xf32, #tpu.memory_space<hbm>>
      %dma_start3A_399 = tpu.memref_squeeze %dma_start3A_398 : memref<1x64xf32, #tpu.memory_space<hbm>> -> memref<64xf32, #tpu.memory_space<hbm>>
      tpu.enqueue_dma source(%dma_start3A_399 : memref<64xf32, #tpu.memory_space<hbm>>) target(%dma_start3A_396 : memref<64xf32, #tpu.memory_space<vmem>>) target_semaphore(%arg15 : memref<!tpu.dma_semaphore, #tpu.memory_space<semaphore_mem>>)
      %slice3A_400 = vector.extract_strided_slice %get3A_131 {offsets = [15], sizes = [1], strides = [1]} : vector<16xi32> to vector<1xi32>
      %squeeze3A_401 = vector.extract %slice3A_400[0] : i32 from vector<1xi32>
      %mul3A_402 = arith.constant 16 : i32
      %mul3A_403 = arith.muli %scan3A_125, %mul3A_402 : i32
      %add3A_404 = arith.constant 15 : i32
      %add3A_405 = arith.addi %mul3A_403, %add3A_404 : i32
      %dma_start3A_406 = arith.constant 0 : i32
      %dma_start3A_407 = tpu.memref_slice %arg10[%add3A_405, %dma_start3A_406] : memref<128x64xf32, #tpu.memory_space<vmem>> -> memref<1x64xf32, #tpu.memory_space<vmem>>
      %dma_start3A_408 = tpu.memref_squeeze %dma_start3A_407 : memref<1x64xf32, #tpu.memory_space<vmem>> -> memref<64xf32, #tpu.memory_space<vmem>>
      %dma_start3A_409 = arith.constant 0 : i32
      %dma_start3A_410 = tpu.memref_slice %arg4[%squeeze3A_401, %dma_start3A_409] : memref<1000000x64xf32, #tpu.memory_space<hbm>> -> memref<1x64xf32, #tpu.memory_space<hbm>>
      %dma_start3A_411 = tpu.memref_squeeze %dma_start3A_410 : memref<1x64xf32, #tpu.memory_space<hbm>> -> memref<64xf32, #tpu.memory_space<hbm>>
      %dma_start3A_412 = arith.constant 0 : i32
      %dma_start3A_413 = tpu.memref_slice %arg10[%add3A_405, %dma_start3A_412] : memref<128x64xf32, #tpu.memory_space<vmem>> -> memref<1x64xf32, #tpu.memory_space<vmem>>
      %dma_start3A_414 = tpu.memref_squeeze %dma_start3A_413 : memref<1x64xf32, #tpu.memory_space<vmem>> -> memref<64xf32, #tpu.memory_space<vmem>>
      %dma_start3A_415 = arith.constant 0 : i32
      %dma_start3A_416 = tpu.memref_slice %arg4[%squeeze3A_401, %dma_start3A_415] : memref<1000000x64xf32, #tpu.memory_space<hbm>> -> memref<1x64xf32, #tpu.memory_space<hbm>>
      %dma_start3A_417 = tpu.memref_squeeze %dma_start3A_416 : memref<1x64xf32, #tpu.memory_space<hbm>> -> memref<64xf32, #tpu.memory_space<hbm>>
      tpu.enqueue_dma source(%dma_start3A_417 : memref<64xf32, #tpu.memory_space<hbm>>) target(%dma_start3A_414 : memref<64xf32, #tpu.memory_space<vmem>>) target_semaphore(%arg15 : memref<!tpu.dma_semaphore, #tpu.memory_space<semaphore_mem>>)
    }
    %scan3A_31 = arith.constant 8 : i32
    %dma_wait3A = arith.constant 0 : i32
    %dma_wait3A_32 = tpu.memref_slice %arg3[%add3A_4, %dma_wait3A] : memref<16384x64xf32, #tpu.memory_space<hbm>> -> memref<128x64xf32, #tpu.memory_space<hbm>>
    %dma_wait3A_33 = arith.constant 0 : i32
    %dma_wait3A_34 = tpu.memref_slice %arg3[%add3A_4, %dma_wait3A_33] : memref<16384x64xf32, #tpu.memory_space<hbm>> -> memref<128x64xf32, #tpu.memory_space<hbm>>
    tpu.wait_dma2 semaphore(%arg12 : memref<!tpu.dma_semaphore, #tpu.memory_space<semaphore_mem>>) src(%dma_wait3A_34 : memref<128x64xf32, #tpu.memory_space<hbm>>) dst(%arg7 : memref<128x64xf32, #tpu.memory_space<vmem>>)
    %dma_wait3A_35 = arith.constant 0 : i32
    %dma_wait3A_36 = arith.constant 0 : i32
    %dma_wait3A_37 = tpu.memref_slice %arg4[%dma_wait3A_35, %dma_wait3A_36] : memref<1000000x64xf32, #tpu.memory_space<hbm>> -> memref<128x64xf32, #tpu.memory_space<hbm>>
    %dma_wait3A_38 = arith.constant 0 : i32
    %dma_wait3A_39 = arith.constant 0 : i32
    %dma_wait3A_40 = tpu.memref_slice %arg4[%dma_wait3A_38, %dma_wait3A_39] : memref<1000000x64xf32, #tpu.memory_space<hbm>> -> memref<128x64xf32, #tpu.memory_space<hbm>>
    tpu.wait_dma2 semaphore(%arg14 : memref<!tpu.dma_semaphore, #tpu.memory_space<semaphore_mem>>) src(%dma_wait3A_40 : memref<128x64xf32, #tpu.memory_space<hbm>>) dst(%arg9 : memref<128x64xf32, #tpu.memory_space<vmem>>)
    %scan3A_41 = arith.constant 0 : i32
    %scan3A_42 = arith.constant 128 : i32
    %scan3A_43 = arith.addi %scan3A_41, %scan3A_42 : i32
    %scan3A_44 = arith.constant 1 : i32
    %scan3A_45:4 = scf.for %scan3A_125 = %scan3A_41 to %scan3A_43 step %scan3A_44 iter_args(%scan3A_126 = %broadcast_in_dim3A_13, %scan3A_127 = %broadcast_in_dim3A_15, %scan3A_128 = %broadcast_in_dim3A_17, %scan3A_129 = %broadcast_in_dim3A_19) -> (vector<16xf32>, vector<16xf32>, vector<16xf32>, vector<16xf32>)  : i32 {
      %get3A = arith.index_cast %scan3A_125 : i32 to index
      %get3A_130 = arith.constant 0 : index
      %get3A_131 = tpu.vector_load %arg7[%get3A, %get3A_130] {strides = array<i32>} : memref<128x64xf32, #tpu.memory_space<vmem>>, vector<1x16xf32>,
      %get3A_132 = vector.shape_cast %get3A_131 : vector<1x16xf32> to vector<16xf32>
      %get3A_133 = arith.index_cast %scan3A_125 : i32 to index
      %get3A_134 = arith.constant 0 : index
      %get3A_135 = tpu.vector_load %arg9[%get3A_133, %get3A_134] {strides = array<i32>} : memref<128x64xf32, #tpu.memory_space<vmem>>, vector<1x16xf32>,
      %get3A_136 = vector.shape_cast %get3A_135 : vector<1x16xf32> to vector<16xf32>
      %sub3A = arith.subf %get3A_132, %get3A_136 : vector<16xf32>
      %mul3A_137 = arith.mulf %sub3A, %sub3A : vector<16xf32>
      %add3A_138 = arith.addf %scan3A_126, %mul3A_137 : vector<16xf32>
      %get3A_139 = arith.index_cast %scan3A_125 : i32 to index
      %get3A_140 = arith.constant 16 : index
      %get3A_141 = tpu.vector_load %arg7[%get3A_139, %get3A_140] {strides = array<i32>} : memref<128x64xf32, #tpu.memory_space<vmem>>, vector<1x16xf32>,
      %get3A_142 = vector.shape_cast %get3A_141 : vector<1x16xf32> to vector<16xf32>
      %get3A_143 = arith.index_cast %scan3A_125 : i32 to index
      %get3A_144 = arith.constant 16 : index
      %get3A_145 = tpu.vector_load %arg9[%get3A_143, %get3A_144] {strides = array<i32>} : memref<128x64xf32, #tpu.memory_space<vmem>>, vector<1x16xf32>,
      %get3A_146 = vector.shape_cast %get3A_145 : vector<1x16xf32> to vector<16xf32>
      %sub3A_147 = arith.subf %get3A_142, %get3A_146 : vector<16xf32>
      %mul3A_148 = arith.mulf %sub3A_147, %sub3A_147 : vector<16xf32>
      %add3A_149 = arith.addf %scan3A_127, %mul3A_148 : vector<16xf32>
      %get3A_150 = arith.index_cast %scan3A_125 : i32 to index
      %get3A_151 = arith.constant 32 : index
      %get3A_152 = tpu.vector_load %arg7[%get3A_150, %get3A_151] {strides = array<i32>} : memref<128x64xf32, #tpu.memory_space<vmem>>, vector<1x16xf32>,
      %get3A_153 = vector.shape_cast %get3A_152 : vector<1x16xf32> to vector<16xf32>
      %get3A_154 = arith.index_cast %scan3A_125 : i32 to index
      %get3A_155 = arith.constant 32 : index
      %get3A_156 = tpu.vector_load %arg9[%get3A_154, %get3A_155] {strides = array<i32>} : memref<128x64xf32, #tpu.memory_space<vmem>>, vector<1x16xf32>,
      %get3A_157 = vector.shape_cast %get3A_156 : vector<1x16xf32> to vector<16xf32>
      %sub3A_158 = arith.subf %get3A_153, %get3A_157 : vector<16xf32>
      %mul3A_159 = arith.mulf %sub3A_158, %sub3A_158 : vector<16xf32>
      %add3A_160 = arith.addf %scan3A_128, %mul3A_159 : vector<16xf32>
      %get3A_161 = arith.index_cast %scan3A_125 : i32 to index
      %get3A_162 = arith.constant 48 : index
      %get3A_163 = tpu.vector_load %arg7[%get3A_161, %get3A_162] {strides = array<i32>} : memref<128x64xf32, #tpu.memory_space<vmem>>, vector<1x16xf32>,
      %get3A_164 = vector.shape_cast %get3A_163 : vector<1x16xf32> to vector<16xf32>
      %get3A_165 = arith.index_cast %scan3A_125 : i32 to index
      %get3A_166 = arith.constant 48 : index
      %get3A_167 = tpu.vector_load %arg9[%get3A_165, %get3A_166] {strides = array<i32>} : memref<128x64xf32, #tpu.memory_space<vmem>>, vector<1x16xf32>,
      %get3A_168 = vector.shape_cast %get3A_167 : vector<1x16xf32> to vector<16xf32>
      %sub3A_169 = arith.subf %get3A_164, %get3A_168 : vector<16xf32>
      %mul3A_170 = arith.mulf %sub3A_169, %sub3A_169 : vector<16xf32>
      %add3A_171 = arith.addf %scan3A_129, %mul3A_170 : vector<16xf32>
      scf.yield %add3A_138, %add3A_149, %add3A_160, %add3A_171 : vector<16xf32>, vector<16xf32>, vector<16xf32>, vector<16xf32>
    }
    %scan3A_46 = arith.constant 128 : i32
    %add3A_47 = arith.constant 256 : i32
    %add3A_48 = arith.addi %mul3A_2, %add3A_47 : i32
    %dma_start3A_49 = arith.constant 0 : i32
    %dma_start3A_50 = tpu.memref_slice %arg3[%add3A_48, %dma_start3A_49] : memref<16384x64xf32, #tpu.memory_space<hbm>> -> memref<128x64xf32, #tpu.memory_space<hbm>>
    %dma_start3A_51 = arith.constant 0 : i32
    %dma_start3A_52 = tpu.memref_slice %arg3[%add3A_48, %dma_start3A_51] : memref<16384x64xf32, #tpu.memory_space<hbm>> -> memref<128x64xf32, #tpu.memory_space<hbm>>
    tpu.enqueue_dma source(%dma_start3A_52 : memref<128x64xf32, #tpu.memory_space<hbm>>) target(%arg7 : memref<128x64xf32, #tpu.memory_space<vmem>>) target_semaphore(%arg12 : memref<!tpu.dma_semaphore, #tpu.memory_space<semaphore_mem>>)
    %scan3A_53 = arith.constant 0 : i32
    %scan3A_54 = arith.constant 0 : i32
    %scan3A_55 = arith.constant 8 : i32
    %scan3A_56 = arith.addi %scan3A_54, %scan3A_55 : i32
    %scan3A_57 = arith.constant 1 : i32
    scf.for %scan3A_125 = %scan3A_54 to %scan3A_56 step %scan3A_57  : i32 {
      %mul3A_126 = arith.constant 16 : i32
      %mul3A_127 = arith.muli %scan3A_125, %mul3A_126 : i32
      %add3A_128 = arith.constant 256 : i32
      %add3A_129 = arith.addi %add3A_128, %mul3A_127 : i32
      %get3A = arith.index_cast %add3A_129 : i32 to index
      %get3A_130 = tpu.vector_load %arg6[%get3A] {strides = array<i32>} : memref<512xi32, #tpu.memory_space<vmem>>, vector<16xi32>,
      %get3A_131 = vector.shape_cast %get3A_130 : vector<16xi32> to vector<16xi32>
      %slice3A = vector.extract_strided_slice %get3A_131 {offsets = [0], sizes = [1], strides = [1]} : vector<16xi32> to vector<1xi32>
      %squeeze3A = vector.extract %slice3A[0] : i32 from vector<1xi32>
      %mul3A_132 = arith.constant 16 : i32
      %mul3A_133 = arith.muli %scan3A_125, %mul3A_132 : i32
      %add3A_134 = arith.constant 0 : i32
      %add3A_135 = arith.addi %mul3A_133, %add3A_134 : i32
      %dma_start3A_136 = arith.constant 0 : i32
      %dma_start3A_137 = tpu.memref_slice %arg9[%add3A_135, %dma_start3A_136] : memref<128x64xf32, #tpu.memory_space<vmem>> -> memref<1x64xf32, #tpu.memory_space<vmem>>
      %dma_start3A_138 = tpu.memref_squeeze %dma_start3A_137 : memref<1x64xf32, #tpu.memory_space<vmem>> -> memref<64xf32, #tpu.memory_space<vmem>>
      %dma_start3A_139 = arith.constant 0 : i32
      %dma_start3A_140 = tpu.memref_slice %arg4[%squeeze3A, %dma_start3A_139] : memref<1000000x64xf32, #tpu.memory_space<hbm>> -> memref<1x64xf32, #tpu.memory_space<hbm>>
      %dma_start3A_141 = tpu.memref_squeeze %dma_start3A_140 : memref<1x64xf32, #tpu.memory_space<hbm>> -> memref<64xf32, #tpu.memory_space<hbm>>
      %dma_start3A_142 = arith.constant 0 : i32
      %dma_start3A_143 = tpu.memref_slice %arg9[%add3A_135, %dma_start3A_142] : memref<128x64xf32, #tpu.memory_space<vmem>> -> memref<1x64xf32, #tpu.memory_space<vmem>>
      %dma_start3A_144 = tpu.memref_squeeze %dma_start3A_143 : memref<1x64xf32, #tpu.memory_space<vmem>> -> memref<64xf32, #tpu.memory_space<vmem>>
      %dma_start3A_145 = arith.constant 0 : i32
      %dma_start3A_146 = tpu.memref_slice %arg4[%squeeze3A, %dma_start3A_145] : memref<1000000x64xf32, #tpu.memory_space<hbm>> -> memref<1x64xf32, #tpu.memory_space<hbm>>
      %dma_start3A_147 = tpu.memref_squeeze %dma_start3A_146 : memref<1x64xf32, #tpu.memory_space<hbm>> -> memref<64xf32, #tpu.memory_space<hbm>>
      tpu.enqueue_dma source(%dma_start3A_147 : memref<64xf32, #tpu.memory_space<hbm>>) target(%dma_start3A_144 : memref<64xf32, #tpu.memory_space<vmem>>) target_semaphore(%arg14 : memref<!tpu.dma_semaphore, #tpu.memory_space<semaphore_mem>>)
      %slice3A_148 = vector.extract_strided_slice %get3A_131 {offsets = [1], sizes = [1], strides = [1]} : vector<16xi32> to vector<1xi32>
      %squeeze3A_149 = vector.extract %slice3A_148[0] : i32 from vector<1xi32>
      %mul3A_150 = arith.constant 16 : i32
      %mul3A_151 = arith.muli %scan3A_125, %mul3A_150 : i32
      %add3A_152 = arith.constant 1 : i32
      %add3A_153 = arith.addi %mul3A_151, %add3A_152 : i32
      %dma_start3A_154 = arith.constant 0 : i32
      %dma_start3A_155 = tpu.memref_slice %arg9[%add3A_153, %dma_start3A_154] : memref<128x64xf32, #tpu.memory_space<vmem>> -> memref<1x64xf32, #tpu.memory_space<vmem>>
      %dma_start3A_156 = tpu.memref_squeeze %dma_start3A_155 : memref<1x64xf32, #tpu.memory_space<vmem>> -> memref<64xf32, #tpu.memory_space<vmem>>
      %dma_start3A_157 = arith.constant 0 : i32
      %dma_start3A_158 = tpu.memref_slice %arg4[%squeeze3A_149, %dma_start3A_157] : memref<1000000x64xf32, #tpu.memory_space<hbm>> -> memref<1x64xf32, #tpu.memory_space<hbm>>
      %dma_start3A_159 = tpu.memref_squeeze %dma_start3A_158 : memref<1x64xf32, #tpu.memory_space<hbm>> -> memref<64xf32, #tpu.memory_space<hbm>>
      %dma_start3A_160 = arith.constant 0 : i32
      %dma_start3A_161 = tpu.memref_slice %arg9[%add3A_153, %dma_start3A_160] : memref<128x64xf32, #tpu.memory_space<vmem>> -> memref<1x64xf32, #tpu.memory_space<vmem>>
      %dma_start3A_162 = tpu.memref_squeeze %dma_start3A_161 : memref<1x64xf32, #tpu.memory_space<vmem>> -> memref<64xf32, #tpu.memory_space<vmem>>
      %dma_start3A_163 = arith.constant 0 : i32
      %dma_start3A_164 = tpu.memref_slice %arg4[%squeeze3A_149, %dma_start3A_163] : memref<1000000x64xf32, #tpu.memory_space<hbm>> -> memref<1x64xf32, #tpu.memory_space<hbm>>
      %dma_start3A_165 = tpu.memref_squeeze %dma_start3A_164 : memref<1x64xf32, #tpu.memory_space<hbm>> -> memref<64xf32, #tpu.memory_space<hbm>>
      tpu.enqueue_dma source(%dma_start3A_165 : memref<64xf32, #tpu.memory_space<hbm>>) target(%dma_start3A_162 : memref<64xf32, #tpu.memory_space<vmem>>) target_semaphore(%arg14 : memref<!tpu.dma_semaphore, #tpu.memory_space<semaphore_mem>>)
      %slice3A_166 = vector.extract_strided_slice %get3A_131 {offsets = [2], sizes = [1], strides = [1]} : vector<16xi32> to vector<1xi32>
      %squeeze3A_167 = vector.extract %slice3A_166[0] : i32 from vector<1xi32>
      %mul3A_168 = arith.constant 16 : i32
      %mul3A_169 = arith.muli %scan3A_125, %mul3A_168 : i32
      %add3A_170 = arith.constant 2 : i32
      %add3A_171 = arith.addi %mul3A_169, %add3A_170 : i32
      %dma_start3A_172 = arith.constant 0 : i32
      %dma_start3A_173 = tpu.memref_slice %arg9[%add3A_171, %dma_start3A_172] : memref<128x64xf32, #tpu.memory_space<vmem>> -> memref<1x64xf32, #tpu.memory_space<vmem>>
      %dma_start3A_174 = tpu.memref_squeeze %dma_start3A_173 : memref<1x64xf32, #tpu.memory_space<vmem>> -> memref<64xf32, #tpu.memory_space<vmem>>
      %dma_start3A_175 = arith.constant 0 : i32
      %dma_start3A_176 = tpu.memref_slice %arg4[%squeeze3A_167, %dma_start3A_175] : memref<1000000x64xf32, #tpu.memory_space<hbm>> -> memref<1x64xf32, #tpu.memory_space<hbm>>
      %dma_start3A_177 = tpu.memref_squeeze %dma_start3A_176 : memref<1x64xf32, #tpu.memory_space<hbm>> -> memref<64xf32, #tpu.memory_space<hbm>>
      %dma_start3A_178 = arith.constant 0 : i32
      %dma_start3A_179 = tpu.memref_slice %arg9[%add3A_171, %dma_start3A_178] : memref<128x64xf32, #tpu.memory_space<vmem>> -> memref<1x64xf32, #tpu.memory_space<vmem>>
      %dma_start3A_180 = tpu.memref_squeeze %dma_start3A_179 : memref<1x64xf32, #tpu.memory_space<vmem>> -> memref<64xf32, #tpu.memory_space<vmem>>
      %dma_start3A_181 = arith.constant 0 : i32
      %dma_start3A_182 = tpu.memref_slice %arg4[%squeeze3A_167, %dma_start3A_181] : memref<1000000x64xf32, #tpu.memory_space<hbm>> -> memref<1x64xf32, #tpu.memory_space<hbm>>
      %dma_start3A_183 = tpu.memref_squeeze %dma_start3A_182 : memref<1x64xf32, #tpu.memory_space<hbm>> -> memref<64xf32, #tpu.memory_space<hbm>>
      tpu.enqueue_dma source(%dma_start3A_183 : memref<64xf32, #tpu.memory_space<hbm>>) target(%dma_start3A_180 : memref<64xf32, #tpu.memory_space<vmem>>) target_semaphore(%arg14 : memref<!tpu.dma_semaphore, #tpu.memory_space<semaphore_mem>>)
      %slice3A_184 = vector.extract_strided_slice %get3A_131 {offsets = [3], sizes = [1], strides = [1]} : vector<16xi32> to vector<1xi32>
      %squeeze3A_185 = vector.extract %slice3A_184[0] : i32 from vector<1xi32>
      %mul3A_186 = arith.constant 16 : i32
      %mul3A_187 = arith.muli %scan3A_125, %mul3A_186 : i32
      %add3A_188 = arith.constant 3 : i32
      %add3A_189 = arith.addi %mul3A_187, %add3A_188 : i32
      %dma_start3A_190 = arith.constant 0 : i32
      %dma_start3A_191 = tpu.memref_slice %arg9[%add3A_189, %dma_start3A_190] : memref<128x64xf32, #tpu.memory_space<vmem>> -> memref<1x64xf32, #tpu.memory_space<vmem>>
      %dma_start3A_192 = tpu.memref_squeeze %dma_start3A_191 : memref<1x64xf32, #tpu.memory_space<vmem>> -> memref<64xf32, #tpu.memory_space<vmem>>
      %dma_start3A_193 = arith.constant 0 : i32
      %dma_start3A_194 = tpu.memref_slice %arg4[%squeeze3A_185, %dma_start3A_193] : memref<1000000x64xf32, #tpu.memory_space<hbm>> -> memref<1x64xf32, #tpu.memory_space<hbm>>
      %dma_start3A_195 = tpu.memref_squeeze %dma_start3A_194 : memref<1x64xf32, #tpu.memory_space<hbm>> -> memref<64xf32, #tpu.memory_space<hbm>>
      %dma_start3A_196 = arith.constant 0 : i32
      %dma_start3A_197 = tpu.memref_slice %arg9[%add3A_189, %dma_start3A_196] : memref<128x64xf32, #tpu.memory_space<vmem>> -> memref<1x64xf32, #tpu.memory_space<vmem>>
      %dma_start3A_198 = tpu.memref_squeeze %dma_start3A_197 : memref<1x64xf32, #tpu.memory_space<vmem>> -> memref<64xf32, #tpu.memory_space<vmem>>
      %dma_start3A_199 = arith.constant 0 : i32
      %dma_start3A_200 = tpu.memref_slice %arg4[%squeeze3A_185, %dma_start3A_199] : memref<1000000x64xf32, #tpu.memory_space<hbm>> -> memref<1x64xf32, #tpu.memory_space<hbm>>
      %dma_start3A_201 = tpu.memref_squeeze %dma_start3A_200 : memref<1x64xf32, #tpu.memory_space<hbm>> -> memref<64xf32, #tpu.memory_space<hbm>>
      tpu.enqueue_dma source(%dma_start3A_201 : memref<64xf32, #tpu.memory_space<hbm>>) target(%dma_start3A_198 : memref<64xf32, #tpu.memory_space<vmem>>) target_semaphore(%arg14 : memref<!tpu.dma_semaphore, #tpu.memory_space<semaphore_mem>>)
      %slice3A_202 = vector.extract_strided_slice %get3A_131 {offsets = [4], sizes = [1], strides = [1]} : vector<16xi32> to vector<1xi32>
      %squeeze3A_203 = vector.extract %slice3A_202[0] : i32 from vector<1xi32>
      %mul3A_204 = arith.constant 16 : i32
      %mul3A_205 = arith.muli %scan3A_125, %mul3A_204 : i32
      %add3A_206 = arith.constant 4 : i32
      %add3A_207 = arith.addi %mul3A_205, %add3A_206 : i32
      %dma_start3A_208 = arith.constant 0 : i32
      %dma_start3A_209 = tpu.memref_slice %arg9[%add3A_207, %dma_start3A_208] : memref<128x64xf32, #tpu.memory_space<vmem>> -> memref<1x64xf32, #tpu.memory_space<vmem>>
      %dma_start3A_210 = tpu.memref_squeeze %dma_start3A_209 : memref<1x64xf32, #tpu.memory_space<vmem>> -> memref<64xf32, #tpu.memory_space<vmem>>
      %dma_start3A_211 = arith.constant 0 : i32
      %dma_start3A_212 = tpu.memref_slice %arg4[%squeeze3A_203, %dma_start3A_211] : memref<1000000x64xf32, #tpu.memory_space<hbm>> -> memref<1x64xf32, #tpu.memory_space<hbm>>
      %dma_start3A_213 = tpu.memref_squeeze %dma_start3A_212 : memref<1x64xf32, #tpu.memory_space<hbm>> -> memref<64xf32, #tpu.memory_space<hbm>>
      %dma_start3A_214 = arith.constant 0 : i32
      %dma_start3A_215 = tpu.memref_slice %arg9[%add3A_207, %dma_start3A_214] : memref<128x64xf32, #tpu.memory_space<vmem>> -> memref<1x64xf32, #tpu.memory_space<vmem>>
      %dma_start3A_216 = tpu.memref_squeeze %dma_start3A_215 : memref<1x64xf32, #tpu.memory_space<vmem>> -> memref<64xf32, #tpu.memory_space<vmem>>
      %dma_start3A_217 = arith.constant 0 : i32
      %dma_start3A_218 = tpu.memref_slice %arg4[%squeeze3A_203, %dma_start3A_217] : memref<1000000x64xf32, #tpu.memory_space<hbm>> -> memref<1x64xf32, #tpu.memory_space<hbm>>
      %dma_start3A_219 = tpu.memref_squeeze %dma_start3A_218 : memref<1x64xf32, #tpu.memory_space<hbm>> -> memref<64xf32, #tpu.memory_space<hbm>>
      tpu.enqueue_dma source(%dma_start3A_219 : memref<64xf32, #tpu.memory_space<hbm>>) target(%dma_start3A_216 : memref<64xf32, #tpu.memory_space<vmem>>) target_semaphore(%arg14 : memref<!tpu.dma_semaphore, #tpu.memory_space<semaphore_mem>>)
      %slice3A_220 = vector.extract_strided_slice %get3A_131 {offsets = [5], sizes = [1], strides = [1]} : vector<16xi32> to vector<1xi32>
      %squeeze3A_221 = vector.extract %slice3A_220[0] : i32 from vector<1xi32>
      %mul3A_222 = arith.constant 16 : i32
      %mul3A_223 = arith.muli %scan3A_125, %mul3A_222 : i32
      %add3A_224 = arith.constant 5 : i32
      %add3A_225 = arith.addi %mul3A_223, %add3A_224 : i32
      %dma_start3A_226 = arith.constant 0 : i32
      %dma_start3A_227 = tpu.memref_slice %arg9[%add3A_225, %dma_start3A_226] : memref<128x64xf32, #tpu.memory_space<vmem>> -> memref<1x64xf32, #tpu.memory_space<vmem>>
      %dma_start3A_228 = tpu.memref_squeeze %dma_start3A_227 : memref<1x64xf32, #tpu.memory_space<vmem>> -> memref<64xf32, #tpu.memory_space<vmem>>
      %dma_start3A_229 = arith.constant 0 : i32
      %dma_start3A_230 = tpu.memref_slice %arg4[%squeeze3A_221, %dma_start3A_229] : memref<1000000x64xf32, #tpu.memory_space<hbm>> -> memref<1x64xf32, #tpu.memory_space<hbm>>
      %dma_start3A_231 = tpu.memref_squeeze %dma_start3A_230 : memref<1x64xf32, #tpu.memory_space<hbm>> -> memref<64xf32, #tpu.memory_space<hbm>>
      %dma_start3A_232 = arith.constant 0 : i32
      %dma_start3A_233 = tpu.memref_slice %arg9[%add3A_225, %dma_start3A_232] : memref<128x64xf32, #tpu.memory_space<vmem>> -> memref<1x64xf32, #tpu.memory_space<vmem>>
      %dma_start3A_234 = tpu.memref_squeeze %dma_start3A_233 : memref<1x64xf32, #tpu.memory_space<vmem>> -> memref<64xf32, #tpu.memory_space<vmem>>
      %dma_start3A_235 = arith.constant 0 : i32
      %dma_start3A_236 = tpu.memref_slice %arg4[%squeeze3A_221, %dma_start3A_235] : memref<1000000x64xf32, #tpu.memory_space<hbm>> -> memref<1x64xf32, #tpu.memory_space<hbm>>
      %dma_start3A_237 = tpu.memref_squeeze %dma_start3A_236 : memref<1x64xf32, #tpu.memory_space<hbm>> -> memref<64xf32, #tpu.memory_space<hbm>>
      tpu.enqueue_dma source(%dma_start3A_237 : memref<64xf32, #tpu.memory_space<hbm>>) target(%dma_start3A_234 : memref<64xf32, #tpu.memory_space<vmem>>) target_semaphore(%arg14 : memref<!tpu.dma_semaphore, #tpu.memory_space<semaphore_mem>>)
      %slice3A_238 = vector.extract_strided_slice %get3A_131 {offsets = [6], sizes = [1], strides = [1]} : vector<16xi32> to vector<1xi32>
      %squeeze3A_239 = vector.extract %slice3A_238[0] : i32 from vector<1xi32>
      %mul3A_240 = arith.constant 16 : i32
      %mul3A_241 = arith.muli %scan3A_125, %mul3A_240 : i32
      %add3A_242 = arith.constant 6 : i32
      %add3A_243 = arith.addi %mul3A_241, %add3A_242 : i32
      %dma_start3A_244 = arith.constant 0 : i32
      %dma_start3A_245 = tpu.memref_slice %arg9[%add3A_243, %dma_start3A_244] : memref<128x64xf32, #tpu.memory_space<vmem>> -> memref<1x64xf32, #tpu.memory_space<vmem>>
      %dma_start3A_246 = tpu.memref_squeeze %dma_start3A_245 : memref<1x64xf32, #tpu.memory_space<vmem>> -> memref<64xf32, #tpu.memory_space<vmem>>
      %dma_start3A_247 = arith.constant 0 : i32
      %dma_start3A_248 = tpu.memref_slice %arg4[%squeeze3A_239, %dma_start3A_247] : memref<1000000x64xf32, #tpu.memory_space<hbm>> -> memref<1x64xf32, #tpu.memory_space<hbm>>
      %dma_start3A_249 = tpu.memref_squeeze %dma_start3A_248 : memref<1x64xf32, #tpu.memory_space<hbm>> -> memref<64xf32, #tpu.memory_space<hbm>>
      %dma_start3A_250 = arith.constant 0 : i32
      %dma_start3A_251 = tpu.memref_slice %arg9[%add3A_243, %dma_start3A_250] : memref<128x64xf32, #tpu.memory_space<vmem>> -> memref<1x64xf32, #tpu.memory_space<vmem>>
      %dma_start3A_252 = tpu.memref_squeeze %dma_start3A_251 : memref<1x64xf32, #tpu.memory_space<vmem>> -> memref<64xf32, #tpu.memory_space<vmem>>
      %dma_start3A_253 = arith.constant 0 : i32
      %dma_start3A_254 = tpu.memref_slice %arg4[%squeeze3A_239, %dma_start3A_253] : memref<1000000x64xf32, #tpu.memory_space<hbm>> -> memref<1x64xf32, #tpu.memory_space<hbm>>
      %dma_start3A_255 = tpu.memref_squeeze %dma_start3A_254 : memref<1x64xf32, #tpu.memory_space<hbm>> -> memref<64xf32, #tpu.memory_space<hbm>>
      tpu.enqueue_dma source(%dma_start3A_255 : memref<64xf32, #tpu.memory_space<hbm>>) target(%dma_start3A_252 : memref<64xf32, #tpu.memory_space<vmem>>) target_semaphore(%arg14 : memref<!tpu.dma_semaphore, #tpu.memory_space<semaphore_mem>>)
      %slice3A_256 = vector.extract_strided_slice %get3A_131 {offsets = [7], sizes = [1], strides = [1]} : vector<16xi32> to vector<1xi32>
      %squeeze3A_257 = vector.extract %slice3A_256[0] : i32 from vector<1xi32>
      %mul3A_258 = arith.constant 16 : i32
      %mul3A_259 = arith.muli %scan3A_125, %mul3A_258 : i32
      %add3A_260 = arith.constant 7 : i32
      %add3A_261 = arith.addi %mul3A_259, %add3A_260 : i32
      %dma_start3A_262 = arith.constant 0 : i32
      %dma_start3A_263 = tpu.memref_slice %arg9[%add3A_261, %dma_start3A_262] : memref<128x64xf32, #tpu.memory_space<vmem>> -> memref<1x64xf32, #tpu.memory_space<vmem>>
      %dma_start3A_264 = tpu.memref_squeeze %dma_start3A_263 : memref<1x64xf32, #tpu.memory_space<vmem>> -> memref<64xf32, #tpu.memory_space<vmem>>
      %dma_start3A_265 = arith.constant 0 : i32
      %dma_start3A_266 = tpu.memref_slice %arg4[%squeeze3A_257, %dma_start3A_265] : memref<1000000x64xf32, #tpu.memory_space<hbm>> -> memref<1x64xf32, #tpu.memory_space<hbm>>
      %dma_start3A_267 = tpu.memref_squeeze %dma_start3A_266 : memref<1x64xf32, #tpu.memory_space<hbm>> -> memref<64xf32, #tpu.memory_space<hbm>>
      %dma_start3A_268 = arith.constant 0 : i32
      %dma_start3A_269 = tpu.memref_slice %arg9[%add3A_261, %dma_start3A_268] : memref<128x64xf32, #tpu.memory_space<vmem>> -> memref<1x64xf32, #tpu.memory_space<vmem>>
      %dma_start3A_270 = tpu.memref_squeeze %dma_start3A_269 : memref<1x64xf32, #tpu.memory_space<vmem>> -> memref<64xf32, #tpu.memory_space<vmem>>
      %dma_start3A_271 = arith.constant 0 : i32
      %dma_start3A_272 = tpu.memref_slice %arg4[%squeeze3A_257, %dma_start3A_271] : memref<1000000x64xf32, #tpu.memory_space<hbm>> -> memref<1x64xf32, #tpu.memory_space<hbm>>
      %dma_start3A_273 = tpu.memref_squeeze %dma_start3A_272 : memref<1x64xf32, #tpu.memory_space<hbm>> -> memref<64xf32, #tpu.memory_space<hbm>>
      tpu.enqueue_dma source(%dma_start3A_273 : memref<64xf32, #tpu.memory_space<hbm>>) target(%dma_start3A_270 : memref<64xf32, #tpu.memory_space<vmem>>) target_semaphore(%arg14 : memref<!tpu.dma_semaphore, #tpu.memory_space<semaphore_mem>>)
      %slice3A_274 = vector.extract_strided_slice %get3A_131 {offsets = [8], sizes = [1], strides = [1]} : vector<16xi32> to vector<1xi32>
      %squeeze3A_275 = vector.extract %slice3A_274[0] : i32 from vector<1xi32>
      %mul3A_276 = arith.constant 16 : i32
      %mul3A_277 = arith.muli %scan3A_125, %mul3A_276 : i32
      %add3A_278 = arith.constant 8 : i32
      %add3A_279 = arith.addi %mul3A_277, %add3A_278 : i32
      %dma_start3A_280 = arith.constant 0 : i32
      %dma_start3A_281 = tpu.memref_slice %arg9[%add3A_279, %dma_start3A_280] : memref<128x64xf32, #tpu.memory_space<vmem>> -> memref<1x64xf32, #tpu.memory_space<vmem>>
      %dma_start3A_282 = tpu.memref_squeeze %dma_start3A_281 : memref<1x64xf32, #tpu.memory_space<vmem>> -> memref<64xf32, #tpu.memory_space<vmem>>
      %dma_start3A_283 = arith.constant 0 : i32
      %dma_start3A_284 = tpu.memref_slice %arg4[%squeeze3A_275, %dma_start3A_283] : memref<1000000x64xf32, #tpu.memory_space<hbm>> -> memref<1x64xf32, #tpu.memory_space<hbm>>
      %dma_start3A_285 = tpu.memref_squeeze %dma_start3A_284 : memref<1x64xf32, #tpu.memory_space<hbm>> -> memref<64xf32, #tpu.memory_space<hbm>>
      %dma_start3A_286 = arith.constant 0 : i32
      %dma_start3A_287 = tpu.memref_slice %arg9[%add3A_279, %dma_start3A_286] : memref<128x64xf32, #tpu.memory_space<vmem>> -> memref<1x64xf32, #tpu.memory_space<vmem>>
      %dma_start3A_288 = tpu.memref_squeeze %dma_start3A_287 : memref<1x64xf32, #tpu.memory_space<vmem>> -> memref<64xf32, #tpu.memory_space<vmem>>
      %dma_start3A_289 = arith.constant 0 : i32
      %dma_start3A_290 = tpu.memref_slice %arg4[%squeeze3A_275, %dma_start3A_289] : memref<1000000x64xf32, #tpu.memory_space<hbm>> -> memref<1x64xf32, #tpu.memory_space<hbm>>
      %dma_start3A_291 = tpu.memref_squeeze %dma_start3A_290 : memref<1x64xf32, #tpu.memory_space<hbm>> -> memref<64xf32, #tpu.memory_space<hbm>>
      tpu.enqueue_dma source(%dma_start3A_291 : memref<64xf32, #tpu.memory_space<hbm>>) target(%dma_start3A_288 : memref<64xf32, #tpu.memory_space<vmem>>) target_semaphore(%arg14 : memref<!tpu.dma_semaphore, #tpu.memory_space<semaphore_mem>>)
      %slice3A_292 = vector.extract_strided_slice %get3A_131 {offsets = [9], sizes = [1], strides = [1]} : vector<16xi32> to vector<1xi32>
      %squeeze3A_293 = vector.extract %slice3A_292[0] : i32 from vector<1xi32>
      %mul3A_294 = arith.constant 16 : i32
      %mul3A_295 = arith.muli %scan3A_125, %mul3A_294 : i32
      %add3A_296 = arith.constant 9 : i32
      %add3A_297 = arith.addi %mul3A_295, %add3A_296 : i32
      %dma_start3A_298 = arith.constant 0 : i32
      %dma_start3A_299 = tpu.memref_slice %arg9[%add3A_297, %dma_start3A_298] : memref<128x64xf32, #tpu.memory_space<vmem>> -> memref<1x64xf32, #tpu.memory_space<vmem>>
      %dma_start3A_300 = tpu.memref_squeeze %dma_start3A_299 : memref<1x64xf32, #tpu.memory_space<vmem>> -> memref<64xf32, #tpu.memory_space<vmem>>
      %dma_start3A_301 = arith.constant 0 : i32
      %dma_start3A_302 = tpu.memref_slice %arg4[%squeeze3A_293, %dma_start3A_301] : memref<1000000x64xf32, #tpu.memory_space<hbm>> -> memref<1x64xf32, #tpu.memory_space<hbm>>
      %dma_start3A_303 = tpu.memref_squeeze %dma_start3A_302 : memref<1x64xf32, #tpu.memory_space<hbm>> -> memref<64xf32, #tpu.memory_space<hbm>>
      %dma_start3A_304 = arith.constant 0 : i32
      %dma_start3A_305 = tpu.memref_slice %arg9[%add3A_297, %dma_start3A_304] : memref<128x64xf32, #tpu.memory_space<vmem>> -> memref<1x64xf32, #tpu.memory_space<vmem>>
      %dma_start3A_306 = tpu.memref_squeeze %dma_start3A_305 : memref<1x64xf32, #tpu.memory_space<vmem>> -> memref<64xf32, #tpu.memory_space<vmem>>
      %dma_start3A_307 = arith.constant 0 : i32
      %dma_start3A_308 = tpu.memref_slice %arg4[%squeeze3A_293, %dma_start3A_307] : memref<1000000x64xf32, #tpu.memory_space<hbm>> -> memref<1x64xf32, #tpu.memory_space<hbm>>
      %dma_start3A_309 = tpu.memref_squeeze %dma_start3A_308 : memref<1x64xf32, #tpu.memory_space<hbm>> -> memref<64xf32, #tpu.memory_space<hbm>>
      tpu.enqueue_dma source(%dma_start3A_309 : memref<64xf32, #tpu.memory_space<hbm>>) target(%dma_start3A_306 : memref<64xf32, #tpu.memory_space<vmem>>) target_semaphore(%arg14 : memref<!tpu.dma_semaphore, #tpu.memory_space<semaphore_mem>>)
      %slice3A_310 = vector.extract_strided_slice %get3A_131 {offsets = [10], sizes = [1], strides = [1]} : vector<16xi32> to vector<1xi32>
      %squeeze3A_311 = vector.extract %slice3A_310[0] : i32 from vector<1xi32>
      %mul3A_312 = arith.constant 16 : i32
      %mul3A_313 = arith.muli %scan3A_125, %mul3A_312 : i32
      %add3A_314 = arith.constant 10 : i32
      %add3A_315 = arith.addi %mul3A_313, %add3A_314 : i32
      %dma_start3A_316 = arith.constant 0 : i32
      %dma_start3A_317 = tpu.memref_slice %arg9[%add3A_315, %dma_start3A_316] : memref<128x64xf32, #tpu.memory_space<vmem>> -> memref<1x64xf32, #tpu.memory_space<vmem>>
      %dma_start3A_318 = tpu.memref_squeeze %dma_start3A_317 : memref<1x64xf32, #tpu.memory_space<vmem>> -> memref<64xf32, #tpu.memory_space<vmem>>
      %dma_start3A_319 = arith.constant 0 : i32
      %dma_start3A_320 = tpu.memref_slice %arg4[%squeeze3A_311, %dma_start3A_319] : memref<1000000x64xf32, #tpu.memory_space<hbm>> -> memref<1x64xf32, #tpu.memory_space<hbm>>
      %dma_start3A_321 = tpu.memref_squeeze %dma_start3A_320 : memref<1x64xf32, #tpu.memory_space<hbm>> -> memref<64xf32, #tpu.memory_space<hbm>>
      %dma_start3A_322 = arith.constant 0 : i32
      %dma_start3A_323 = tpu.memref_slice %arg9[%add3A_315, %dma_start3A_322] : memref<128x64xf32, #tpu.memory_space<vmem>> -> memref<1x64xf32, #tpu.memory_space<vmem>>
      %dma_start3A_324 = tpu.memref_squeeze %dma_start3A_323 : memref<1x64xf32, #tpu.memory_space<vmem>> -> memref<64xf32, #tpu.memory_space<vmem>>
      %dma_start3A_325 = arith.constant 0 : i32
      %dma_start3A_326 = tpu.memref_slice %arg4[%squeeze3A_311, %dma_start3A_325] : memref<1000000x64xf32, #tpu.memory_space<hbm>> -> memref<1x64xf32, #tpu.memory_space<hbm>>
      %dma_start3A_327 = tpu.memref_squeeze %dma_start3A_326 : memref<1x64xf32, #tpu.memory_space<hbm>> -> memref<64xf32, #tpu.memory_space<hbm>>
      tpu.enqueue_dma source(%dma_start3A_327 : memref<64xf32, #tpu.memory_space<hbm>>) target(%dma_start3A_324 : memref<64xf32, #tpu.memory_space<vmem>>) target_semaphore(%arg14 : memref<!tpu.dma_semaphore, #tpu.memory_space<semaphore_mem>>)
      %slice3A_328 = vector.extract_strided_slice %get3A_131 {offsets = [11], sizes = [1], strides = [1]} : vector<16xi32> to vector<1xi32>
      %squeeze3A_329 = vector.extract %slice3A_328[0] : i32 from vector<1xi32>
      %mul3A_330 = arith.constant 16 : i32
      %mul3A_331 = arith.muli %scan3A_125, %mul3A_330 : i32
      %add3A_332 = arith.constant 11 : i32
      %add3A_333 = arith.addi %mul3A_331, %add3A_332 : i32
      %dma_start3A_334 = arith.constant 0 : i32
      %dma_start3A_335 = tpu.memref_slice %arg9[%add3A_333, %dma_start3A_334] : memref<128x64xf32, #tpu.memory_space<vmem>> -> memref<1x64xf32, #tpu.memory_space<vmem>>
      %dma_start3A_336 = tpu.memref_squeeze %dma_start3A_335 : memref<1x64xf32, #tpu.memory_space<vmem>> -> memref<64xf32, #tpu.memory_space<vmem>>
      %dma_start3A_337 = arith.constant 0 : i32
      %dma_start3A_338 = tpu.memref_slice %arg4[%squeeze3A_329, %dma_start3A_337] : memref<1000000x64xf32, #tpu.memory_space<hbm>> -> memref<1x64xf32, #tpu.memory_space<hbm>>
      %dma_start3A_339 = tpu.memref_squeeze %dma_start3A_338 : memref<1x64xf32, #tpu.memory_space<hbm>> -> memref<64xf32, #tpu.memory_space<hbm>>
      %dma_start3A_340 = arith.constant 0 : i32
      %dma_start3A_341 = tpu.memref_slice %arg9[%add3A_333, %dma_start3A_340] : memref<128x64xf32, #tpu.memory_space<vmem>> -> memref<1x64xf32, #tpu.memory_space<vmem>>
      %dma_start3A_342 = tpu.memref_squeeze %dma_start3A_341 : memref<1x64xf32, #tpu.memory_space<vmem>> -> memref<64xf32, #tpu.memory_space<vmem>>
      %dma_start3A_343 = arith.constant 0 : i32
      %dma_start3A_344 = tpu.memref_slice %arg4[%squeeze3A_329, %dma_start3A_343] : memref<1000000x64xf32, #tpu.memory_space<hbm>> -> memref<1x64xf32, #tpu.memory_space<hbm>>
      %dma_start3A_345 = tpu.memref_squeeze %dma_start3A_344 : memref<1x64xf32, #tpu.memory_space<hbm>> -> memref<64xf32, #tpu.memory_space<hbm>>
      tpu.enqueue_dma source(%dma_start3A_345 : memref<64xf32, #tpu.memory_space<hbm>>) target(%dma_start3A_342 : memref<64xf32, #tpu.memory_space<vmem>>) target_semaphore(%arg14 : memref<!tpu.dma_semaphore, #tpu.memory_space<semaphore_mem>>)
      %slice3A_346 = vector.extract_strided_slice %get3A_131 {offsets = [12], sizes = [1], strides = [1]} : vector<16xi32> to vector<1xi32>
      %squeeze3A_347 = vector.extract %slice3A_346[0] : i32 from vector<1xi32>
      %mul3A_348 = arith.constant 16 : i32
      %mul3A_349 = arith.muli %scan3A_125, %mul3A_348 : i32
      %add3A_350 = arith.constant 12 : i32
      %add3A_351 = arith.addi %mul3A_349, %add3A_350 : i32
      %dma_start3A_352 = arith.constant 0 : i32
      %dma_start3A_353 = tpu.memref_slice %arg9[%add3A_351, %dma_start3A_352] : memref<128x64xf32, #tpu.memory_space<vmem>> -> memref<1x64xf32, #tpu.memory_space<vmem>>
      %dma_start3A_354 = tpu.memref_squeeze %dma_start3A_353 : memref<1x64xf32, #tpu.memory_space<vmem>> -> memref<64xf32, #tpu.memory_space<vmem>>
      %dma_start3A_355 = arith.constant 0 : i32
      %dma_start3A_356 = tpu.memref_slice %arg4[%squeeze3A_347, %dma_start3A_355] : memref<1000000x64xf32, #tpu.memory_space<hbm>> -> memref<1x64xf32, #tpu.memory_space<hbm>>
      %dma_start3A_357 = tpu.memref_squeeze %dma_start3A_356 : memref<1x64xf32, #tpu.memory_space<hbm>> -> memref<64xf32, #tpu.memory_space<hbm>>
      %dma_start3A_358 = arith.constant 0 : i32
      %dma_start3A_359 = tpu.memref_slice %arg9[%add3A_351, %dma_start3A_358] : memref<128x64xf32, #tpu.memory_space<vmem>> -> memref<1x64xf32, #tpu.memory_space<vmem>>
      %dma_start3A_360 = tpu.memref_squeeze %dma_start3A_359 : memref<1x64xf32, #tpu.memory_space<vmem>> -> memref<64xf32, #tpu.memory_space<vmem>>
      %dma_start3A_361 = arith.constant 0 : i32
      %dma_start3A_362 = tpu.memref_slice %arg4[%squeeze3A_347, %dma_start3A_361] : memref<1000000x64xf32, #tpu.memory_space<hbm>> -> memref<1x64xf32, #tpu.memory_space<hbm>>
      %dma_start3A_363 = tpu.memref_squeeze %dma_start3A_362 : memref<1x64xf32, #tpu.memory_space<hbm>> -> memref<64xf32, #tpu.memory_space<hbm>>
      tpu.enqueue_dma source(%dma_start3A_363 : memref<64xf32, #tpu.memory_space<hbm>>) target(%dma_start3A_360 : memref<64xf32, #tpu.memory_space<vmem>>) target_semaphore(%arg14 : memref<!tpu.dma_semaphore, #tpu.memory_space<semaphore_mem>>)
      %slice3A_364 = vector.extract_strided_slice %get3A_131 {offsets = [13], sizes = [1], strides = [1]} : vector<16xi32> to vector<1xi32>
      %squeeze3A_365 = vector.extract %slice3A_364[0] : i32 from vector<1xi32>
      %mul3A_366 = arith.constant 16 : i32
      %mul3A_367 = arith.muli %scan3A_125, %mul3A_366 : i32
      %add3A_368 = arith.constant 13 : i32
      %add3A_369 = arith.addi %mul3A_367, %add3A_368 : i32
      %dma_start3A_370 = arith.constant 0 : i32
      %dma_start3A_371 = tpu.memref_slice %arg9[%add3A_369, %dma_start3A_370] : memref<128x64xf32, #tpu.memory_space<vmem>> -> memref<1x64xf32, #tpu.memory_space<vmem>>
      %dma_start3A_372 = tpu.memref_squeeze %dma_start3A_371 : memref<1x64xf32, #tpu.memory_space<vmem>> -> memref<64xf32, #tpu.memory_space<vmem>>
      %dma_start3A_373 = arith.constant 0 : i32
      %dma_start3A_374 = tpu.memref_slice %arg4[%squeeze3A_365, %dma_start3A_373] : memref<1000000x64xf32, #tpu.memory_space<hbm>> -> memref<1x64xf32, #tpu.memory_space<hbm>>
      %dma_start3A_375 = tpu.memref_squeeze %dma_start3A_374 : memref<1x64xf32, #tpu.memory_space<hbm>> -> memref<64xf32, #tpu.memory_space<hbm>>
      %dma_start3A_376 = arith.constant 0 : i32
      %dma_start3A_377 = tpu.memref_slice %arg9[%add3A_369, %dma_start3A_376] : memref<128x64xf32, #tpu.memory_space<vmem>> -> memref<1x64xf32, #tpu.memory_space<vmem>>
      %dma_start3A_378 = tpu.memref_squeeze %dma_start3A_377 : memref<1x64xf32, #tpu.memory_space<vmem>> -> memref<64xf32, #tpu.memory_space<vmem>>
      %dma_start3A_379 = arith.constant 0 : i32
      %dma_start3A_380 = tpu.memref_slice %arg4[%squeeze3A_365, %dma_start3A_379] : memref<1000000x64xf32, #tpu.memory_space<hbm>> -> memref<1x64xf32, #tpu.memory_space<hbm>>
      %dma_start3A_381 = tpu.memref_squeeze %dma_start3A_380 : memref<1x64xf32, #tpu.memory_space<hbm>> -> memref<64xf32, #tpu.memory_space<hbm>>
      tpu.enqueue_dma source(%dma_start3A_381 : memref<64xf32, #tpu.memory_space<hbm>>) target(%dma_start3A_378 : memref<64xf32, #tpu.memory_space<vmem>>) target_semaphore(%arg14 : memref<!tpu.dma_semaphore, #tpu.memory_space<semaphore_mem>>)
      %slice3A_382 = vector.extract_strided_slice %get3A_131 {offsets = [14], sizes = [1], strides = [1]} : vector<16xi32> to vector<1xi32>
      %squeeze3A_383 = vector.extract %slice3A_382[0] : i32 from vector<1xi32>
      %mul3A_384 = arith.constant 16 : i32
      %mul3A_385 = arith.muli %scan3A_125, %mul3A_384 : i32
      %add3A_386 = arith.constant 14 : i32
      %add3A_387 = arith.addi %mul3A_385, %add3A_386 : i32
      %dma_start3A_388 = arith.constant 0 : i32
      %dma_start3A_389 = tpu.memref_slice %arg9[%add3A_387, %dma_start3A_388] : memref<128x64xf32, #tpu.memory_space<vmem>> -> memref<1x64xf32, #tpu.memory_space<vmem>>
      %dma_start3A_390 = tpu.memref_squeeze %dma_start3A_389 : memref<1x64xf32, #tpu.memory_space<vmem>> -> memref<64xf32, #tpu.memory_space<vmem>>
      %dma_start3A_391 = arith.constant 0 : i32
      %dma_start3A_392 = tpu.memref_slice %arg4[%squeeze3A_383, %dma_start3A_391] : memref<1000000x64xf32, #tpu.memory_space<hbm>> -> memref<1x64xf32, #tpu.memory_space<hbm>>
      %dma_start3A_393 = tpu.memref_squeeze %dma_start3A_392 : memref<1x64xf32, #tpu.memory_space<hbm>> -> memref<64xf32, #tpu.memory_space<hbm>>
      %dma_start3A_394 = arith.constant 0 : i32
      %dma_start3A_395 = tpu.memref_slice %arg9[%add3A_387, %dma_start3A_394] : memref<128x64xf32, #tpu.memory_space<vmem>> -> memref<1x64xf32, #tpu.memory_space<vmem>>
      %dma_start3A_396 = tpu.memref_squeeze %dma_start3A_395 : memref<1x64xf32, #tpu.memory_space<vmem>> -> memref<64xf32, #tpu.memory_space<vmem>>
      %dma_start3A_397 = arith.constant 0 : i32
      %dma_start3A_398 = tpu.memref_slice %arg4[%squeeze3A_383, %dma_start3A_397] : memref<1000000x64xf32, #tpu.memory_space<hbm>> -> memref<1x64xf32, #tpu.memory_space<hbm>>
      %dma_start3A_399 = tpu.memref_squeeze %dma_start3A_398 : memref<1x64xf32, #tpu.memory_space<hbm>> -> memref<64xf32, #tpu.memory_space<hbm>>
      tpu.enqueue_dma source(%dma_start3A_399 : memref<64xf32, #tpu.memory_space<hbm>>) target(%dma_start3A_396 : memref<64xf32, #tpu.memory_space<vmem>>) target_semaphore(%arg14 : memref<!tpu.dma_semaphore, #tpu.memory_space<semaphore_mem>>)
      %slice3A_400 = vector.extract_strided_slice %get3A_131 {offsets = [15], sizes = [1], strides = [1]} : vector<16xi32> to vector<1xi32>
      %squeeze3A_401 = vector.extract %slice3A_400[0] : i32 from vector<1xi32>
      %mul3A_402 = arith.constant 16 : i32
      %mul3A_403 = arith.muli %scan3A_125, %mul3A_402 : i32
      %add3A_404 = arith.constant 15 : i32
      %add3A_405 = arith.addi %mul3A_403, %add3A_404 : i32
      %dma_start3A_406 = arith.constant 0 : i32
      %dma_start3A_407 = tpu.memref_slice %arg9[%add3A_405, %dma_start3A_406] : memref<128x64xf32, #tpu.memory_space<vmem>> -> memref<1x64xf32, #tpu.memory_space<vmem>>
      %dma_start3A_408 = tpu.memref_squeeze %dma_start3A_407 : memref<1x64xf32, #tpu.memory_space<vmem>> -> memref<64xf32, #tpu.memory_space<vmem>>
      %dma_start3A_409 = arith.constant 0 : i32
      %dma_start3A_410 = tpu.memref_slice %arg4[%squeeze3A_401, %dma_start3A_409] : memref<1000000x64xf32, #tpu.memory_space<hbm>> -> memref<1x64xf32, #tpu.memory_space<hbm>>
      %dma_start3A_411 = tpu.memref_squeeze %dma_start3A_410 : memref<1x64xf32, #tpu.memory_space<hbm>> -> memref<64xf32, #tpu.memory_space<hbm>>
      %dma_start3A_412 = arith.constant 0 : i32
      %dma_start3A_413 = tpu.memref_slice %arg9[%add3A_405, %dma_start3A_412] : memref<128x64xf32, #tpu.memory_space<vmem>> -> memref<1x64xf32, #tpu.memory_space<vmem>>
      %dma_start3A_414 = tpu.memref_squeeze %dma_start3A_413 : memref<1x64xf32, #tpu.memory_space<vmem>> -> memref<64xf32, #tpu.memory_space<vmem>>
      %dma_start3A_415 = arith.constant 0 : i32
      %dma_start3A_416 = tpu.memref_slice %arg4[%squeeze3A_401, %dma_start3A_415] : memref<1000000x64xf32, #tpu.memory_space<hbm>> -> memref<1x64xf32, #tpu.memory_space<hbm>>
      %dma_start3A_417 = tpu.memref_squeeze %dma_start3A_416 : memref<1x64xf32, #tpu.memory_space<hbm>> -> memref<64xf32, #tpu.memory_space<hbm>>
      tpu.enqueue_dma source(%dma_start3A_417 : memref<64xf32, #tpu.memory_space<hbm>>) target(%dma_start3A_414 : memref<64xf32, #tpu.memory_space<vmem>>) target_semaphore(%arg14 : memref<!tpu.dma_semaphore, #tpu.memory_space<semaphore_mem>>)
    }
    %scan3A_58 = arith.constant 8 : i32
    %dma_wait3A_59 = arith.constant 0 : i32
    %dma_wait3A_60 = tpu.memref_slice %arg3[%add3A_21, %dma_wait3A_59] : memref<16384x64xf32, #tpu.memory_space<hbm>> -> memref<128x64xf32, #tpu.memory_space<hbm>>
    %dma_wait3A_61 = arith.constant 0 : i32
    %dma_wait3A_62 = tpu.memref_slice %arg3[%add3A_21, %dma_wait3A_61] : memref<16384x64xf32, #tpu.memory_space<hbm>> -> memref<128x64xf32, #tpu.memory_space<hbm>>
    tpu.wait_dma2 semaphore(%arg13 : memref<!tpu.dma_semaphore, #tpu.memory_space<semaphore_mem>>) src(%dma_wait3A_62 : memref<128x64xf32, #tpu.memory_space<hbm>>) dst(%arg8 : memref<128x64xf32, #tpu.memory_space<vmem>>)
    %dma_wait3A_63 = arith.constant 0 : i32
    %dma_wait3A_64 = arith.constant 0 : i32
    %dma_wait3A_65 = tpu.memref_slice %arg4[%dma_wait3A_63, %dma_wait3A_64] : memref<1000000x64xf32, #tpu.memory_space<hbm>> -> memref<128x64xf32, #tpu.memory_space<hbm>>
    %dma_wait3A_66 = arith.constant 0 : i32
    %dma_wait3A_67 = arith.constant 0 : i32
    %dma_wait3A_68 = tpu.memref_slice %arg4[%dma_wait3A_66, %dma_wait3A_67] : memref<1000000x64xf32, #tpu.memory_space<hbm>> -> memref<128x64xf32, #tpu.memory_space<hbm>>
    tpu.wait_dma2 semaphore(%arg15 : memref<!tpu.dma_semaphore, #tpu.memory_space<semaphore_mem>>) src(%dma_wait3A_68 : memref<128x64xf32, #tpu.memory_space<hbm>>) dst(%arg10 : memref<128x64xf32, #tpu.memory_space<vmem>>)
    %scan3A_69 = arith.constant 0 : i32
    %scan3A_70 = arith.constant 128 : i32
    %scan3A_71 = arith.addi %scan3A_69, %scan3A_70 : i32
    %scan3A_72 = arith.constant 1 : i32
    %scan3A_73:4 = scf.for %scan3A_125 = %scan3A_69 to %scan3A_71 step %scan3A_72 iter_args(%scan3A_126 = %scan3A_45#0, %scan3A_127 = %scan3A_45#1, %scan3A_128 = %scan3A_45#2, %scan3A_129 = %scan3A_45#3) -> (vector<16xf32>, vector<16xf32>, vector<16xf32>, vector<16xf32>)  : i32 {
      %get3A = arith.index_cast %scan3A_125 : i32 to index
      %get3A_130 = arith.constant 0 : index
      %get3A_131 = tpu.vector_load %arg8[%get3A, %get3A_130] {strides = array<i32>} : memref<128x64xf32, #tpu.memory_space<vmem>>, vector<1x16xf32>,
      %get3A_132 = vector.shape_cast %get3A_131 : vector<1x16xf32> to vector<16xf32>
      %get3A_133 = arith.index_cast %scan3A_125 : i32 to index
      %get3A_134 = arith.constant 0 : index
      %get3A_135 = tpu.vector_load %arg10[%get3A_133, %get3A_134] {strides = array<i32>} : memref<128x64xf32, #tpu.memory_space<vmem>>, vector<1x16xf32>,
      %get3A_136 = vector.shape_cast %get3A_135 : vector<1x16xf32> to vector<16xf32>
      %sub3A = arith.subf %get3A_132, %get3A_136 : vector<16xf32>
      %mul3A_137 = arith.mulf %sub3A, %sub3A : vector<16xf32>
      %add3A_138 = arith.addf %scan3A_126, %mul3A_137 : vector<16xf32>
      %get3A_139 = arith.index_cast %scan3A_125 : i32 to index
      %get3A_140 = arith.constant 16 : index
      %get3A_141 = tpu.vector_load %arg8[%get3A_139, %get3A_140] {strides = array<i32>} : memref<128x64xf32, #tpu.memory_space<vmem>>, vector<1x16xf32>,
      %get3A_142 = vector.shape_cast %get3A_141 : vector<1x16xf32> to vector<16xf32>
      %get3A_143 = arith.index_cast %scan3A_125 : i32 to index
      %get3A_144 = arith.constant 16 : index
      %get3A_145 = tpu.vector_load %arg10[%get3A_143, %get3A_144] {strides = array<i32>} : memref<128x64xf32, #tpu.memory_space<vmem>>, vector<1x16xf32>,
      %get3A_146 = vector.shape_cast %get3A_145 : vector<1x16xf32> to vector<16xf32>
      %sub3A_147 = arith.subf %get3A_142, %get3A_146 : vector<16xf32>
      %mul3A_148 = arith.mulf %sub3A_147, %sub3A_147 : vector<16xf32>
      %add3A_149 = arith.addf %scan3A_127, %mul3A_148 : vector<16xf32>
      %get3A_150 = arith.index_cast %scan3A_125 : i32 to index
      %get3A_151 = arith.constant 32 : index
      %get3A_152 = tpu.vector_load %arg8[%get3A_150, %get3A_151] {strides = array<i32>} : memref<128x64xf32, #tpu.memory_space<vmem>>, vector<1x16xf32>,
      %get3A_153 = vector.shape_cast %get3A_152 : vector<1x16xf32> to vector<16xf32>
      %get3A_154 = arith.index_cast %scan3A_125 : i32 to index
      %get3A_155 = arith.constant 32 : index
      %get3A_156 = tpu.vector_load %arg10[%get3A_154, %get3A_155] {strides = array<i32>} : memref<128x64xf32, #tpu.memory_space<vmem>>, vector<1x16xf32>,
      %get3A_157 = vector.shape_cast %get3A_156 : vector<1x16xf32> to vector<16xf32>
      %sub3A_158 = arith.subf %get3A_153, %get3A_157 : vector<16xf32>
      %mul3A_159 = arith.mulf %sub3A_158, %sub3A_158 : vector<16xf32>
      %add3A_160 = arith.addf %scan3A_128, %mul3A_159 : vector<16xf32>
      %get3A_161 = arith.index_cast %scan3A_125 : i32 to index
      %get3A_162 = arith.constant 48 : index
      %get3A_163 = tpu.vector_load %arg8[%get3A_161, %get3A_162] {strides = array<i32>} : memref<128x64xf32, #tpu.memory_space<vmem>>, vector<1x16xf32>,
      %get3A_164 = vector.shape_cast %get3A_163 : vector<1x16xf32> to vector<16xf32>
      %get3A_165 = arith.index_cast %scan3A_125 : i32 to index
      %get3A_166 = arith.constant 48 : index
      %get3A_167 = tpu.vector_load %arg10[%get3A_165, %get3A_166] {strides = array<i32>} : memref<128x64xf32, #tpu.memory_space<vmem>>, vector<1x16xf32>,
      %get3A_168 = vector.shape_cast %get3A_167 : vector<1x16xf32> to vector<16xf32>
      %sub3A_169 = arith.subf %get3A_164, %get3A_168 : vector<16xf32>
      %mul3A_170 = arith.mulf %sub3A_169, %sub3A_169 : vector<16xf32>
      %add3A_171 = arith.addf %scan3A_129, %mul3A_170 : vector<16xf32>
      scf.yield %add3A_138, %add3A_149, %add3A_160, %add3A_171 : vector<16xf32>, vector<16xf32>, vector<16xf32>, vector<16xf32>
    }
    %scan3A_74 = arith.constant 128 : i32
    %add3A_75 = arith.constant 384 : i32
    %add3A_76 = arith.addi %mul3A_2, %add3A_75 : i32
    %dma_start3A_77 = arith.constant 0 : i32
    %dma_start3A_78 = tpu.memref_slice %arg3[%add3A_76, %dma_start3A_77] : memref<16384x64xf32, #tpu.memory_space<hbm>> -> memref<128x64xf32, #tpu.memory_space<hbm>>
    %dma_start3A_79 = arith.constant 0 : i32
    %dma_start3A_80 = tpu.memref_slice %arg3[%add3A_76, %dma_start3A_79] : memref<16384x64xf32, #tpu.memory_space<hbm>> -> memref<128x64xf32, #tpu.memory_space<hbm>>
    tpu.enqueue_dma source(%dma_start3A_80 : memref<128x64xf32, #tpu.memory_space<hbm>>) target(%arg8 : memref<128x64xf32, #tpu.memory_space<vmem>>) target_semaphore(%arg13 : memref<!tpu.dma_semaphore, #tpu.memory_space<semaphore_mem>>)
    %scan3A_81 = arith.constant 0 : i32
    %scan3A_82 = arith.constant 0 : i32
    %scan3A_83 = arith.constant 8 : i32
    %scan3A_84 = arith.addi %scan3A_82, %scan3A_83 : i32
    %scan3A_85 = arith.constant 1 : i32
    scf.for %scan3A_125 = %scan3A_82 to %scan3A_84 step %scan3A_85  : i32 {
      %mul3A_126 = arith.constant 16 : i32
      %mul3A_127 = arith.muli %scan3A_125, %mul3A_126 : i32
      %add3A_128 = arith.constant 384 : i32
      %add3A_129 = arith.addi %add3A_128, %mul3A_127 : i32
      %get3A = arith.index_cast %add3A_129 : i32 to index
      %get3A_130 = tpu.vector_load %arg6[%get3A] {strides = array<i32>} : memref<512xi32, #tpu.memory_space<vmem>>, vector<16xi32>,
      %get3A_131 = vector.shape_cast %get3A_130 : vector<16xi32> to vector<16xi32>
      %slice3A = vector.extract_strided_slice %get3A_131 {offsets = [0], sizes = [1], strides = [1]} : vector<16xi32> to vector<1xi32>
      %squeeze3A = vector.extract %slice3A[0] : i32 from vector<1xi32>
      %mul3A_132 = arith.constant 16 : i32
      %mul3A_133 = arith.muli %scan3A_125, %mul3A_132 : i32
      %add3A_134 = arith.constant 0 : i32
      %add3A_135 = arith.addi %mul3A_133, %add3A_134 : i32
      %dma_start3A_136 = arith.constant 0 : i32
      %dma_start3A_137 = tpu.memref_slice %arg10[%add3A_135, %dma_start3A_136] : memref<128x64xf32, #tpu.memory_space<vmem>> -> memref<1x64xf32, #tpu.memory_space<vmem>>
      %dma_start3A_138 = tpu.memref_squeeze %dma_start3A_137 : memref<1x64xf32, #tpu.memory_space<vmem>> -> memref<64xf32, #tpu.memory_space<vmem>>
      %dma_start3A_139 = arith.constant 0 : i32
      %dma_start3A_140 = tpu.memref_slice %arg4[%squeeze3A, %dma_start3A_139] : memref<1000000x64xf32, #tpu.memory_space<hbm>> -> memref<1x64xf32, #tpu.memory_space<hbm>>
      %dma_start3A_141 = tpu.memref_squeeze %dma_start3A_140 : memref<1x64xf32, #tpu.memory_space<hbm>> -> memref<64xf32, #tpu.memory_space<hbm>>
      %dma_start3A_142 = arith.constant 0 : i32
      %dma_start3A_143 = tpu.memref_slice %arg10[%add3A_135, %dma_start3A_142] : memref<128x64xf32, #tpu.memory_space<vmem>> -> memref<1x64xf32, #tpu.memory_space<vmem>>
      %dma_start3A_144 = tpu.memref_squeeze %dma_start3A_143 : memref<1x64xf32, #tpu.memory_space<vmem>> -> memref<64xf32, #tpu.memory_space<vmem>>
      %dma_start3A_145 = arith.constant 0 : i32
      %dma_start3A_146 = tpu.memref_slice %arg4[%squeeze3A, %dma_start3A_145] : memref<1000000x64xf32, #tpu.memory_space<hbm>> -> memref<1x64xf32, #tpu.memory_space<hbm>>
      %dma_start3A_147 = tpu.memref_squeeze %dma_start3A_146 : memref<1x64xf32, #tpu.memory_space<hbm>> -> memref<64xf32, #tpu.memory_space<hbm>>
      tpu.enqueue_dma source(%dma_start3A_147 : memref<64xf32, #tpu.memory_space<hbm>>) target(%dma_start3A_144 : memref<64xf32, #tpu.memory_space<vmem>>) target_semaphore(%arg15 : memref<!tpu.dma_semaphore, #tpu.memory_space<semaphore_mem>>)
      %slice3A_148 = vector.extract_strided_slice %get3A_131 {offsets = [1], sizes = [1], strides = [1]} : vector<16xi32> to vector<1xi32>
      %squeeze3A_149 = vector.extract %slice3A_148[0] : i32 from vector<1xi32>
      %mul3A_150 = arith.constant 16 : i32
      %mul3A_151 = arith.muli %scan3A_125, %mul3A_150 : i32
      %add3A_152 = arith.constant 1 : i32
      %add3A_153 = arith.addi %mul3A_151, %add3A_152 : i32
      %dma_start3A_154 = arith.constant 0 : i32
      %dma_start3A_155 = tpu.memref_slice %arg10[%add3A_153, %dma_start3A_154] : memref<128x64xf32, #tpu.memory_space<vmem>> -> memref<1x64xf32, #tpu.memory_space<vmem>>
      %dma_start3A_156 = tpu.memref_squeeze %dma_start3A_155 : memref<1x64xf32, #tpu.memory_space<vmem>> -> memref<64xf32, #tpu.memory_space<vmem>>
      %dma_start3A_157 = arith.constant 0 : i32
      %dma_start3A_158 = tpu.memref_slice %arg4[%squeeze3A_149, %dma_start3A_157] : memref<1000000x64xf32, #tpu.memory_space<hbm>> -> memref<1x64xf32, #tpu.memory_space<hbm>>
      %dma_start3A_159 = tpu.memref_squeeze %dma_start3A_158 : memref<1x64xf32, #tpu.memory_space<hbm>> -> memref<64xf32, #tpu.memory_space<hbm>>
      %dma_start3A_160 = arith.constant 0 : i32
      %dma_start3A_161 = tpu.memref_slice %arg10[%add3A_153, %dma_start3A_160] : memref<128x64xf32, #tpu.memory_space<vmem>> -> memref<1x64xf32, #tpu.memory_space<vmem>>
      %dma_start3A_162 = tpu.memref_squeeze %dma_start3A_161 : memref<1x64xf32, #tpu.memory_space<vmem>> -> memref<64xf32, #tpu.memory_space<vmem>>
      %dma_start3A_163 = arith.constant 0 : i32
      %dma_start3A_164 = tpu.memref_slice %arg4[%squeeze3A_149, %dma_start3A_163] : memref<1000000x64xf32, #tpu.memory_space<hbm>> -> memref<1x64xf32, #tpu.memory_space<hbm>>
      %dma_start3A_165 = tpu.memref_squeeze %dma_start3A_164 : memref<1x64xf32, #tpu.memory_space<hbm>> -> memref<64xf32, #tpu.memory_space<hbm>>
      tpu.enqueue_dma source(%dma_start3A_165 : memref<64xf32, #tpu.memory_space<hbm>>) target(%dma_start3A_162 : memref<64xf32, #tpu.memory_space<vmem>>) target_semaphore(%arg15 : memref<!tpu.dma_semaphore, #tpu.memory_space<semaphore_mem>>)
      %slice3A_166 = vector.extract_strided_slice %get3A_131 {offsets = [2], sizes = [1], strides = [1]} : vector<16xi32> to vector<1xi32>
      %squeeze3A_167 = vector.extract %slice3A_166[0] : i32 from vector<1xi32>
      %mul3A_168 = arith.constant 16 : i32
      %mul3A_169 = arith.muli %scan3A_125, %mul3A_168 : i32
      %add3A_170 = arith.constant 2 : i32
      %add3A_171 = arith.addi %mul3A_169, %add3A_170 : i32
      %dma_start3A_172 = arith.constant 0 : i32
      %dma_start3A_173 = tpu.memref_slice %arg10[%add3A_171, %dma_start3A_172] : memref<128x64xf32, #tpu.memory_space<vmem>> -> memref<1x64xf32, #tpu.memory_space<vmem>>
      %dma_start3A_174 = tpu.memref_squeeze %dma_start3A_173 : memref<1x64xf32, #tpu.memory_space<vmem>> -> memref<64xf32, #tpu.memory_space<vmem>>
      %dma_start3A_175 = arith.constant 0 : i32
      %dma_start3A_176 = tpu.memref_slice %arg4[%squeeze3A_167, %dma_start3A_175] : memref<1000000x64xf32, #tpu.memory_space<hbm>> -> memref<1x64xf32, #tpu.memory_space<hbm>>
      %dma_start3A_177 = tpu.memref_squeeze %dma_start3A_176 : memref<1x64xf32, #tpu.memory_space<hbm>> -> memref<64xf32, #tpu.memory_space<hbm>>
      %dma_start3A_178 = arith.constant 0 : i32
      %dma_start3A_179 = tpu.memref_slice %arg10[%add3A_171, %dma_start3A_178] : memref<128x64xf32, #tpu.memory_space<vmem>> -> memref<1x64xf32, #tpu.memory_space<vmem>>
      %dma_start3A_180 = tpu.memref_squeeze %dma_start3A_179 : memref<1x64xf32, #tpu.memory_space<vmem>> -> memref<64xf32, #tpu.memory_space<vmem>>
      %dma_start3A_181 = arith.constant 0 : i32
      %dma_start3A_182 = tpu.memref_slice %arg4[%squeeze3A_167, %dma_start3A_181] : memref<1000000x64xf32, #tpu.memory_space<hbm>> -> memref<1x64xf32, #tpu.memory_space<hbm>>
      %dma_start3A_183 = tpu.memref_squeeze %dma_start3A_182 : memref<1x64xf32, #tpu.memory_space<hbm>> -> memref<64xf32, #tpu.memory_space<hbm>>
      tpu.enqueue_dma source(%dma_start3A_183 : memref<64xf32, #tpu.memory_space<hbm>>) target(%dma_start3A_180 : memref<64xf32, #tpu.memory_space<vmem>>) target_semaphore(%arg15 : memref<!tpu.dma_semaphore, #tpu.memory_space<semaphore_mem>>)
      %slice3A_184 = vector.extract_strided_slice %get3A_131 {offsets = [3], sizes = [1], strides = [1]} : vector<16xi32> to vector<1xi32>
      %squeeze3A_185 = vector.extract %slice3A_184[0] : i32 from vector<1xi32>
      %mul3A_186 = arith.constant 16 : i32
      %mul3A_187 = arith.muli %scan3A_125, %mul3A_186 : i32
      %add3A_188 = arith.constant 3 : i32
      %add3A_189 = arith.addi %mul3A_187, %add3A_188 : i32
      %dma_start3A_190 = arith.constant 0 : i32
      %dma_start3A_191 = tpu.memref_slice %arg10[%add3A_189, %dma_start3A_190] : memref<128x64xf32, #tpu.memory_space<vmem>> -> memref<1x64xf32, #tpu.memory_space<vmem>>
      %dma_start3A_192 = tpu.memref_squeeze %dma_start3A_191 : memref<1x64xf32, #tpu.memory_space<vmem>> -> memref<64xf32, #tpu.memory_space<vmem>>
      %dma_start3A_193 = arith.constant 0 : i32
      %dma_start3A_194 = tpu.memref_slice %arg4[%squeeze3A_185, %dma_start3A_193] : memref<1000000x64xf32, #tpu.memory_space<hbm>> -> memref<1x64xf32, #tpu.memory_space<hbm>>
      %dma_start3A_195 = tpu.memref_squeeze %dma_start3A_194 : memref<1x64xf32, #tpu.memory_space<hbm>> -> memref<64xf32, #tpu.memory_space<hbm>>
      %dma_start3A_196 = arith.constant 0 : i32
      %dma_start3A_197 = tpu.memref_slice %arg10[%add3A_189, %dma_start3A_196] : memref<128x64xf32, #tpu.memory_space<vmem>> -> memref<1x64xf32, #tpu.memory_space<vmem>>
      %dma_start3A_198 = tpu.memref_squeeze %dma_start3A_197 : memref<1x64xf32, #tpu.memory_space<vmem>> -> memref<64xf32, #tpu.memory_space<vmem>>
      %dma_start3A_199 = arith.constant 0 : i32
      %dma_start3A_200 = tpu.memref_slice %arg4[%squeeze3A_185, %dma_start3A_199] : memref<1000000x64xf32, #tpu.memory_space<hbm>> -> memref<1x64xf32, #tpu.memory_space<hbm>>
      %dma_start3A_201 = tpu.memref_squeeze %dma_start3A_200 : memref<1x64xf32, #tpu.memory_space<hbm>> -> memref<64xf32, #tpu.memory_space<hbm>>
      tpu.enqueue_dma source(%dma_start3A_201 : memref<64xf32, #tpu.memory_space<hbm>>) target(%dma_start3A_198 : memref<64xf32, #tpu.memory_space<vmem>>) target_semaphore(%arg15 : memref<!tpu.dma_semaphore, #tpu.memory_space<semaphore_mem>>)
      %slice3A_202 = vector.extract_strided_slice %get3A_131 {offsets = [4], sizes = [1], strides = [1]} : vector<16xi32> to vector<1xi32>
      %squeeze3A_203 = vector.extract %slice3A_202[0] : i32 from vector<1xi32>
      %mul3A_204 = arith.constant 16 : i32
      %mul3A_205 = arith.muli %scan3A_125, %mul3A_204 : i32
      %add3A_206 = arith.constant 4 : i32
      %add3A_207 = arith.addi %mul3A_205, %add3A_206 : i32
      %dma_start3A_208 = arith.constant 0 : i32
      %dma_start3A_209 = tpu.memref_slice %arg10[%add3A_207, %dma_start3A_208] : memref<128x64xf32, #tpu.memory_space<vmem>> -> memref<1x64xf32, #tpu.memory_space<vmem>>
      %dma_start3A_210 = tpu.memref_squeeze %dma_start3A_209 : memref<1x64xf32, #tpu.memory_space<vmem>> -> memref<64xf32, #tpu.memory_space<vmem>>
      %dma_start3A_211 = arith.constant 0 : i32
      %dma_start3A_212 = tpu.memref_slice %arg4[%squeeze3A_203, %dma_start3A_211] : memref<1000000x64xf32, #tpu.memory_space<hbm>> -> memref<1x64xf32, #tpu.memory_space<hbm>>
      %dma_start3A_213 = tpu.memref_squeeze %dma_start3A_212 : memref<1x64xf32, #tpu.memory_space<hbm>> -> memref<64xf32, #tpu.memory_space<hbm>>
      %dma_start3A_214 = arith.constant 0 : i32
      %dma_start3A_215 = tpu.memref_slice %arg10[%add3A_207, %dma_start3A_214] : memref<128x64xf32, #tpu.memory_space<vmem>> -> memref<1x64xf32, #tpu.memory_space<vmem>>
      %dma_start3A_216 = tpu.memref_squeeze %dma_start3A_215 : memref<1x64xf32, #tpu.memory_space<vmem>> -> memref<64xf32, #tpu.memory_space<vmem>>
      %dma_start3A_217 = arith.constant 0 : i32
      %dma_start3A_218 = tpu.memref_slice %arg4[%squeeze3A_203, %dma_start3A_217] : memref<1000000x64xf32, #tpu.memory_space<hbm>> -> memref<1x64xf32, #tpu.memory_space<hbm>>
      %dma_start3A_219 = tpu.memref_squeeze %dma_start3A_218 : memref<1x64xf32, #tpu.memory_space<hbm>> -> memref<64xf32, #tpu.memory_space<hbm>>
      tpu.enqueue_dma source(%dma_start3A_219 : memref<64xf32, #tpu.memory_space<hbm>>) target(%dma_start3A_216 : memref<64xf32, #tpu.memory_space<vmem>>) target_semaphore(%arg15 : memref<!tpu.dma_semaphore, #tpu.memory_space<semaphore_mem>>)
      %slice3A_220 = vector.extract_strided_slice %get3A_131 {offsets = [5], sizes = [1], strides = [1]} : vector<16xi32> to vector<1xi32>
      %squeeze3A_221 = vector.extract %slice3A_220[0] : i32 from vector<1xi32>
      %mul3A_222 = arith.constant 16 : i32
      %mul3A_223 = arith.muli %scan3A_125, %mul3A_222 : i32
      %add3A_224 = arith.constant 5 : i32
      %add3A_225 = arith.addi %mul3A_223, %add3A_224 : i32
      %dma_start3A_226 = arith.constant 0 : i32
      %dma_start3A_227 = tpu.memref_slice %arg10[%add3A_225, %dma_start3A_226] : memref<128x64xf32, #tpu.memory_space<vmem>> -> memref<1x64xf32, #tpu.memory_space<vmem>>
      %dma_start3A_228 = tpu.memref_squeeze %dma_start3A_227 : memref<1x64xf32, #tpu.memory_space<vmem>> -> memref<64xf32, #tpu.memory_space<vmem>>
      %dma_start3A_229 = arith.constant 0 : i32
      %dma_start3A_230 = tpu.memref_slice %arg4[%squeeze3A_221, %dma_start3A_229] : memref<1000000x64xf32, #tpu.memory_space<hbm>> -> memref<1x64xf32, #tpu.memory_space<hbm>>
      %dma_start3A_231 = tpu.memref_squeeze %dma_start3A_230 : memref<1x64xf32, #tpu.memory_space<hbm>> -> memref<64xf32, #tpu.memory_space<hbm>>
      %dma_start3A_232 = arith.constant 0 : i32
      %dma_start3A_233 = tpu.memref_slice %arg10[%add3A_225, %dma_start3A_232] : memref<128x64xf32, #tpu.memory_space<vmem>> -> memref<1x64xf32, #tpu.memory_space<vmem>>
      %dma_start3A_234 = tpu.memref_squeeze %dma_start3A_233 : memref<1x64xf32, #tpu.memory_space<vmem>> -> memref<64xf32, #tpu.memory_space<vmem>>
      %dma_start3A_235 = arith.constant 0 : i32
      %dma_start3A_236 = tpu.memref_slice %arg4[%squeeze3A_221, %dma_start3A_235] : memref<1000000x64xf32, #tpu.memory_space<hbm>> -> memref<1x64xf32, #tpu.memory_space<hbm>>
      %dma_start3A_237 = tpu.memref_squeeze %dma_start3A_236 : memref<1x64xf32, #tpu.memory_space<hbm>> -> memref<64xf32, #tpu.memory_space<hbm>>
      tpu.enqueue_dma source(%dma_start3A_237 : memref<64xf32, #tpu.memory_space<hbm>>) target(%dma_start3A_234 : memref<64xf32, #tpu.memory_space<vmem>>) target_semaphore(%arg15 : memref<!tpu.dma_semaphore, #tpu.memory_space<semaphore_mem>>)
      %slice3A_238 = vector.extract_strided_slice %get3A_131 {offsets = [6], sizes = [1], strides = [1]} : vector<16xi32> to vector<1xi32>
      %squeeze3A_239 = vector.extract %slice3A_238[0] : i32 from vector<1xi32>
      %mul3A_240 = arith.constant 16 : i32
      %mul3A_241 = arith.muli %scan3A_125, %mul3A_240 : i32
      %add3A_242 = arith.constant 6 : i32
      %add3A_243 = arith.addi %mul3A_241, %add3A_242 : i32
      %dma_start3A_244 = arith.constant 0 : i32
      %dma_start3A_245 = tpu.memref_slice %arg10[%add3A_243, %dma_start3A_244] : memref<128x64xf32, #tpu.memory_space<vmem>> -> memref<1x64xf32, #tpu.memory_space<vmem>>
      %dma_start3A_246 = tpu.memref_squeeze %dma_start3A_245 : memref<1x64xf32, #tpu.memory_space<vmem>> -> memref<64xf32, #tpu.memory_space<vmem>>
      %dma_start3A_247 = arith.constant 0 : i32
      %dma_start3A_248 = tpu.memref_slice %arg4[%squeeze3A_239, %dma_start3A_247] : memref<1000000x64xf32, #tpu.memory_space<hbm>> -> memref<1x64xf32, #tpu.memory_space<hbm>>
      %dma_start3A_249 = tpu.memref_squeeze %dma_start3A_248 : memref<1x64xf32, #tpu.memory_space<hbm>> -> memref<64xf32, #tpu.memory_space<hbm>>
      %dma_start3A_250 = arith.constant 0 : i32
      %dma_start3A_251 = tpu.memref_slice %arg10[%add3A_243, %dma_start3A_250] : memref<128x64xf32, #tpu.memory_space<vmem>> -> memref<1x64xf32, #tpu.memory_space<vmem>>
      %dma_start3A_252 = tpu.memref_squeeze %dma_start3A_251 : memref<1x64xf32, #tpu.memory_space<vmem>> -> memref<64xf32, #tpu.memory_space<vmem>>
      %dma_start3A_253 = arith.constant 0 : i32
      %dma_start3A_254 = tpu.memref_slice %arg4[%squeeze3A_239, %dma_start3A_253] : memref<1000000x64xf32, #tpu.memory_space<hbm>> -> memref<1x64xf32, #tpu.memory_space<hbm>>
      %dma_start3A_255 = tpu.memref_squeeze %dma_start3A_254 : memref<1x64xf32, #tpu.memory_space<hbm>> -> memref<64xf32, #tpu.memory_space<hbm>>
      tpu.enqueue_dma source(%dma_start3A_255 : memref<64xf32, #tpu.memory_space<hbm>>) target(%dma_start3A_252 : memref<64xf32, #tpu.memory_space<vmem>>) target_semaphore(%arg15 : memref<!tpu.dma_semaphore, #tpu.memory_space<semaphore_mem>>)
      %slice3A_256 = vector.extract_strided_slice %get3A_131 {offsets = [7], sizes = [1], strides = [1]} : vector<16xi32> to vector<1xi32>
      %squeeze3A_257 = vector.extract %slice3A_256[0] : i32 from vector<1xi32>
      %mul3A_258 = arith.constant 16 : i32
      %mul3A_259 = arith.muli %scan3A_125, %mul3A_258 : i32
      %add3A_260 = arith.constant 7 : i32
      %add3A_261 = arith.addi %mul3A_259, %add3A_260 : i32
      %dma_start3A_262 = arith.constant 0 : i32
      %dma_start3A_263 = tpu.memref_slice %arg10[%add3A_261, %dma_start3A_262] : memref<128x64xf32, #tpu.memory_space<vmem>> -> memref<1x64xf32, #tpu.memory_space<vmem>>
      %dma_start3A_264 = tpu.memref_squeeze %dma_start3A_263 : memref<1x64xf32, #tpu.memory_space<vmem>> -> memref<64xf32, #tpu.memory_space<vmem>>
      %dma_start3A_265 = arith.constant 0 : i32
      %dma_start3A_266 = tpu.memref_slice %arg4[%squeeze3A_257, %dma_start3A_265] : memref<1000000x64xf32, #tpu.memory_space<hbm>> -> memref<1x64xf32, #tpu.memory_space<hbm>>
      %dma_start3A_267 = tpu.memref_squeeze %dma_start3A_266 : memref<1x64xf32, #tpu.memory_space<hbm>> -> memref<64xf32, #tpu.memory_space<hbm>>
      %dma_start3A_268 = arith.constant 0 : i32
      %dma_start3A_269 = tpu.memref_slice %arg10[%add3A_261, %dma_start3A_268] : memref<128x64xf32, #tpu.memory_space<vmem>> -> memref<1x64xf32, #tpu.memory_space<vmem>>
      %dma_start3A_270 = tpu.memref_squeeze %dma_start3A_269 : memref<1x64xf32, #tpu.memory_space<vmem>> -> memref<64xf32, #tpu.memory_space<vmem>>
      %dma_start3A_271 = arith.constant 0 : i32
      %dma_start3A_272 = tpu.memref_slice %arg4[%squeeze3A_257, %dma_start3A_271] : memref<1000000x64xf32, #tpu.memory_space<hbm>> -> memref<1x64xf32, #tpu.memory_space<hbm>>
      %dma_start3A_273 = tpu.memref_squeeze %dma_start3A_272 : memref<1x64xf32, #tpu.memory_space<hbm>> -> memref<64xf32, #tpu.memory_space<hbm>>
      tpu.enqueue_dma source(%dma_start3A_273 : memref<64xf32, #tpu.memory_space<hbm>>) target(%dma_start3A_270 : memref<64xf32, #tpu.memory_space<vmem>>) target_semaphore(%arg15 : memref<!tpu.dma_semaphore, #tpu.memory_space<semaphore_mem>>)
      %slice3A_274 = vector.extract_strided_slice %get3A_131 {offsets = [8], sizes = [1], strides = [1]} : vector<16xi32> to vector<1xi32>
      %squeeze3A_275 = vector.extract %slice3A_274[0] : i32 from vector<1xi32>
      %mul3A_276 = arith.constant 16 : i32
      %mul3A_277 = arith.muli %scan3A_125, %mul3A_276 : i32
      %add3A_278 = arith.constant 8 : i32
      %add3A_279 = arith.addi %mul3A_277, %add3A_278 : i32
      %dma_start3A_280 = arith.constant 0 : i32
      %dma_start3A_281 = tpu.memref_slice %arg10[%add3A_279, %dma_start3A_280] : memref<128x64xf32, #tpu.memory_space<vmem>> -> memref<1x64xf32, #tpu.memory_space<vmem>>
      %dma_start3A_282 = tpu.memref_squeeze %dma_start3A_281 : memref<1x64xf32, #tpu.memory_space<vmem>> -> memref<64xf32, #tpu.memory_space<vmem>>
      %dma_start3A_283 = arith.constant 0 : i32
      %dma_start3A_284 = tpu.memref_slice %arg4[%squeeze3A_275, %dma_start3A_283] : memref<1000000x64xf32, #tpu.memory_space<hbm>> -> memref<1x64xf32, #tpu.memory_space<hbm>>
      %dma_start3A_285 = tpu.memref_squeeze %dma_start3A_284 : memref<1x64xf32, #tpu.memory_space<hbm>> -> memref<64xf32, #tpu.memory_space<hbm>>
      %dma_start3A_286 = arith.constant 0 : i32
      %dma_start3A_287 = tpu.memref_slice %arg10[%add3A_279, %dma_start3A_286] : memref<128x64xf32, #tpu.memory_space<vmem>> -> memref<1x64xf32, #tpu.memory_space<vmem>>
      %dma_start3A_288 = tpu.memref_squeeze %dma_start3A_287 : memref<1x64xf32, #tpu.memory_space<vmem>> -> memref<64xf32, #tpu.memory_space<vmem>>
      %dma_start3A_289 = arith.constant 0 : i32
      %dma_start3A_290 = tpu.memref_slice %arg4[%squeeze3A_275, %dma_start3A_289] : memref<1000000x64xf32, #tpu.memory_space<hbm>> -> memref<1x64xf32, #tpu.memory_space<hbm>>
      %dma_start3A_291 = tpu.memref_squeeze %dma_start3A_290 : memref<1x64xf32, #tpu.memory_space<hbm>> -> memref<64xf32, #tpu.memory_space<hbm>>
      tpu.enqueue_dma source(%dma_start3A_291 : memref<64xf32, #tpu.memory_space<hbm>>) target(%dma_start3A_288 : memref<64xf32, #tpu.memory_space<vmem>>) target_semaphore(%arg15 : memref<!tpu.dma_semaphore, #tpu.memory_space<semaphore_mem>>)
      %slice3A_292 = vector.extract_strided_slice %get3A_131 {offsets = [9], sizes = [1], strides = [1]} : vector<16xi32> to vector<1xi32>
      %squeeze3A_293 = vector.extract %slice3A_292[0] : i32 from vector<1xi32>
      %mul3A_294 = arith.constant 16 : i32
      %mul3A_295 = arith.muli %scan3A_125, %mul3A_294 : i32
      %add3A_296 = arith.constant 9 : i32
      %add3A_297 = arith.addi %mul3A_295, %add3A_296 : i32
      %dma_start3A_298 = arith.constant 0 : i32
      %dma_start3A_299 = tpu.memref_slice %arg10[%add3A_297, %dma_start3A_298] : memref<128x64xf32, #tpu.memory_space<vmem>> -> memref<1x64xf32, #tpu.memory_space<vmem>>
      %dma_start3A_300 = tpu.memref_squeeze %dma_start3A_299 : memref<1x64xf32, #tpu.memory_space<vmem>> -> memref<64xf32, #tpu.memory_space<vmem>>
      %dma_start3A_301 = arith.constant 0 : i32
      %dma_start3A_302 = tpu.memref_slice %arg4[%squeeze3A_293, %dma_start3A_301] : memref<1000000x64xf32, #tpu.memory_space<hbm>> -> memref<1x64xf32, #tpu.memory_space<hbm>>
      %dma_start3A_303 = tpu.memref_squeeze %dma_start3A_302 : memref<1x64xf32, #tpu.memory_space<hbm>> -> memref<64xf32, #tpu.memory_space<hbm>>
      %dma_start3A_304 = arith.constant 0 : i32
      %dma_start3A_305 = tpu.memref_slice %arg10[%add3A_297, %dma_start3A_304] : memref<128x64xf32, #tpu.memory_space<vmem>> -> memref<1x64xf32, #tpu.memory_space<vmem>>
      %dma_start3A_306 = tpu.memref_squeeze %dma_start3A_305 : memref<1x64xf32, #tpu.memory_space<vmem>> -> memref<64xf32, #tpu.memory_space<vmem>>
      %dma_start3A_307 = arith.constant 0 : i32
      %dma_start3A_308 = tpu.memref_slice %arg4[%squeeze3A_293, %dma_start3A_307] : memref<1000000x64xf32, #tpu.memory_space<hbm>> -> memref<1x64xf32, #tpu.memory_space<hbm>>
      %dma_start3A_309 = tpu.memref_squeeze %dma_start3A_308 : memref<1x64xf32, #tpu.memory_space<hbm>> -> memref<64xf32, #tpu.memory_space<hbm>>
      tpu.enqueue_dma source(%dma_start3A_309 : memref<64xf32, #tpu.memory_space<hbm>>) target(%dma_start3A_306 : memref<64xf32, #tpu.memory_space<vmem>>) target_semaphore(%arg15 : memref<!tpu.dma_semaphore, #tpu.memory_space<semaphore_mem>>)
      %slice3A_310 = vector.extract_strided_slice %get3A_131 {offsets = [10], sizes = [1], strides = [1]} : vector<16xi32> to vector<1xi32>
      %squeeze3A_311 = vector.extract %slice3A_310[0] : i32 from vector<1xi32>
      %mul3A_312 = arith.constant 16 : i32
      %mul3A_313 = arith.muli %scan3A_125, %mul3A_312 : i32
      %add3A_314 = arith.constant 10 : i32
      %add3A_315 = arith.addi %mul3A_313, %add3A_314 : i32
      %dma_start3A_316 = arith.constant 0 : i32
      %dma_start3A_317 = tpu.memref_slice %arg10[%add3A_315, %dma_start3A_316] : memref<128x64xf32, #tpu.memory_space<vmem>> -> memref<1x64xf32, #tpu.memory_space<vmem>>
      %dma_start3A_318 = tpu.memref_squeeze %dma_start3A_317 : memref<1x64xf32, #tpu.memory_space<vmem>> -> memref<64xf32, #tpu.memory_space<vmem>>
      %dma_start3A_319 = arith.constant 0 : i32
      %dma_start3A_320 = tpu.memref_slice %arg4[%squeeze3A_311, %dma_start3A_319] : memref<1000000x64xf32, #tpu.memory_space<hbm>> -> memref<1x64xf32, #tpu.memory_space<hbm>>
      %dma_start3A_321 = tpu.memref_squeeze %dma_start3A_320 : memref<1x64xf32, #tpu.memory_space<hbm>> -> memref<64xf32, #tpu.memory_space<hbm>>
      %dma_start3A_322 = arith.constant 0 : i32
      %dma_start3A_323 = tpu.memref_slice %arg10[%add3A_315, %dma_start3A_322] : memref<128x64xf32, #tpu.memory_space<vmem>> -> memref<1x64xf32, #tpu.memory_space<vmem>>
      %dma_start3A_324 = tpu.memref_squeeze %dma_start3A_323 : memref<1x64xf32, #tpu.memory_space<vmem>> -> memref<64xf32, #tpu.memory_space<vmem>>
      %dma_start3A_325 = arith.constant 0 : i32
      %dma_start3A_326 = tpu.memref_slice %arg4[%squeeze3A_311, %dma_start3A_325] : memref<1000000x64xf32, #tpu.memory_space<hbm>> -> memref<1x64xf32, #tpu.memory_space<hbm>>
      %dma_start3A_327 = tpu.memref_squeeze %dma_start3A_326 : memref<1x64xf32, #tpu.memory_space<hbm>> -> memref<64xf32, #tpu.memory_space<hbm>>
      tpu.enqueue_dma source(%dma_start3A_327 : memref<64xf32, #tpu.memory_space<hbm>>) target(%dma_start3A_324 : memref<64xf32, #tpu.memory_space<vmem>>) target_semaphore(%arg15 : memref<!tpu.dma_semaphore, #tpu.memory_space<semaphore_mem>>)
      %slice3A_328 = vector.extract_strided_slice %get3A_131 {offsets = [11], sizes = [1], strides = [1]} : vector<16xi32> to vector<1xi32>
      %squeeze3A_329 = vector.extract %slice3A_328[0] : i32 from vector<1xi32>
      %mul3A_330 = arith.constant 16 : i32
      %mul3A_331 = arith.muli %scan3A_125, %mul3A_330 : i32
      %add3A_332 = arith.constant 11 : i32
      %add3A_333 = arith.addi %mul3A_331, %add3A_332 : i32
      %dma_start3A_334 = arith.constant 0 : i32
      %dma_start3A_335 = tpu.memref_slice %arg10[%add3A_333, %dma_start3A_334] : memref<128x64xf32, #tpu.memory_space<vmem>> -> memref<1x64xf32, #tpu.memory_space<vmem>>
      %dma_start3A_336 = tpu.memref_squeeze %dma_start3A_335 : memref<1x64xf32, #tpu.memory_space<vmem>> -> memref<64xf32, #tpu.memory_space<vmem>>
      %dma_start3A_337 = arith.constant 0 : i32
      %dma_start3A_338 = tpu.memref_slice %arg4[%squeeze3A_329, %dma_start3A_337] : memref<1000000x64xf32, #tpu.memory_space<hbm>> -> memref<1x64xf32, #tpu.memory_space<hbm>>
      %dma_start3A_339 = tpu.memref_squeeze %dma_start3A_338 : memref<1x64xf32, #tpu.memory_space<hbm>> -> memref<64xf32, #tpu.memory_space<hbm>>
      %dma_start3A_340 = arith.constant 0 : i32
      %dma_start3A_341 = tpu.memref_slice %arg10[%add3A_333, %dma_start3A_340] : memref<128x64xf32, #tpu.memory_space<vmem>> -> memref<1x64xf32, #tpu.memory_space<vmem>>
      %dma_start3A_342 = tpu.memref_squeeze %dma_start3A_341 : memref<1x64xf32, #tpu.memory_space<vmem>> -> memref<64xf32, #tpu.memory_space<vmem>>
      %dma_start3A_343 = arith.constant 0 : i32
      %dma_start3A_344 = tpu.memref_slice %arg4[%squeeze3A_329, %dma_start3A_343] : memref<1000000x64xf32, #tpu.memory_space<hbm>> -> memref<1x64xf32, #tpu.memory_space<hbm>>
      %dma_start3A_345 = tpu.memref_squeeze %dma_start3A_344 : memref<1x64xf32, #tpu.memory_space<hbm>> -> memref<64xf32, #tpu.memory_space<hbm>>
      tpu.enqueue_dma source(%dma_start3A_345 : memref<64xf32, #tpu.memory_space<hbm>>) target(%dma_start3A_342 : memref<64xf32, #tpu.memory_space<vmem>>) target_semaphore(%arg15 : memref<!tpu.dma_semaphore, #tpu.memory_space<semaphore_mem>>)
      %slice3A_346 = vector.extract_strided_slice %get3A_131 {offsets = [12], sizes = [1], strides = [1]} : vector<16xi32> to vector<1xi32>
      %squeeze3A_347 = vector.extract %slice3A_346[0] : i32 from vector<1xi32>
      %mul3A_348 = arith.constant 16 : i32
      %mul3A_349 = arith.muli %scan3A_125, %mul3A_348 : i32
      %add3A_350 = arith.constant 12 : i32
      %add3A_351 = arith.addi %mul3A_349, %add3A_350 : i32
      %dma_start3A_352 = arith.constant 0 : i32
      %dma_start3A_353 = tpu.memref_slice %arg10[%add3A_351, %dma_start3A_352] : memref<128x64xf32, #tpu.memory_space<vmem>> -> memref<1x64xf32, #tpu.memory_space<vmem>>
      %dma_start3A_354 = tpu.memref_squeeze %dma_start3A_353 : memref<1x64xf32, #tpu.memory_space<vmem>> -> memref<64xf32, #tpu.memory_space<vmem>>
      %dma_start3A_355 = arith.constant 0 : i32
      %dma_start3A_356 = tpu.memref_slice %arg4[%squeeze3A_347, %dma_start3A_355] : memref<1000000x64xf32, #tpu.memory_space<hbm>> -> memref<1x64xf32, #tpu.memory_space<hbm>>
      %dma_start3A_357 = tpu.memref_squeeze %dma_start3A_356 : memref<1x64xf32, #tpu.memory_space<hbm>> -> memref<64xf32, #tpu.memory_space<hbm>>
      %dma_start3A_358 = arith.constant 0 : i32
      %dma_start3A_359 = tpu.memref_slice %arg10[%add3A_351, %dma_start3A_358] : memref<128x64xf32, #tpu.memory_space<vmem>> -> memref<1x64xf32, #tpu.memory_space<vmem>>
      %dma_start3A_360 = tpu.memref_squeeze %dma_start3A_359 : memref<1x64xf32, #tpu.memory_space<vmem>> -> memref<64xf32, #tpu.memory_space<vmem>>
      %dma_start3A_361 = arith.constant 0 : i32
      %dma_start3A_362 = tpu.memref_slice %arg4[%squeeze3A_347, %dma_start3A_361] : memref<1000000x64xf32, #tpu.memory_space<hbm>> -> memref<1x64xf32, #tpu.memory_space<hbm>>
      %dma_start3A_363 = tpu.memref_squeeze %dma_start3A_362 : memref<1x64xf32, #tpu.memory_space<hbm>> -> memref<64xf32, #tpu.memory_space<hbm>>
      tpu.enqueue_dma source(%dma_start3A_363 : memref<64xf32, #tpu.memory_space<hbm>>) target(%dma_start3A_360 : memref<64xf32, #tpu.memory_space<vmem>>) target_semaphore(%arg15 : memref<!tpu.dma_semaphore, #tpu.memory_space<semaphore_mem>>)
      %slice3A_364 = vector.extract_strided_slice %get3A_131 {offsets = [13], sizes = [1], strides = [1]} : vector<16xi32> to vector<1xi32>
      %squeeze3A_365 = vector.extract %slice3A_364[0] : i32 from vector<1xi32>
      %mul3A_366 = arith.constant 16 : i32
      %mul3A_367 = arith.muli %scan3A_125, %mul3A_366 : i32
      %add3A_368 = arith.constant 13 : i32
      %add3A_369 = arith.addi %mul3A_367, %add3A_368 : i32
      %dma_start3A_370 = arith.constant 0 : i32
      %dma_start3A_371 = tpu.memref_slice %arg10[%add3A_369, %dma_start3A_370] : memref<128x64xf32, #tpu.memory_space<vmem>> -> memref<1x64xf32, #tpu.memory_space<vmem>>
      %dma_start3A_372 = tpu.memref_squeeze %dma_start3A_371 : memref<1x64xf32, #tpu.memory_space<vmem>> -> memref<64xf32, #tpu.memory_space<vmem>>
      %dma_start3A_373 = arith.constant 0 : i32
      %dma_start3A_374 = tpu.memref_slice %arg4[%squeeze3A_365, %dma_start3A_373] : memref<1000000x64xf32, #tpu.memory_space<hbm>> -> memref<1x64xf32, #tpu.memory_space<hbm>>
      %dma_start3A_375 = tpu.memref_squeeze %dma_start3A_374 : memref<1x64xf32, #tpu.memory_space<hbm>> -> memref<64xf32, #tpu.memory_space<hbm>>
      %dma_start3A_376 = arith.constant 0 : i32
      %dma_start3A_377 = tpu.memref_slice %arg10[%add3A_369, %dma_start3A_376] : memref<128x64xf32, #tpu.memory_space<vmem>> -> memref<1x64xf32, #tpu.memory_space<vmem>>
      %dma_start3A_378 = tpu.memref_squeeze %dma_start3A_377 : memref<1x64xf32, #tpu.memory_space<vmem>> -> memref<64xf32, #tpu.memory_space<vmem>>
      %dma_start3A_379 = arith.constant 0 : i32
      %dma_start3A_380 = tpu.memref_slice %arg4[%squeeze3A_365, %dma_start3A_379] : memref<1000000x64xf32, #tpu.memory_space<hbm>> -> memref<1x64xf32, #tpu.memory_space<hbm>>
      %dma_start3A_381 = tpu.memref_squeeze %dma_start3A_380 : memref<1x64xf32, #tpu.memory_space<hbm>> -> memref<64xf32, #tpu.memory_space<hbm>>
      tpu.enqueue_dma source(%dma_start3A_381 : memref<64xf32, #tpu.memory_space<hbm>>) target(%dma_start3A_378 : memref<64xf32, #tpu.memory_space<vmem>>) target_semaphore(%arg15 : memref<!tpu.dma_semaphore, #tpu.memory_space<semaphore_mem>>)
      %slice3A_382 = vector.extract_strided_slice %get3A_131 {offsets = [14], sizes = [1], strides = [1]} : vector<16xi32> to vector<1xi32>
      %squeeze3A_383 = vector.extract %slice3A_382[0] : i32 from vector<1xi32>
      %mul3A_384 = arith.constant 16 : i32
      %mul3A_385 = arith.muli %scan3A_125, %mul3A_384 : i32
      %add3A_386 = arith.constant 14 : i32
      %add3A_387 = arith.addi %mul3A_385, %add3A_386 : i32
      %dma_start3A_388 = arith.constant 0 : i32
      %dma_start3A_389 = tpu.memref_slice %arg10[%add3A_387, %dma_start3A_388] : memref<128x64xf32, #tpu.memory_space<vmem>> -> memref<1x64xf32, #tpu.memory_space<vmem>>
      %dma_start3A_390 = tpu.memref_squeeze %dma_start3A_389 : memref<1x64xf32, #tpu.memory_space<vmem>> -> memref<64xf32, #tpu.memory_space<vmem>>
      %dma_start3A_391 = arith.constant 0 : i32
      %dma_start3A_392 = tpu.memref_slice %arg4[%squeeze3A_383, %dma_start3A_391] : memref<1000000x64xf32, #tpu.memory_space<hbm>> -> memref<1x64xf32, #tpu.memory_space<hbm>>
      %dma_start3A_393 = tpu.memref_squeeze %dma_start3A_392 : memref<1x64xf32, #tpu.memory_space<hbm>> -> memref<64xf32, #tpu.memory_space<hbm>>
      %dma_start3A_394 = arith.constant 0 : i32
      %dma_start3A_395 = tpu.memref_slice %arg10[%add3A_387, %dma_start3A_394] : memref<128x64xf32, #tpu.memory_space<vmem>> -> memref<1x64xf32, #tpu.memory_space<vmem>>
      %dma_start3A_396 = tpu.memref_squeeze %dma_start3A_395 : memref<1x64xf32, #tpu.memory_space<vmem>> -> memref<64xf32, #tpu.memory_space<vmem>>
      %dma_start3A_397 = arith.constant 0 : i32
      %dma_start3A_398 = tpu.memref_slice %arg4[%squeeze3A_383, %dma_start3A_397] : memref<1000000x64xf32, #tpu.memory_space<hbm>> -> memref<1x64xf32, #tpu.memory_space<hbm>>
      %dma_start3A_399 = tpu.memref_squeeze %dma_start3A_398 : memref<1x64xf32, #tpu.memory_space<hbm>> -> memref<64xf32, #tpu.memory_space<hbm>>
      tpu.enqueue_dma source(%dma_start3A_399 : memref<64xf32, #tpu.memory_space<hbm>>) target(%dma_start3A_396 : memref<64xf32, #tpu.memory_space<vmem>>) target_semaphore(%arg15 : memref<!tpu.dma_semaphore, #tpu.memory_space<semaphore_mem>>)
      %slice3A_400 = vector.extract_strided_slice %get3A_131 {offsets = [15], sizes = [1], strides = [1]} : vector<16xi32> to vector<1xi32>
      %squeeze3A_401 = vector.extract %slice3A_400[0] : i32 from vector<1xi32>
      %mul3A_402 = arith.constant 16 : i32
      %mul3A_403 = arith.muli %scan3A_125, %mul3A_402 : i32
      %add3A_404 = arith.constant 15 : i32
      %add3A_405 = arith.addi %mul3A_403, %add3A_404 : i32
      %dma_start3A_406 = arith.constant 0 : i32
      %dma_start3A_407 = tpu.memref_slice %arg10[%add3A_405, %dma_start3A_406] : memref<128x64xf32, #tpu.memory_space<vmem>> -> memref<1x64xf32, #tpu.memory_space<vmem>>
      %dma_start3A_408 = tpu.memref_squeeze %dma_start3A_407 : memref<1x64xf32, #tpu.memory_space<vmem>> -> memref<64xf32, #tpu.memory_space<vmem>>
      %dma_start3A_409 = arith.constant 0 : i32
      %dma_start3A_410 = tpu.memref_slice %arg4[%squeeze3A_401, %dma_start3A_409] : memref<1000000x64xf32, #tpu.memory_space<hbm>> -> memref<1x64xf32, #tpu.memory_space<hbm>>
      %dma_start3A_411 = tpu.memref_squeeze %dma_start3A_410 : memref<1x64xf32, #tpu.memory_space<hbm>> -> memref<64xf32, #tpu.memory_space<hbm>>
      %dma_start3A_412 = arith.constant 0 : i32
      %dma_start3A_413 = tpu.memref_slice %arg10[%add3A_405, %dma_start3A_412] : memref<128x64xf32, #tpu.memory_space<vmem>> -> memref<1x64xf32, #tpu.memory_space<vmem>>
      %dma_start3A_414 = tpu.memref_squeeze %dma_start3A_413 : memref<1x64xf32, #tpu.memory_space<vmem>> -> memref<64xf32, #tpu.memory_space<vmem>>
      %dma_start3A_415 = arith.constant 0 : i32
      %dma_start3A_416 = tpu.memref_slice %arg4[%squeeze3A_401, %dma_start3A_415] : memref<1000000x64xf32, #tpu.memory_space<hbm>> -> memref<1x64xf32, #tpu.memory_space<hbm>>
      %dma_start3A_417 = tpu.memref_squeeze %dma_start3A_416 : memref<1x64xf32, #tpu.memory_space<hbm>> -> memref<64xf32, #tpu.memory_space<hbm>>
      tpu.enqueue_dma source(%dma_start3A_417 : memref<64xf32, #tpu.memory_space<hbm>>) target(%dma_start3A_414 : memref<64xf32, #tpu.memory_space<vmem>>) target_semaphore(%arg15 : memref<!tpu.dma_semaphore, #tpu.memory_space<semaphore_mem>>)
    }
    %scan3A_86 = arith.constant 8 : i32
    %dma_wait3A_87 = arith.constant 0 : i32
    %dma_wait3A_88 = tpu.memref_slice %arg3[%add3A_48, %dma_wait3A_87] : memref<16384x64xf32, #tpu.memory_space<hbm>> -> memref<128x64xf32, #tpu.memory_space<hbm>>
    %dma_wait3A_89 = arith.constant 0 : i32
    %dma_wait3A_90 = tpu.memref_slice %arg3[%add3A_48, %dma_wait3A_89] : memref<16384x64xf32, #tpu.memory_space<hbm>> -> memref<128x64xf32, #tpu.memory_space<hbm>>
    tpu.wait_dma2 semaphore(%arg12 : memref<!tpu.dma_semaphore, #tpu.memory_space<semaphore_mem>>) src(%dma_wait3A_90 : memref<128x64xf32, #tpu.memory_space<hbm>>) dst(%arg7 : memref<128x64xf32, #tpu.memory_space<vmem>>)
    %dma_wait3A_91 = arith.constant 0 : i32
    %dma_wait3A_92 = arith.constant 0 : i32
    %dma_wait3A_93 = tpu.memref_slice %arg4[%dma_wait3A_91, %dma_wait3A_92] : memref<1000000x64xf32, #tpu.memory_space<hbm>> -> memref<128x64xf32, #tpu.memory_space<hbm>>
    %dma_wait3A_94 = arith.constant 0 : i32
    %dma_wait3A_95 = arith.constant 0 : i32
    %dma_wait3A_96 = tpu.memref_slice %arg4[%dma_wait3A_94, %dma_wait3A_95] : memref<1000000x64xf32, #tpu.memory_space<hbm>> -> memref<128x64xf32, #tpu.memory_space<hbm>>
    tpu.wait_dma2 semaphore(%arg14 : memref<!tpu.dma_semaphore, #tpu.memory_space<semaphore_mem>>) src(%dma_wait3A_96 : memref<128x64xf32, #tpu.memory_space<hbm>>) dst(%arg9 : memref<128x64xf32, #tpu.memory_space<vmem>>)
    %scan3A_97 = arith.constant 0 : i32
    %scan3A_98 = arith.constant 128 : i32
    %scan3A_99 = arith.addi %scan3A_97, %scan3A_98 : i32
    %scan3A_100 = arith.constant 1 : i32
    %scan3A_101:4 = scf.for %scan3A_125 = %scan3A_97 to %scan3A_99 step %scan3A_100 iter_args(%scan3A_126 = %scan3A_73#0, %scan3A_127 = %scan3A_73#1, %scan3A_128 = %scan3A_73#2, %scan3A_129 = %scan3A_73#3) -> (vector<16xf32>, vector<16xf32>, vector<16xf32>, vector<16xf32>)  : i32 {
      %get3A = arith.index_cast %scan3A_125 : i32 to index
      %get3A_130 = arith.constant 0 : index
      %get3A_131 = tpu.vector_load %arg7[%get3A, %get3A_130] {strides = array<i32>} : memref<128x64xf32, #tpu.memory_space<vmem>>, vector<1x16xf32>,
      %get3A_132 = vector.shape_cast %get3A_131 : vector<1x16xf32> to vector<16xf32>
      %get3A_133 = arith.index_cast %scan3A_125 : i32 to index
      %get3A_134 = arith.constant 0 : index
      %get3A_135 = tpu.vector_load %arg9[%get3A_133, %get3A_134] {strides = array<i32>} : memref<128x64xf32, #tpu.memory_space<vmem>>, vector<1x16xf32>,
      %get3A_136 = vector.shape_cast %get3A_135 : vector<1x16xf32> to vector<16xf32>
      %sub3A = arith.subf %get3A_132, %get3A_136 : vector<16xf32>
      %mul3A_137 = arith.mulf %sub3A, %sub3A : vector<16xf32>
      %add3A_138 = arith.addf %scan3A_126, %mul3A_137 : vector<16xf32>
      %get3A_139 = arith.index_cast %scan3A_125 : i32 to index
      %get3A_140 = arith.constant 16 : index
      %get3A_141 = tpu.vector_load %arg7[%get3A_139, %get3A_140] {strides = array<i32>} : memref<128x64xf32, #tpu.memory_space<vmem>>, vector<1x16xf32>,
      %get3A_142 = vector.shape_cast %get3A_141 : vector<1x16xf32> to vector<16xf32>
      %get3A_143 = arith.index_cast %scan3A_125 : i32 to index
      %get3A_144 = arith.constant 16 : index
      %get3A_145 = tpu.vector_load %arg9[%get3A_143, %get3A_144] {strides = array<i32>} : memref<128x64xf32, #tpu.memory_space<vmem>>, vector<1x16xf32>,
      %get3A_146 = vector.shape_cast %get3A_145 : vector<1x16xf32> to vector<16xf32>
      %sub3A_147 = arith.subf %get3A_142, %get3A_146 : vector<16xf32>
      %mul3A_148 = arith.mulf %sub3A_147, %sub3A_147 : vector<16xf32>
      %add3A_149 = arith.addf %scan3A_127, %mul3A_148 : vector<16xf32>
      %get3A_150 = arith.index_cast %scan3A_125 : i32 to index
      %get3A_151 = arith.constant 32 : index
      %get3A_152 = tpu.vector_load %arg7[%get3A_150, %get3A_151] {strides = array<i32>} : memref<128x64xf32, #tpu.memory_space<vmem>>, vector<1x16xf32>,
      %get3A_153 = vector.shape_cast %get3A_152 : vector<1x16xf32> to vector<16xf32>
      %get3A_154 = arith.index_cast %scan3A_125 : i32 to index
      %get3A_155 = arith.constant 32 : index
      %get3A_156 = tpu.vector_load %arg9[%get3A_154, %get3A_155] {strides = array<i32>} : memref<128x64xf32, #tpu.memory_space<vmem>>, vector<1x16xf32>,
      %get3A_157 = vector.shape_cast %get3A_156 : vector<1x16xf32> to vector<16xf32>
      %sub3A_158 = arith.subf %get3A_153, %get3A_157 : vector<16xf32>
      %mul3A_159 = arith.mulf %sub3A_158, %sub3A_158 : vector<16xf32>
      %add3A_160 = arith.addf %scan3A_128, %mul3A_159 : vector<16xf32>
      %get3A_161 = arith.index_cast %scan3A_125 : i32 to index
      %get3A_162 = arith.constant 48 : index
      %get3A_163 = tpu.vector_load %arg7[%get3A_161, %get3A_162] {strides = array<i32>} : memref<128x64xf32, #tpu.memory_space<vmem>>, vector<1x16xf32>,
      %get3A_164 = vector.shape_cast %get3A_163 : vector<1x16xf32> to vector<16xf32>
      %get3A_165 = arith.index_cast %scan3A_125 : i32 to index
      %get3A_166 = arith.constant 48 : index
      %get3A_167 = tpu.vector_load %arg9[%get3A_165, %get3A_166] {strides = array<i32>} : memref<128x64xf32, #tpu.memory_space<vmem>>, vector<1x16xf32>,
      %get3A_168 = vector.shape_cast %get3A_167 : vector<1x16xf32> to vector<16xf32>
      %sub3A_169 = arith.subf %get3A_164, %get3A_168 : vector<16xf32>
      %mul3A_170 = arith.mulf %sub3A_169, %sub3A_169 : vector<16xf32>
      %add3A_171 = arith.addf %scan3A_129, %mul3A_170 : vector<16xf32>
      scf.yield %add3A_138, %add3A_149, %add3A_160, %add3A_171 : vector<16xf32>, vector<16xf32>, vector<16xf32>, vector<16xf32>
    }
    %scan3A_102 = arith.constant 128 : i32
    %dma_wait3A_103 = arith.constant 0 : i32
    %dma_wait3A_104 = tpu.memref_slice %arg3[%add3A_76, %dma_wait3A_103] : memref<16384x64xf32, #tpu.memory_space<hbm>> -> memref<128x64xf32, #tpu.memory_space<hbm>>
    %dma_wait3A_105 = arith.constant 0 : i32
    %dma_wait3A_106 = tpu.memref_slice %arg3[%add3A_76, %dma_wait3A_105] : memref<16384x64xf32, #tpu.memory_space<hbm>> -> memref<128x64xf32, #tpu.memory_space<hbm>>
    tpu.wait_dma2 semaphore(%arg13 : memref<!tpu.dma_semaphore, #tpu.memory_space<semaphore_mem>>) src(%dma_wait3A_106 : memref<128x64xf32, #tpu.memory_space<hbm>>) dst(%arg8 : memref<128x64xf32, #tpu.memory_space<vmem>>)
    %dma_wait3A_107 = arith.constant 0 : i32
    %dma_wait3A_108 = arith.constant 0 : i32
    %dma_wait3A_109 = tpu.memref_slice %arg4[%dma_wait3A_107, %dma_wait3A_108] : memref<1000000x64xf32, #tpu.memory_space<hbm>> -> memref<128x64xf32, #tpu.memory_space<hbm>>
    %dma_wait3A_110 = arith.constant 0 : i32
    %dma_wait3A_111 = arith.constant 0 : i32
    %dma_wait3A_112 = tpu.memref_slice %arg4[%dma_wait3A_110, %dma_wait3A_111] : memref<1000000x64xf32, #tpu.memory_space<hbm>> -> memref<128x64xf32, #tpu.memory_space<hbm>>
    tpu.wait_dma2 semaphore(%arg15 : memref<!tpu.dma_semaphore, #tpu.memory_space<semaphore_mem>>) src(%dma_wait3A_112 : memref<128x64xf32, #tpu.memory_space<hbm>>) dst(%arg10 : memref<128x64xf32, #tpu.memory_space<vmem>>)
    %scan3A_113 = arith.constant 0 : i32
    %scan3A_114 = arith.constant 128 : i32
    %scan3A_115 = arith.addi %scan3A_113, %scan3A_114 : i32
    %scan3A_116 = arith.constant 1 : i32
    %scan3A_117:4 = scf.for %scan3A_125 = %scan3A_113 to %scan3A_115 step %scan3A_116 iter_args(%scan3A_126 = %scan3A_101#0, %scan3A_127 = %scan3A_101#1, %scan3A_128 = %scan3A_101#2, %scan3A_129 = %scan3A_101#3) -> (vector<16xf32>, vector<16xf32>, vector<16xf32>, vector<16xf32>)  : i32 {
      %get3A = arith.index_cast %scan3A_125 : i32 to index
      %get3A_130 = arith.constant 0 : index
      %get3A_131 = tpu.vector_load %arg8[%get3A, %get3A_130] {strides = array<i32>} : memref<128x64xf32, #tpu.memory_space<vmem>>, vector<1x16xf32>,
      %get3A_132 = vector.shape_cast %get3A_131 : vector<1x16xf32> to vector<16xf32>
      %get3A_133 = arith.index_cast %scan3A_125 : i32 to index
      %get3A_134 = arith.constant 0 : index
      %get3A_135 = tpu.vector_load %arg10[%get3A_133, %get3A_134] {strides = array<i32>} : memref<128x64xf32, #tpu.memory_space<vmem>>, vector<1x16xf32>,
      %get3A_136 = vector.shape_cast %get3A_135 : vector<1x16xf32> to vector<16xf32>
      %sub3A = arith.subf %get3A_132, %get3A_136 : vector<16xf32>
      %mul3A_137 = arith.mulf %sub3A, %sub3A : vector<16xf32>
      %add3A_138 = arith.addf %scan3A_126, %mul3A_137 : vector<16xf32>
      %get3A_139 = arith.index_cast %scan3A_125 : i32 to index
      %get3A_140 = arith.constant 16 : index
      %get3A_141 = tpu.vector_load %arg8[%get3A_139, %get3A_140] {strides = array<i32>} : memref<128x64xf32, #tpu.memory_space<vmem>>, vector<1x16xf32>,
      %get3A_142 = vector.shape_cast %get3A_141 : vector<1x16xf32> to vector<16xf32>
      %get3A_143 = arith.index_cast %scan3A_125 : i32 to index
      %get3A_144 = arith.constant 16 : index
      %get3A_145 = tpu.vector_load %arg10[%get3A_143, %get3A_144] {strides = array<i32>} : memref<128x64xf32, #tpu.memory_space<vmem>>, vector<1x16xf32>,
      %get3A_146 = vector.shape_cast %get3A_145 : vector<1x16xf32> to vector<16xf32>
      %sub3A_147 = arith.subf %get3A_142, %get3A_146 : vector<16xf32>
      %mul3A_148 = arith.mulf %sub3A_147, %sub3A_147 : vector<16xf32>
      %add3A_149 = arith.addf %scan3A_127, %mul3A_148 : vector<16xf32>
      %get3A_150 = arith.index_cast %scan3A_125 : i32 to index
      %get3A_151 = arith.constant 32 : index
      %get3A_152 = tpu.vector_load %arg8[%get3A_150, %get3A_151] {strides = array<i32>} : memref<128x64xf32, #tpu.memory_space<vmem>>, vector<1x16xf32>,
      %get3A_153 = vector.shape_cast %get3A_152 : vector<1x16xf32> to vector<16xf32>
      %get3A_154 = arith.index_cast %scan3A_125 : i32 to index
      %get3A_155 = arith.constant 32 : index
      %get3A_156 = tpu.vector_load %arg10[%get3A_154, %get3A_155] {strides = array<i32>} : memref<128x64xf32, #tpu.memory_space<vmem>>, vector<1x16xf32>,
      %get3A_157 = vector.shape_cast %get3A_156 : vector<1x16xf32> to vector<16xf32>
      %sub3A_158 = arith.subf %get3A_153, %get3A_157 : vector<16xf32>
      %mul3A_159 = arith.mulf %sub3A_158, %sub3A_158 : vector<16xf32>
      %add3A_160 = arith.addf %scan3A_128, %mul3A_159 : vector<16xf32>
      %get3A_161 = arith.index_cast %scan3A_125 : i32 to index
      %get3A_162 = arith.constant 48 : index
      %get3A_163 = tpu.vector_load %arg8[%get3A_161, %get3A_162] {strides = array<i32>} : memref<128x64xf32, #tpu.memory_space<vmem>>, vector<1x16xf32>,
      %get3A_164 = vector.shape_cast %get3A_163 : vector<1x16xf32> to vector<16xf32>
      %get3A_165 = arith.index_cast %scan3A_125 : i32 to index
      %get3A_166 = arith.constant 48 : index
      %get3A_167 = tpu.vector_load %arg10[%get3A_165, %get3A_166] {strides = array<i32>} : memref<128x64xf32, #tpu.memory_space<vmem>>, vector<1x16xf32>,
      %get3A_168 = vector.shape_cast %get3A_167 : vector<1x16xf32> to vector<16xf32>
      %sub3A_169 = arith.subf %get3A_164, %get3A_168 : vector<16xf32>
      %mul3A_170 = arith.mulf %sub3A_169, %sub3A_169 : vector<16xf32>
      %add3A_171 = arith.addf %scan3A_129, %mul3A_170 : vector<16xf32>
      scf.yield %add3A_138, %add3A_149, %add3A_160, %add3A_171 : vector<16xf32>, vector<16xf32>, vector<16xf32>, vector<16xf32>
    }
    %scan3A_118 = arith.constant 128 : i32
    %add3A_119 = arith.addf %scan3A_117#0, %scan3A_117#1 : vector<16xf32>
    %add3A_120 = arith.addf %add3A_119, %scan3A_117#2 : vector<16xf32>
    %add3A_121 = arith.addf %add3A_120, %scan3A_117#3 : vector<16xf32>
    %swap3A = arith.constant 0 : index
    %swap3A_122 = tpu.vector_load %arg11[%swap3A] {strides = array<i32>} : memref<16xf32, #tpu.memory_space<vmem>>, vector<16xf32>,
    %swap3A_123 = vector.shape_cast %swap3A_122 : vector<16xf32> to vector<16xf32>
    %swap3A_124 = vector.shape_cast %add3A_121 : vector<16xf32> to vector<16xf32>
    tpu.vector_store %arg11[%swap3A], %swap3A_124 {strides = array<i32>} : memref<16xf32, #tpu.memory_space<vmem>>, vector<16xf32>,
    "tpu.region"() ({
      %run_scoped3A = tpu.sem_alloc : memref<!tpu.dma_semaphore, #tpu.memory_space<semaphore_mem>>
      %dma_start3A_125 = arith.constant 0 : i32
      %dma_start3A_126 = tpu.memref_slice %arg5[%add3A, %dma_start3A_125] : memref<32x16xf32, #tpu.memory_space<hbm>> -> memref<1x16xf32, #tpu.memory_space<hbm>>
      %dma_start3A_127 = tpu.memref_squeeze %dma_start3A_126 : memref<1x16xf32, #tpu.memory_space<hbm>> -> memref<16xf32, #tpu.memory_space<hbm>>
      %dma_start3A_128 = arith.constant 0 : i32
      %dma_start3A_129 = tpu.memref_slice %arg5[%add3A, %dma_start3A_128] : memref<32x16xf32, #tpu.memory_space<hbm>> -> memref<1x16xf32, #tpu.memory_space<hbm>>
      %dma_start3A_130 = tpu.memref_squeeze %dma_start3A_129 : memref<1x16xf32, #tpu.memory_space<hbm>> -> memref<16xf32, #tpu.memory_space<hbm>>
      tpu.enqueue_dma source(%arg11 : memref<16xf32, #tpu.memory_space<vmem>>) target(%dma_start3A_130 : memref<16xf32, #tpu.memory_space<hbm>>) target_semaphore(%run_scoped3A : memref<!tpu.dma_semaphore, #tpu.memory_space<semaphore_mem>>)
      %dma_wait3A_131 = arith.constant 0 : i32
      %dma_wait3A_132 = tpu.memref_slice %arg5[%add3A, %dma_wait3A_131] : memref<32x16xf32, #tpu.memory_space<hbm>> -> memref<1x16xf32, #tpu.memory_space<hbm>>
      %dma_wait3A_133 = tpu.memref_squeeze %dma_wait3A_132 : memref<1x16xf32, #tpu.memory_space<hbm>> -> memref<16xf32, #tpu.memory_space<hbm>>
      %dma_wait3A_134 = arith.constant 0 : i32
      %dma_wait3A_135 = tpu.memref_slice %arg5[%add3A, %dma_wait3A_134] : memref<32x16xf32, #tpu.memory_space<hbm>> -> memref<1x16xf32, #tpu.memory_space<hbm>>
      %dma_wait3A_136 = tpu.memref_squeeze %dma_wait3A_135 : memref<1x16xf32, #tpu.memory_space<hbm>> -> memref<16xf32, #tpu.memory_space<hbm>>
      tpu.wait_dma2 semaphore(%run_scoped3A : memref<!tpu.dma_semaphore, #tpu.memory_space<semaphore_mem>>) src(%arg11 : memref<16xf32, #tpu.memory_space<vmem>>) dst(%dma_wait3A_136 : memref<16xf32, #tpu.memory_space<hbm>>)
      tpu.yield
    }) : () -> ()
    return
  }
}

</mosaic_0001>

<sc_bundles>
// kernel: kernel.3.cloned.1.call-start
scs
__scs_entry_jumppad:
0x0: {  	(pc) =	sbr.rel $0x88, $3  }
0x1: {  	(tag) =	ssettag $0x0;
	lr =	simm.s32 $0x1  }
0x2: {  	[smem:$0x3F9E] =	sst lr;
	_ =	strace $0xD0000000  }
0x3: {  	_ = 	snop  }
0x4: {  	_ = 	snop  }
0x5: {  	_ = 	snop  }
0x6: {  	_ = 	snop  }
0x7: {  	_ = 	snop  }
__scs_overlays_trampoline_lowered:
0x8: {  	[smem:$0x3FAD] =	sst s0  }
0x9: {  	[smem:$0x3FAE] =	sst s1  }
0xa: {  	[smem:$0x3FAF] =	sst s2  }
0xb: {  	[smem:$0x3FB0] =	sst s3  }
0xc: {  	[smem:$0x3FB1] =	sst s4  }
0xd: {  	[smem:$0x3FB2] =	sst s5  }
0xe: {  	[smem:$0x3FB3] =	sst s6  }
0xf: {  	[smem:$0x3FB4] =	sst s7  }
0x10: {  	[smem:$0x3FB5] =	sst s8  }
0x11: {  	[smem:$0x3FB6] =	sst s9;
	s0 =	simm.s32 @!p0 $0x0  }
0x12: {  	s1 =	sld [smem:$0x3F9C];
	s0 =	simm.s32 @p0 $0x1  }
0x13: {  	[smem:$0x3FB7] =	sst s0;
	s0 =	simm.s32 @!p1 $0x0  }
0x14: {  	s2 =	sld [smem:$0x3F9B];
	s0 =	simm.s32 @p1 $0x1  }
0x15: {  	[smem:$0x3FB8] =	sst s0;
	s0 =	simm.s32 @!p2 $0x0  }
0x16: {  	s3 =	sld [smem:$0x3FDB];
	s0 =	simm.s32 @p2 $0x1  }
0x17: {  	s4 =	simm.s32 $0x1BF5;
	[smem:$0x3FBA] =	sst s0  }
0x18: {  	s0 =	sld [smem:$0x3F9D];
	_ =	swait.ge [sflag:s4], $0x0  }
0x19: {  	s7 =	sld [smem:$0x3F9E]  }
0x1a: {  	s8 =	sadd.s32 $0xFFFFE003, lr  }
0x1b: {  	s9 =	sadd.s32 $0xFFFFFEF7, lr;
	s5 =	simm.s32 $0xFFFFFFFF;
	p2 =	slt.u32 s8, $0xFFFFF086  }
0x1c: {  	p1 =	slt.u32 s9, $0xF7A;
	s5 =	simm.s32 @!p2 $0x0  }
0x1d: {  	s5 =	simm.s32 @p1 $0x1;
	p0 =	seq.s32 s7, s2  }
0x1e: {  	s7 =	smul.u32 @!p0 $0xF7A, s2;
	p2 =	seq.s32 @!p0 s5, $0x0  }
0x1f: {  	s9 =	smul.u32 $0xF7A, s1;
	s8 =	simm.s32 @!p0 $0x1BF5;
	p2 =	por !p2, p0  }
0x20: {  	[sflag:s8] =	ssyncset.s32 @!p0 $0xFFFFF086;
	s6 =	sadd.s32 @!p0 s3, s7;
	s7 =	simm.s32 @!p0 $0x108  }
0x21: {  	s3 =	sadd.s32 s3, s9;
	s6 =	sadd.s32 @!p0 $0x88, s6;
	s7 =	simm.s32 @p2 $0x1082  }
0x22: {  	[simem:s7], [sflag:s8] =	dma.local @!p0 [hbm:s6], $0xF7A  }
0x23: {  	s9 =	sor.u32 $0xD0000000, s2;
	s6 =	simm.s32 $0x108;
	_ =	swait.ge @!p0 [sflag:s8], $0x0  }
0x24: {  	s3 =	sadd.s32 $0x88, s3;
	s6 =	simm.s32 @!p1 $0x1082;
	[sflag:s4] =	ssyncset.s32 $0xFFFFF086  }
0x25: {  	[simem:s6], [sflag:s4] =	dma.local [hbm:s3], $0xF7A  }
0x26: {  	[smem:$0x3F9E] =	sst s1;
	(tag) =	ssettag s2;
	_ =	strace s9  }
0x27: {  	s1 =	sld [smem:$0x3FAE]  }
0x28: {  	s2 =	sld [smem:$0x3FAF]  }
0x29: {  	s4 =	sld [smem:$0x3FB1]  }
0x2a: {  	p0 =	seq.s32 s5, $0x0;
	s5 =	sld [smem:$0x3FB2]  }
0x2b: {  	s6 =	sld [smem:$0x3FB3]  }
0x2c: {  	s7 =	sld [smem:$0x3FB4]  }
0x2d: {  	s3 =	simm.s32 $0x108;
	s8 =	sld [smem:$0x3FB5]  }
0x2e: {  	s3 =	simm.s32 @!p0 $0x1082;
	s9 =	sld [smem:$0x3FB6]  }
0x2f: {  	lr =	sadd.s32 s0, s3;
	s0 =	sld [smem:$0x3FAD]  }
0x30: {  	s3 =	sld [smem:$0x3FB0]  }
0x31: {  	[smem:$0x3FB9] =	sst s10  }
0x32: {  	s10 =	sld [smem:$0x3FB7];
	_ =	sdelay $0x3  }
0x33: {  	p0 =	seq.s32 s10, $0x1;
	s10 =	sld [smem:$0x3FB9];
	_ =	sdelay $0x3  }
0x34: {  	[smem:$0x3FB9] =	sst s10  }
0x35: {  	s10 =	sld [smem:$0x3FB8];
	_ =	sdelay $0x3  }
0x36: {  	p1 =	seq.s32 s10, $0x1;
	s10 =	sld [smem:$0x3FB9];
	_ =	sdelay $0x3  }
0x37: {  	[smem:$0x3FB9] =	sst s10  }
0x38: {  	s10 =	sld [smem:$0x3FBA]  }
0x39: {  	_ = 	snop;
	(pc) =	sbr.ind lr, $3  }
0x3a: {  	_ = 	snop  }
0x3b: {  	_ = 	snop  }
0x3c: {  	p2 =	seq.s32 s10, $0x1;
	s10 =	sld [smem:$0x3FB9]  }
0x3d: {  	_ =	shalt  }
0x3e: {  	_ =	shalt  }
0x3f: {  	_ =	shalt  }
0x40: {  	_ =	shalt  }
0x41: {  	_ =	shalt  }
0x42: {  	_ =	shalt  }
0x43: {  	_ =	shalt  }
0x44: {  	_ =	shalt  }
0x45: {  	_ =	shalt  }
0x46: {  	_ =	shalt  }
0x47: {  	_ =	shalt  }
0x48: {  	_ =	shalt  }
0x49: {  	_ =	shalt  }
0x4a: {  	_ =	shalt  }
0x4b: {  	_ =	shalt  }
0x4c: {  	_ =	shalt  }
0x4d: {  	_ =	shalt  }
0x4e: {  	_ =	shalt  }
0x4f: {  	_ =	shalt  }
0x50: {  	_ =	shalt  }
0x51: {  	_ =	shalt  }
0x52: {  	_ =	shalt  }
0x53: {  	_ =	shalt  }
0x54: {  	_ =	shalt  }
0x55: {  	_ =	shalt  }
0x56: {  	_ =	shalt  }
0x57: {  	_ =	shalt  }
0x58: {  	_ =	shalt  }
0x59: {  	_ =	shalt  }
0x5a: {  	_ =	shalt  }
0x5b: {  	_ =	shalt  }
0x5c: {  	_ =	shalt  }
0x5d: {  	_ =	shalt  }
0x5e: {  	_ =	shalt  }
0x5f: {  	_ =	shalt  }
0x60: {  	_ =	shalt  }
0x61: {  	_ =	shalt  }
0x62: {  	_ =	shalt  }
0x63: {  	_ =	shalt  }
0x64: {  	_ =	shalt  }
0x65: {  	_ =	shalt  }
0x66: {  	_ =	shalt  }
0x67: {  	_ =	shalt  }
0x68: {  	_ =	shalt  }
0x69: {  	_ =	shalt  }
0x6a: {  	_ =	shalt  }
0x6b: {  	_ =	shalt  }
0x6c: {  	_ =	shalt  }
0x6d: {  	_ =	shalt  }
0x6e: {  	_ =	shalt  }
0x6f: {  	_ =	shalt  }
0x70: {  	_ =	shalt  }
0x71: {  	_ =	shalt  }
0x72: {  	_ =	shalt  }
0x73: {  	_ =	shalt  }
0x74: {  	_ =	shalt  }
0x75: {  	_ =	shalt  }
0x76: {  	_ =	shalt  }
0x77: {  	_ =	shalt  }
0x78: {  	_ =	shalt  }
0x79: {  	_ =	shalt  }
0x7a: {  	_ =	shalt  }
0x7b: {  	_ =	shalt  }
0x7c: {  	_ =	shalt  }
0x7d: {  	_ =	shalt  }
0x7e: {  	_ =	shalt  }
0x7f: {  	_ =	shalt  }
0x80: {  	_ =	shalt  }
0x81: {  	_ =	shalt  }
0x82: {  	_ =	shalt  }
0x83: {  	_ =	shalt  }
0x84: {  	_ =	shalt  }
0x85: {  	_ =	shalt  }
0x86: {  	_ =	shalt  }
0x87: {  	_ =	shalt  }
.Lfunc_end0:
.L_simem_size_0:
called_computation_lowered:
.L_overlay_start_0:
0x88: {  	s2 =	sld [smem:$0x3FD9]  }
0x89: {  	s3 =	sld [smem:$0x3FFE];
	_ =	sdelay $0x1  }
0x8a: {  	s1 =	srdreg.scid  }
0x8b: {  	s0 =	sand.u32 $0x1, s1  }
0x8c: {  	s16 =	sshll.u32 s0, $0xA;
	s2 =	sadd.s32 s3, s2  }
0x8d: {  	s2 =	sadd.s32 s2, s16  }
0x8e: {  	[smem:$0x3FC5] =	sst s2  }
0x8f: {  	_ = 	snop  }
0x90: {  	(tm) =	ssettm $0x1  }
0x91: {  	s17 =	sld [smem:$0x3FFB];
	_ =	sdelay $0x3  }
0x92: {  	_ =	strace s17  }
0x93: {  	s2 =	sld [smem:$0x3FFC];
	_ =	sdelay $0x3  }
0x94: {  	_ =	strace s2  }
0x95: {  	s2 =	sld [smem:$0x3FFD];
	_ =	sdelay $0x3  }
0x96: {  	_ =	strace s2  }
0x97: {  	_ =	strace $0x8FFFFFFF  }
0x98: {  	s18 =	sld [smem:$0x3FDB];
	_ =	sdelay $0x1  }
0x99: {  	s19 =	simm.s32 $_scs_section_size  }
0x9a: {  	s4 =	simm.s32 $_size__tile_overlayer_lowered;
	s5 =	simm.s32 $_tile_overlayer_lowered  }
0x9b: {  	s22 =	simm.s32 $0x1BFF;
	s21 =	sshll.u32 s5, $0x1;
	s2 =	sadd.s32 s19, s18  }
0x9c: {  	s6 =	simm.s32 $0x0;
	s20 =	sshll.u32 s4, $0x1;
	s4 =	sadd.s32 s21, s2  }
0x9d: {  	[timem:s6], [sflag:s22] =	dma.local [hbm:s4], s20  }
0x9e: {  	_ =	swait.ge [sflag:s22], s20  }
0x9f: {  	s3 =	ssub.s32 $0x0, s20;
	[sflag:s22] =	ssyncset.done $0x0  }
0xa0: {  	[sflag:s22] =	ssyncadd.s32 s3;
	_ =	sdelay $0x1  }
0xa1: {  	s23 =	simm.s32 $0x1B8B  }
0xa2: {  	_ =	swait.ge [sflag:s23], $0x1  }
0xa3: {  	[sflag:s23] =	ssyncset.done $0x0  }
0xa4: {  	s25 =	simm.s32 $0x1B8E;
	s24 =	sld [smem:$0x3FFE];
	[sflag:s23] =	ssyncadd.s32 $0xFFFFFFFF  }
0xa5: {  	s26 =	simm.s32 $execute0_lowered;
	[smem:$0x3FD2] =	sst s25  }
0xa6: {  	s4 =	sshll.u32 s26, $0x1;
	_ =	strace $0x80000046;
	[dreg:$0x1] =	wrdreg $0xFFFFFFFF  }
0xa7: {  	s28 =	simm.s32 $_size_execute0_lowered;
	s2 =	sadd.s32 s2, s4;
	[dreg:$0x0] =	wrdreg $0x0  }
0xa8: {  	s4 =	sshll.u32 s28, $0x1;
	[dreg:$0x2] =	wrdreg s2  }
0xa9: {  	[dreg:$0x3] =	wrdreg s4  }
0xaa: {  	[dreg:$0x4] =	wrdreg $0xC0  }
0xab: {  	_ =	task [dreg:s6], $0x5FFFF  }
0xac: {  	[dreg:$0x1] =	wrdreg $0xFFFFFFFF  }
0xad: {  	[dreg:$0x0] =	wrdreg $0x60  }
0xae: {  	[dreg:$0x2] =	wrdreg s24  }
0xaf: {  	[dreg:$0x3] =	wrdreg $0x9  }
0xb0: {  	_ =	task.clear_ibuf [dreg:s6], $0x4FFFF;
	_ =	strace $0x90000046  }
0xb1: {  	s29 =	simm.s32 $0x9;
	_ =	strace $0x80000048  }
0xb2: {  	_ =	swait.ge [sflag:s29], $0x1  }
0xb3: {  	[sflag:s29] =	ssyncadd.s32 $0xFFFFFFFF  }
0xb4: {  	_ =	strace $0x90000048  }
0xb5: {  	_ =	sfence  }
0xb6: {  	s30 =	sld [smem:$0x0];
	_ =	sdelay $0x2  }
0xb7: {  	s31 =	sshll.u32 s1, $0xD;
	s1 =	sshrl.u32 s1, $0x2  }
0xb8: {  	s3 =	sand.u32 $0x4000, s31;
	s1 =	sadd.s32 s1, s30  }
0xb9: {  	s0 =	sor.u32 s3, s0;
	s1 =	sshll.u32 s1, $0x11  }
0xba: {  	s0 =	sor.u32 s1, s0  }
0xbb: {  	s0 =	sadd.s32 $0x8F2B, s0  }
0xbc: {  	[sflag:s0] =	ssyncadd.remote.s32 $0x1  }
0xbd: {  	_ =	sfence.sel $0xFFFF  }
0xbe: {  	[dreg:$0x0] =	wrdreg $0xFFFFFFFF;
	(pc) =	sbr.abs _section_cstart, $3  }
0xbf: {  	[dreg:$0x1] =	wrdreg $0xFFFFFFFF  }
0xc0: {  	_ =	task.clear_ibuf [dreg:s6], $0x2FFFF;
	_ =	strace $0x9FFFFFFF  }
0xc1: {  	(tm) =	ssettm $0x7FFFFFFF  }
tec
execute0_lowered:
.L_overlay_start_1:
0x0: {  	(tag) =	ssettag $0x1  }
0x1: {  	s0 =	rddreg [dreg:$0x0]  }
0x2: {  	s1 =	srdreg.scid;
	s5 =	stileid.u32  }
0x3: {  	s2 =	simm.s32 $0x0;
	s13 =	simm.s32 $0x5;
	s16 =	simm.s32 $0x1  }
0x4: {  	s17 =	simm.s32 $0x3;
	s18 =	simm.s32 $0x2;
	s19 =	simm.s32 $0x4  }
0x5: {  	s21 =	simm.s32 $0x0;
	s1 =	sand.u32 $0x1, s1;
	s3 =	sshll.u32 s5, $0x1  }
0x6: {  	[smem:$0x7FF] =	sst s2;
	s26 =	sshrl.u32 s5, $0x2;
	s3 =	sor.u32 s1, s3  }
0x7: {  	_ =	strace $0x80000047;
	s6 =	sshll.u32 s26, $0xA;
	s1 =	ssub.s32 $0x2, s1  }
0x8: {  	s4 =	sshll.u32 s3, $0xD;
	s28 =	sshll.u32 s3, $0x7;
	s3 =	sadd.s32 $0x40800, s0  }
0x9: {  	s7 =	sshrl.u32 s1, $0x1;
	s8 =	sadd.s32 s4, s0;
	s5 =	sand.u32 $0x380, s28  }
0xa: {  	s4 =	sshll.u32 s26, $0xC;
	s1 =	ssub.s32 s1, s7;
	s6 =	sor.u32 s6, s5  }
0xb: {  	s4 =	sor.u32 s4, s5;
	s29 =	sadd.s32 $0x800, s8;
	s30 =	sadd.s32 $0x1000, s8  }
0xc: {  	s31 =	sadd.s32 $0x1800, s8;
	s8 =	sadd.s32 $0x2000, s8;
	[dreg:$0x3] =	wrdreg s29  }
0xd: {  	s6 =	sshrl.u32 s6, $0x3;
	s4 =	sshrl.u32 s4, $0x3;
	[dreg:$0x4] =	wrdreg s30  }
0xe: {  	[dreg:$0x5] =	wrdreg s31;
	s9 =	sadd.s32 s6, s0;
	s0 =	sadd.s32 s0, s4  }
0xf: {  	s10 =	smax.u32 s1, $0x1;
	[dreg:$0x2] =	wrdreg s0;
	s9 =	sadd.s32 $0xF82C00, s9  }
.LBB2_1:
0x10: {  	s0 =	rddreg [dreg:$0x2];
	s1 =	simm.s32 $0x80;
	s4 =	simm.s32 $0x400  }
0x11: {  	[tilespmem:s2], [sflag:$0x5] =	stream.strided.gather [hbm4b:s0+s1], $0x200, s4, s1, $0x38;
	[tilespmem:$0x10280] =	vst v63  }
0x12: {  	_ =	swait.ge [sflag:s13], $0x200  }
0x13: {  	[sflag:s13] =	ssyncset.done $0x0  }
0x14: {  	s31 =	simm.s32 $0x200;
	s30 =	rddreg [dreg:$0x3];
	[sflag:s13] =	ssyncadd.s32 $0xFFFFFE00  }
0x15: {  	[tilespmem:s31], [sflag:$0x1] =	stream.linear.gather [hbm4b:s30+s2], $0x4000, $0x38;
	[tilespmem:$0x10280] =	vst v63  }
0x16: {  	v0 =	vld [tilespmem:s2+$0x0];
	_ =	sdelay $0x4  }
0x17: {  	v0 =	vshll.u32 v0, $0x4  }
0x18: {  	(v2sf) =	vpush v0, $0x0  }
0x19: {  	(v2sf) =	vpush v0, $0x1  }
0x1a: {  	(v2sf) =	vpush v0, $0x2;
	_ =	sdelay $0x1  }
0x1b: {  	(v2sf) =	vpush v0, $0x4;
	_ =	sdelay $0x1  }
0x1c: {  	(v2sf) =	vpush v0, $0x3  }
0x1d: {  	(v2sf) =	vpush v0, $0x5  }
0x1e: {  	s23 =	simm.s32 $0x2000;
	s22 =	simm.s32 $0x0;
	s24 =	simm.s32 $0x0;
	(v2sf) =	vpush v0, $0x6  }
.LBB2_2:
0x1f: {  	p0 =	sne.s32 s23, $0xE000  }
0x20: {  	s12 =	sadd.s32 $0x8280, s22;
	s29 =	sadd.s32 $0x8780, s22;
	s25 =	smov.u32 s23  }
0x21: {  	s23 =	sadd.s32 $0x2000, s23;
	s0 =	sadd.s32 $0x8580, s22;
	s26 =	sadd.s32 $0x8800, s22;
	(v2sf) =	vpush v0, $0x7  }
0x22: {  	s11 =	sadd.s32 $0x8480, s22;
	s31 =	sadd.s32 $0x8600, s22;
	s28 =	sadd.s32 $0x8880, s22  }
0x23: {  	s20 =	sadd.s32 $0x8200, s22;
	s14 =	sadd.s32 $0x8400, s22;
	(v2sf) =	vpush v0, $0x8  }
0x24: {  	s15 =	sadd.s32 $0x8500, s22;
	s24 =	sadd.s32 $0x10, s24  }
0x25: {  	s4 =	sadd.s32 $0x8300, s22;
	s30 =	sadd.s32 $0x8700, s22;
	s1 =	spop (v2sf);
	(v2sf) =	vpush v0, $0x9  }
0x26: {  	s5 =	sand.u32 $0x1FFFFFF0, s1;
	s1 =	sadd.s32 $0x8680, s22;
	s6 =	spop (v2sf)  }
0x27: {  	s5 =	sadd.s32 s3, s5;
	s6 =	sand.u32 $0x1FFFFFF0, s6;
	s7 =	spop (v2sf);
	(v2sf) =	vpush v0, $0xA  }
0x28: {  	[tilespmem:s20], [sflag:$0x3] =	stream.linear.gather [hbm4b:s5+s2], $0x80, $0x38;
	[tilespmem:$0x10280] =	vst v63  }
0x29: {  	s5 =	sadd.s32 s3, s6;
	s6 =	sadd.s32 $0x8380, s22;
	s20 =	spop (v2sf);
	(v2sf) =	vpush v0, $0xB  }
0x2a: {  	[tilespmem:s12], [sflag:$0x3] =	stream.linear.gather [hbm4b:s5+s2], $0x80, $0x38;
	[tilespmem:$0x10280] =	vst v63  }
0x2b: {  	s5 =	sand.u32 $0x1FFFFFF0, s7;
	s7 =	sand.u32 $0x1FFFFFF0, s20;
	s12 =	spop (v2sf);
	(v2sf) =	vpush v0, $0xC  }
0x2c: {  	s5 =	sadd.s32 s3, s5;
	s12 =	sand.u32 $0x1FFFFFF0, s12;
	s20 =	spop (v2sf)  }
0x2d: {  	[tilespmem:s4], [sflag:$0x3] =	stream.linear.gather [hbm4b:s5+s2], $0x80, $0x38;
	(v2sf) =	vpush v0, $0xD;
	[tilespmem:$0x10280] =	vst v63  }
0x2e: {  	s4 =	sadd.s32 s3, s12;
	s5 =	sand.u32 $0x1FFFFFF0, s20;
	s12 =	spop (v2sf)  }
0x2f: {  	[tilespmem:s6], [sflag:$0x3] =	stream.linear.gather [hbm4b:s4+s2], $0x80, $0x38;
	(v2sf) =	vpush v0, $0xE;
	[tilespmem:$0x10280] =	vst v63  }
0x30: {  	s4 =	sadd.s32 s3, s7;
	s6 =	sand.u32 $0x1FFFFFF0, s12;
	s7 =	spop (v2sf)  }
0x31: {  	[tilespmem:s14], [sflag:$0x3] =	stream.linear.gather [hbm4b:s4+s2], $0x80, $0x38;
	(v2sf) =	vpush v0, $0xF;
	[tilespmem:$0x10280] =	vst v63  }
0x32: {  	s4 =	sadd.s32 s3, s5;
	s5 =	sand.u32 $0x1FFFFFF0, s7;
	s7 =	spop (v2sf)  }
0x33: {  	[tilespmem:s11], [sflag:$0x3] =	stream.linear.gather [hbm4b:s4+s2], $0x80, $0x38;
	[tilespmem:$0x10280] =	vst v63  }
0x34: {  	s4 =	sadd.s32 s3, s6;
	s6 =	sand.u32 $0x1FFFFFF0, s7;
	s7 =	spop (v2sf)  }
0x35: {  	[tilespmem:s15], [sflag:$0x3] =	stream.linear.gather [hbm4b:s4+s2], $0x80, $0x38;
	[tilespmem:$0x10280] =	vst v63  }
0x36: {  	s4 =	sadd.s32 s3, s5;
	s5 =	sand.u32 $0x1FFFFFF0, s7;
	s7 =	spop (v2sf)  }
0x37: {  	[tilespmem:s0], [sflag:$0x3] =	stream.linear.gather [hbm4b:s4+s2], $0x80, $0x38;
	[tilespmem:$0x10280] =	vst v63  }
0x38: {  	s0 =	sadd.s32 s3, s6;
	s4 =	sand.u32 $0x1FFFFFF0, s7;
	s6 =	spop (v2sf)  }
0x39: {  	[tilespmem:s31], [sflag:$0x3] =	stream.linear.gather [hbm4b:s0+s2], $0x80, $0x38;
	[tilespmem:$0x10280] =	vst v63  }
0x3a: {  	s0 =	sadd.s32 s3, s5;
	s5 =	sand.u32 $0x1FFFFFF0, s6;
	s6 =	spop (v2sf)  }
0x3b: {  	[tilespmem:s1], [sflag:$0x3] =	stream.linear.gather [hbm4b:s0+s2], $0x80, $0x38;
	[tilespmem:$0x10280] =	vst v63  }
0x3c: {  	s0 =	sadd.s32 s3, s4;
	s1 =	sand.u32 $0x1FFFFFF0, s6;
	s4 =	spop (v2sf)  }
0x3d: {  	[tilespmem:s30], [sflag:$0x3] =	stream.linear.gather [hbm4b:s0+s2], $0x80, $0x38;
	[tilespmem:$0x10280] =	vst v63  }
0x3e: {  	s0 =	sadd.s32 s3, s5;
	s4 =	sand.u32 $0x1FFFFFF0, s4;
	s5 =	spop (v2sf)  }
0x3f: {  	[tilespmem:s29], [sflag:$0x3] =	stream.linear.gather [hbm4b:s0+s2], $0x80, $0x38;
	[tilespmem:$0x10280] =	vst v63  }
0x40: {  	s0 =	sadd.s32 s3, s1;
	s1 =	sand.u32 $0x1FFFFFF0, s5;
	s5 =	spop (v2sf)  }
0x41: {  	[tilespmem:s26], [sflag:$0x3] =	stream.linear.gather [hbm4b:s0+s2], $0x80, $0x38;
	[tilespmem:$0x10280] =	vst v63  }
0x42: {  	s0 =	sadd.s32 s3, s4;
	s4 =	sand.u32 $0x1FFFFFF0, s5  }
0x43: {  	[tilespmem:s28], [sflag:$0x3] =	stream.linear.gather [hbm4b:s0+s2], $0x80, $0x38;
	[tilespmem:$0x10280] =	vst v63  }
0x44: {  	s1 =	sadd.s32 s3, s1;
	s0 =	sadd.s32 $0x8900, s22  }
0x45: {  	[tilespmem:s0], [sflag:$0x3] =	stream.linear.gather [hbm4b:s1+s2], $0x80, $0x38;
	[tilespmem:$0x10280] =	vst v63  }
0x46: {  	s0 =	sadd.s32 $0x8980, s22;
	s1 =	sadd.s32 s3, s4  }
0x47: {  	[tilespmem:s0], [sflag:$0x3] =	stream.linear.gather [hbm4b:s1+s2], $0x80, $0x38;
	[tilespmem:$0x10280] =	vst v63  }
0x48: {  	v0 =	vld [tilespmem:s24+$0x0];
	_ =	sdelay $0x4  }
0x49: {  	v0 =	vshll.u32 v0, $0x4  }
0x4a: {  	(v2sf) =	vpush v0, $0x0  }
0x4b: {  	(v2sf) =	vpush v0, $0x1  }
0x4c: {  	(v2sf) =	vpush v0, $0x2;
	_ =	sdelay $0x1  }
0x4d: {  	(v2sf) =	vpush v0, $0x4  }
.Ltmp0:
0x4e: {  	(pc) =	sbr.rel @p0 .LBB2_2-.Ltmp0, $3  }
0x4f: {  	(v2sf) =	vpush v0, $0x3  }
0x50: {  	(v2sf) =	vpush v0, $0x5;
	_ =	sdelay $0x1  }
0x51: {  	s22 =	sshra.s32 s25, $0x2;
	(v2sf) =	vpush v0, $0x6  }
0x52: {  	_ =	sdelay $0x1  }
0x53: {  	s1 =	sadd.s32 $0x8280, s22;
	s24 =	sadd.s32 $0x8780, s22  }
0x54: {  	s4 =	sadd.s32 $0x8580, s22;
	s0 =	sadd.s32 $0x8800, s22;
	(v2sf) =	vpush v0, $0x7;
	s5 =	sadd.s32 $0x8480, s22  }
0x55: {  	s6 =	sadd.s32 $0x8600, s22;
	s23 =	sadd.s32 $0x8880, s22;
	s7 =	sadd.s32 $0x8200, s22  }
0x56: {  	s11 =	sadd.s32 $0x8400, s22;
	s12 =	sadd.s32 $0x8500, s22;
	(v2sf) =	vpush v0, $0x8;
	s14 =	spop (v2sf)  }
0x57: {  	s15 =	sadd.s32 $0x8300, s22;
	s14 =	sand.u32 $0x1FFFFFF0, s14;
	s20 =	spop (v2sf)  }
0x58: {  	(v2sf) =	vpush v0, $0x9;
	s14 =	sadd.s32 s3, s14;
	s20 =	sand.u32 $0x1FFFFFF0, s20;
	s25 =	spop (v2sf)  }
0x59: {  	[tilespmem:s7], [sflag:$0x3] =	stream.linear.gather [hbm4b:s14+s2], $0x80, $0x38;
	[tilespmem:$0x10280] =	vst v63  }
0x5a: {  	s26 =	sadd.s32 $0x8380, s22;
	(v2sf) =	vpush v0, $0xA;
	s30 =	sadd.s32 s3, s20;
	s31 =	spop (v2sf)  }
0x5b: {  	[tilespmem:s1], [sflag:$0x3] =	stream.linear.gather [hbm4b:s30+s2], $0x80, $0x38;
	[tilespmem:$0x10280] =	vst v63  }
0x5c: {  	s7 =	sadd.s32 $0x8700, s22;
	s28 =	sand.u32 $0x1FFFFFF0, s25;
	(v2sf) =	vpush v0, $0xB;
	s29 =	spop (v2sf)  }
0x5d: {  	s14 =	sadd.s32 s3, s28;
	s1 =	sadd.s32 $0x8680, s22;
	s25 =	sand.u32 $0x1FFFFFF0, s29  }
0x5e: {  	(v2sf) =	vpush v0, $0xC;
	[tilespmem:s15], [sflag:$0x3] =	stream.linear.gather [hbm4b:s14+s2], $0x80, $0x38;
	[tilespmem:$0x10280] =	vst v63  }
0x5f: {  	s30 =	sand.u32 $0x1FFFFFF0, s31;
	s31 =	spop (v2sf);
	s28 =	sadd.s32 s3, s25  }
0x60: {  	(v2sf) =	vpush v0, $0xD;
	[tilespmem:s26], [sflag:$0x3] =	stream.linear.gather [hbm4b:s28+s2], $0x80, $0x38;
	[tilespmem:$0x10280] =	vst v63  }
0x61: {  	s14 =	sadd.s32 s3, s30;
	s15 =	sand.u32 $0x1FFFFFF0, s31;
	s29 =	spop (v2sf)  }
0x62: {  	(v2sf) =	vpush v0, $0xE;
	[tilespmem:s11], [sflag:$0x3] =	stream.linear.gather [hbm4b:s14+s2], $0x80, $0x38;
	[tilespmem:$0x10280] =	vst v63  }
0x63: {  	s15 =	sadd.s32 s3, s15;
	s30 =	sand.u32 $0x1FFFFFF0, s29;
	s31 =	spop (v2sf)  }
0x64: {  	(v2sf) =	vpush v0, $0xF;
	[tilespmem:s5], [sflag:$0x3] =	stream.linear.gather [hbm4b:s15+s2], $0x80, $0x38;
	[tilespmem:$0x10280] =	vst v63  }
0x65: {  	s20 =	sand.u32 $0x1FFFFFF0, s31;
	s25 =	spop (v2sf);
	s11 =	sadd.s32 s3, s30  }
0x66: {  	[tilespmem:s12], [sflag:$0x3] =	stream.linear.gather [hbm4b:s11+s2], $0x80, $0x38;
	[tilespmem:$0x10280] =	vst v63  }
0x67: {  	s26 =	sand.u32 $0x1FFFFFF0, s25;
	s5 =	sadd.s32 s3, s20;
	s28 =	spop (v2sf)  }
0x68: {  	[tilespmem:s4], [sflag:$0x3] =	stream.linear.gather [hbm4b:s5+s2], $0x80, $0x38;
	[tilespmem:$0x10280] =	vst v63  }
0x69: {  	s11 =	sadd.s32 s3, s26;
	s29 =	sand.u32 $0x1FFFFFF0, s28;
	s30 =	spop (v2sf)  }
0x6a: {  	[tilespmem:s6], [sflag:$0x3] =	stream.linear.gather [hbm4b:s11+s2], $0x80, $0x38;
	[tilespmem:$0x10280] =	vst v63  }
0x6b: {  	s5 =	sand.u32 $0x1FFFFFF0, s30;
	s4 =	sadd.s32 s3, s29;
	s31 =	spop (v2sf)  }
0x6c: {  	[tilespmem:s1], [sflag:$0x3] =	stream.linear.gather [hbm4b:s4+s2], $0x80, $0x38;
	[tilespmem:$0x10280] =	vst v63  }
0x6d: {  	s5 =	sadd.s32 s3, s5;
	s6 =	sand.u32 $0x1FFFFFF0, s31;
	s11 =	spop (v2sf)  }
0x6e: {  	[tilespmem:s7], [sflag:$0x3] =	stream.linear.gather [hbm4b:s5+s2], $0x80, $0x38;
	[tilespmem:$0x10280] =	vst v63  }
0x6f: {  	s1 =	sadd.s32 s3, s6;
	s4 =	sand.u32 $0x1FFFFFF0, s11;
	s12 =	spop (v2sf)  }
0x70: {  	[tilespmem:s24], [sflag:$0x3] =	stream.linear.gather [hbm4b:s1+s2], $0x80, $0x38;
	[tilespmem:$0x10280] =	vst v63  }
0x71: {  	s14 =	sand.u32 $0x1FFFFFF0, s12;
	s4 =	sadd.s32 s3, s4;
	s15 =	spop (v2sf)  }
0x72: {  	[tilespmem:s0], [sflag:$0x3] =	stream.linear.gather [hbm4b:s4+s2], $0x80, $0x38;
	[tilespmem:$0x10280] =	vst v63  }
0x73: {  	s20 =	sand.u32 $0x1FFFFFF0, s15;
	s24 =	spop (v2sf);
	s1 =	sadd.s32 s3, s14  }
0x74: {  	[tilespmem:s23], [sflag:$0x3] =	stream.linear.gather [hbm4b:s1+s2], $0x80, $0x38;
	[tilespmem:$0x10280] =	vst v63  }
0x75: {  	s26 =	sadd.s32 $0x8900, s22;
	s25 =	sand.u32 $0x1FFFFFF0, s24;
	s0 =	sadd.s32 s3, s20  }
0x76: {  	[tilespmem:s26], [sflag:$0x3] =	stream.linear.gather [hbm4b:s0+s2], $0x80, $0x38;
	[tilespmem:$0x10280] =	vst v63  }
0x77: {  	s28 =	sadd.s32 $0x8980, s22;
	s29 =	simm.s32 $0x0;
	s1 =	sadd.s32 s3, s25  }
0x78: {  	[tilespmem:s28], [sflag:$0x3] =	stream.linear.gather [hbm4b:s1+s2], $0x80, $0x38;
	[tilespmem:$0x10280] =	vst v63  }
0x79: {  	s30 =	rddreg [dreg:$0x4];
	s31 =	simm.s32 $0x4200;
	s23 =	simm.s32 $0x80  }
0x7a: {  	[tilespmem:s31], [sflag:$0x2] =	stream.linear.gather [hbm4b:s30+s29], $0x4000, $0x38;
	[tilespmem:$0x10280] =	vst v63  }
0x7b: {  	v0 =	vld [tilespmem:s23+$0x0];
	_ =	sdelay $0x4  }
0x7c: {  	v0 =	vshll.u32 v0, $0x4  }
0x7d: {  	(v2sf) =	vpush v0, $0x0  }
0x7e: {  	(v2sf) =	vpush v0, $0x1  }
0x7f: {  	(v2sf) =	vpush v0, $0x2;
	_ =	sdelay $0x1  }
0x80: {  	(v2sf) =	vpush v0, $0x4;
	_ =	sdelay $0x1  }
0x81: {  	(v2sf) =	vpush v0, $0x3  }
0x82: {  	(v2sf) =	vpush v0, $0x5  }
0x83: {  	s22 =	simm.s32 $0x0;
	s24 =	simm.s32 $0x2000;
	(v2sf) =	vpush v0, $0x6  }
.LBB2_4:
0x84: {  	p0 =	sne.s32 s24, $0xE000  }
0x85: {  	s4 =	sadd.s32 $0xC280, s22;
	s29 =	sadd.s32 $0xC780, s22;
	s25 =	smov.u32 s24  }
0x86: {  	s24 =	sadd.s32 $0x2000, s24;
	s0 =	sadd.s32 $0xC580, s22;
	s26 =	sadd.s32 $0xC800, s22;
	(v2sf) =	vpush v0, $0x7  }
0x87: {  	s11 =	sadd.s32 $0xC480, s22;
	s31 =	sadd.s32 $0xC600, s22;
	s28 =	sadd.s32 $0xC880, s22  }
0x88: {  	s5 =	sadd.s32 $0xC200, s22;
	s6 =	sadd.s32 $0xC400, s22;
	(v2sf) =	vpush v0, $0x8  }
0x89: {  	s7 =	sadd.s32 $0xC500, s22;
	s23 =	sadd.s32 $0x10, s23  }
0x8a: {  	s12 =	sadd.s32 $0xC300, s22;
	s30 =	sadd.s32 $0xC700, s22;
	s1 =	spop (v2sf);
	(v2sf) =	vpush v0, $0x9  }
0x8b: {  	s14 =	sand.u32 $0x1FFFFFF0, s1;
	s1 =	sadd.s32 $0xC680, s22;
	s15 =	spop (v2sf)  }
0x8c: {  	s14 =	sadd.s32 s3, s14;
	s15 =	sand.u32 $0x1FFFFFF0, s15;
	s20 =	spop (v2sf);
	(v2sf) =	vpush v0, $0xA  }
0x8d: {  	[tilespmem:s5], [sflag:$0x4] =	stream.linear.gather [hbm4b:s14+s2], $0x80, $0x38;
	[tilespmem:$0x10280] =	vst v63  }
0x8e: {  	s5 =	sadd.s32 s3, s15;
	s14 =	sadd.s32 $0xC380, s22;
	s15 =	spop (v2sf);
	(v2sf) =	vpush v0, $0xB  }
0x8f: {  	[tilespmem:s4], [sflag:$0x4] =	stream.linear.gather [hbm4b:s5+s2], $0x80, $0x38;
	[tilespmem:$0x10280] =	vst v63  }
0x90: {  	s4 =	sand.u32 $0x1FFFFFF0, s20;
	s5 =	sand.u32 $0x1FFFFFF0, s15;
	s15 =	spop (v2sf);
	(v2sf) =	vpush v0, $0xC  }
0x91: {  	s4 =	sadd.s32 s3, s4;
	s15 =	sand.u32 $0x1FFFFFF0, s15;
	s20 =	spop (v2sf)  }
0x92: {  	[tilespmem:s12], [sflag:$0x4] =	stream.linear.gather [hbm4b:s4+s2], $0x80, $0x38;
	(v2sf) =	vpush v0, $0xD;
	[tilespmem:$0x10280] =	vst v63  }
0x93: {  	s4 =	sadd.s32 s3, s15;
	s12 =	sand.u32 $0x1FFFFFF0, s20;
	s15 =	spop (v2sf)  }
0x94: {  	[tilespmem:s14], [sflag:$0x4] =	stream.linear.gather [hbm4b:s4+s2], $0x80, $0x38;
	(v2sf) =	vpush v0, $0xE;
	[tilespmem:$0x10280] =	vst v63  }
0x95: {  	s4 =	sadd.s32 s3, s5;
	s5 =	sand.u32 $0x1FFFFFF0, s15;
	s14 =	spop (v2sf)  }
0x96: {  	[tilespmem:s6], [sflag:$0x4] =	stream.linear.gather [hbm4b:s4+s2], $0x80, $0x38;
	(v2sf) =	vpush v0, $0xF;
	[tilespmem:$0x10280] =	vst v63  }
0x97: {  	s4 =	sadd.s32 s3, s12;
	s6 =	sand.u32 $0x1FFFFFF0, s14;
	s12 =	spop (v2sf)  }
0x98: {  	[tilespmem:s11], [sflag:$0x4] =	stream.linear.gather [hbm4b:s4+s2], $0x80, $0x38;
	[tilespmem:$0x10280] =	vst v63  }
0x99: {  	s4 =	sadd.s32 s3, s5;
	s5 =	sand.u32 $0x1FFFFFF0, s12;
	s11 =	spop (v2sf)  }
0x9a: {  	[tilespmem:s7], [sflag:$0x4] =	stream.linear.gather [hbm4b:s4+s2], $0x80, $0x38;
	[tilespmem:$0x10280] =	vst v63  }
0x9b: {  	s4 =	sadd.s32 s3, s6;
	s6 =	sand.u32 $0x1FFFFFF0, s11;
	s7 =	spop (v2sf)  }
0x9c: {  	[tilespmem:s0], [sflag:$0x4] =	stream.linear.gather [hbm4b:s4+s2], $0x80, $0x38;
	[tilespmem:$0x10280] =	vst v63  }
0x9d: {  	s0 =	sadd.s32 s3, s5;
	s4 =	sand.u32 $0x1FFFFFF0, s7;
	s5 =	spop (v2sf)  }
0x9e: {  	[tilespmem:s31], [sflag:$0x4] =	stream.linear.gather [hbm4b:s0+s2], $0x80, $0x38;
	[tilespmem:$0x10280] =	vst v63  }
0x9f: {  	s0 =	sadd.s32 s3, s6;
	s5 =	sand.u32 $0x1FFFFFF0, s5;
	s6 =	spop (v2sf)  }
0xa0: {  	[tilespmem:s1], [sflag:$0x4] =	stream.linear.gather [hbm4b:s0+s2], $0x80, $0x38;
	[tilespmem:$0x10280] =	vst v63  }
0xa1: {  	s0 =	sadd.s32 s3, s4;
	s1 =	sand.u32 $0x1FFFFFF0, s6;
	s4 =	spop (v2sf)  }
0xa2: {  	[tilespmem:s30], [sflag:$0x4] =	stream.linear.gather [hbm4b:s0+s2], $0x80, $0x38;
	[tilespmem:$0x10280] =	vst v63  }
0xa3: {  	s0 =	sadd.s32 s3, s5;
	s4 =	sand.u32 $0x1FFFFFF0, s4;
	s5 =	spop (v2sf)  }
0xa4: {  	[tilespmem:s29], [sflag:$0x4] =	stream.linear.gather [hbm4b:s0+s2], $0x80, $0x38;
	[tilespmem:$0x10280] =	vst v63  }
0xa5: {  	s0 =	sadd.s32 s3, s1;
	s1 =	sand.u32 $0x1FFFFFF0, s5;
	s5 =	spop (v2sf)  }
0xa6: {  	[tilespmem:s26], [sflag:$0x4] =	stream.linear.gather [hbm4b:s0+s2], $0x80, $0x38;
	[tilespmem:$0x10280] =	vst v63  }
0xa7: {  	s0 =	sadd.s32 s3, s4;
	s4 =	sand.u32 $0x1FFFFFF0, s5  }
0xa8: {  	[tilespmem:s28], [sflag:$0x4] =	stream.linear.gather [hbm4b:s0+s2], $0x80, $0x38;
	[tilespmem:$0x10280] =	vst v63  }
0xa9: {  	s1 =	sadd.s32 s3, s1;
	s0 =	sadd.s32 $0xC900, s22  }
0xaa: {  	[tilespmem:s0], [sflag:$0x4] =	stream.linear.gather [hbm4b:s1+s2], $0x80, $0x38;
	[tilespmem:$0x10280] =	vst v63  }
0xab: {  	s0 =	sadd.s32 $0xC980, s22;
	s1 =	sadd.s32 s3, s4  }
0xac: {  	[tilespmem:s0], [sflag:$0x4] =	stream.linear.gather [hbm4b:s1+s2], $0x80, $0x38;
	[tilespmem:$0x10280] =	vst v63  }
0xad: {  	v0 =	vld [tilespmem:s23+$0x0];
	_ =	sdelay $0x4  }
0xae: {  	v0 =	vshll.u32 v0, $0x4  }
0xaf: {  	(v2sf) =	vpush v0, $0x0  }
0xb0: {  	(v2sf) =	vpush v0, $0x1  }
0xb1: {  	(v2sf) =	vpush v0, $0x2;
	_ =	sdelay $0x1  }
0xb2: {  	(v2sf) =	vpush v0, $0x4  }
.Ltmp1:
0xb3: {  	(pc) =	sbr.rel @p0 .LBB2_4-.Ltmp1, $3  }
0xb4: {  	(v2sf) =	vpush v0, $0x3  }
0xb5: {  	(v2sf) =	vpush v0, $0x5;
	_ =	sdelay $0x1  }
0xb6: {  	s22 =	sshra.s32 s25, $0x2;
	(v2sf) =	vpush v0, $0x6  }
0xb7: {  	_ =	sdelay $0x1  }
0xb8: {  	s1 =	sadd.s32 $0xC280, s22;
	s24 =	sadd.s32 $0xC780, s22  }
0xb9: {  	s4 =	sadd.s32 $0xC580, s22;
	s0 =	sadd.s32 $0xC800, s22;
	(v2sf) =	vpush v0, $0x7;
	s5 =	sadd.s32 $0xC480, s22  }
0xba: {  	s6 =	sadd.s32 $0xC600, s22;
	s23 =	sadd.s32 $0xC880, s22;
	s7 =	sadd.s32 $0xC200, s22  }
0xbb: {  	s11 =	sadd.s32 $0xC400, s22;
	s12 =	sadd.s32 $0xC500, s22;
	(v2sf) =	vpush v0, $0x8;
	s14 =	spop (v2sf)  }
0xbc: {  	s15 =	sadd.s32 $0xC300, s22;
	s14 =	sand.u32 $0x1FFFFFF0, s14;
	s20 =	spop (v2sf)  }
0xbd: {  	(v2sf) =	vpush v0, $0x9;
	s14 =	sadd.s32 s3, s14;
	s20 =	sand.u32 $0x1FFFFFF0, s20;
	s25 =	spop (v2sf)  }
0xbe: {  	[tilespmem:s7], [sflag:$0x4] =	stream.linear.gather [hbm4b:s14+s2], $0x80, $0x38;
	[tilespmem:$0x10280] =	vst v63  }
0xbf: {  	(v2sf) =	vpush v0, $0xA;
	s26 =	sadd.s32 s3, s20;
	s29 =	sand.u32 $0x1FFFFFF0, s25;
	s28 =	spop (v2sf)  }
0xc0: {  	[tilespmem:s1], [sflag:$0x4] =	stream.linear.gather [hbm4b:s26+s2], $0x80, $0x38;
	[tilespmem:$0x10280] =	vst v63  }
0xc1: {  	s7 =	sadd.s32 $0xC700, s22;
	(v2sf) =	vpush v0, $0xB;
	s14 =	sadd.s32 s3, s29;
	s30 =	spop (v2sf)  }
0xc2: {  	s1 =	sadd.s32 $0xC680, s22;
	s26 =	sadd.s32 $0xC380, s22;
	s25 =	sand.u32 $0x1FFFFFF0, s30  }
0xc3: {  	(v2sf) =	vpush v0, $0xC;
	[tilespmem:s15], [sflag:$0x4] =	stream.linear.gather [hbm4b:s14+s2], $0x80, $0x38;
	[tilespmem:$0x10280] =	vst v63  }
0xc4: {  	s31 =	sand.u32 $0x1FFFFFF0, s28;
	s28 =	spop (v2sf);
	s29 =	sadd.s32 s3, s25  }
0xc5: {  	(v2sf) =	vpush v0, $0xD;
	[tilespmem:s26], [sflag:$0x4] =	stream.linear.gather [hbm4b:s29+s2], $0x80, $0x38;
	[tilespmem:$0x10280] =	vst v63  }
0xc6: {  	s14 =	sadd.s32 s3, s31;
	s15 =	sand.u32 $0x1FFFFFF0, s28;
	s30 =	spop (v2sf)  }
0xc7: {  	(v2sf) =	vpush v0, $0xE;
	[tilespmem:s11], [sflag:$0x4] =	stream.linear.gather [hbm4b:s14+s2], $0x80, $0x38;
	[tilespmem:$0x10280] =	vst v63  }
0xc8: {  	s15 =	sadd.s32 s3, s15;
	s31 =	sand.u32 $0x1FFFFFF0, s30;
	s20 =	spop (v2sf)  }
0xc9: {  	(v2sf) =	vpush v0, $0xF;
	[tilespmem:s5], [sflag:$0x4] =	stream.linear.gather [hbm4b:s15+s2], $0x80, $0x38;
	[tilespmem:$0x10280] =	vst v63  }
0xca: {  	s25 =	sand.u32 $0x1FFFFFF0, s20;
	s26 =	spop (v2sf);
	s11 =	sadd.s32 s3, s31  }
0xcb: {  	[tilespmem:s12], [sflag:$0x4] =	stream.linear.gather [hbm4b:s11+s2], $0x80, $0x38;
	[tilespmem:$0x10280] =	vst v63  }
0xcc: {  	s28 =	sand.u32 $0x1FFFFFF0, s26;
	s5 =	sadd.s32 s3, s25;
	s29 =	spop (v2sf)  }
0xcd: {  	[tilespmem:s4], [sflag:$0x4] =	stream.linear.gather [hbm4b:s5+s2], $0x80, $0x38;
	[tilespmem:$0x10280] =	vst v63  }
0xce: {  	s11 =	sadd.s32 s3, s28;
	s30 =	sand.u32 $0x1FFFFFF0, s29;
	s31 =	spop (v2sf)  }
0xcf: {  	[tilespmem:s6], [sflag:$0x4] =	stream.linear.gather [hbm4b:s11+s2], $0x80, $0x38;
	[tilespmem:$0x10280] =	vst v63  }
0xd0: {  	s5 =	sand.u32 $0x1FFFFFF0, s31;
	s4 =	sadd.s32 s3, s30;
	s11 =	spop (v2sf)  }
0xd1: {  	[tilespmem:s1], [sflag:$0x4] =	stream.linear.gather [hbm4b:s4+s2], $0x80, $0x38;
	[tilespmem:$0x10280] =	vst v63  }
0xd2: {  	s5 =	sadd.s32 s3, s5;
	s12 =	sand.u32 $0x1FFFFFF0, s11;
	s14 =	spop (v2sf)  }
0xd3: {  	[tilespmem:s7], [sflag:$0x4] =	stream.linear.gather [hbm4b:s5+s2], $0x80, $0x38;
	[tilespmem:$0x10280] =	vst v63  }
0xd4: {  	s1 =	sadd.s32 s3, s12;
	s4 =	sand.u32 $0x1FFFFFF0, s14;
	s15 =	spop (v2sf)  }
0xd5: {  	[tilespmem:s24], [sflag:$0x4] =	stream.linear.gather [hbm4b:s1+s2], $0x80, $0x38;
	[tilespmem:$0x10280] =	vst v63  }
0xd6: {  	s20 =	sand.u32 $0x1FFFFFF0, s15;
	s4 =	sadd.s32 s3, s4;
	s24 =	spop (v2sf)  }
0xd7: {  	[tilespmem:s0], [sflag:$0x4] =	stream.linear.gather [hbm4b:s4+s2], $0x80, $0x38;
	[tilespmem:$0x10280] =	vst v63  }
0xd8: {  	s1 =	sadd.s32 s3, s20;
	s25 =	sand.u32 $0x1FFFFFF0, s24;
	s26 =	spop (v2sf)  }
0xd9: {  	[tilespmem:s23], [sflag:$0x4] =	stream.linear.gather [hbm4b:s1+s2], $0x80, $0x38;
	[tilespmem:$0x10280] =	vst v63  }
0xda: {  	s29 =	sadd.s32 $0xC900, s22;
	s28 =	sand.u32 $0x1FFFFFF0, s26;
	s0 =	sadd.s32 s3, s25  }
0xdb: {  	[tilespmem:s29], [sflag:$0x4] =	stream.linear.gather [hbm4b:s0+s2], $0x80, $0x38;
	[tilespmem:$0x10280] =	vst v63  }
0xdc: {  	s30 =	sadd.s32 $0xC980, s22;
	s1 =	sadd.s32 s3, s28  }
0xdd: {  	[tilespmem:s30], [sflag:$0x4] =	stream.linear.gather [hbm4b:s1+s2], $0x80, $0x38;
	[tilespmem:$0x10280] =	vst v63  }
0xde: {  	_ =	swait.ge [sflag:s16], $0x4000  }
0xdf: {  	[sflag:s16] =	ssyncset.done $0x0  }
0xe0: {  	[sflag:s16] =	ssyncadd.s32 $0xFFFFC000  }
0xe1: {  	_ =	swait.ge [sflag:s17], $0x4000  }
0xe2: {  	[sflag:s17] =	ssyncset.done $0x0  }
0xe3: {  	s31 =	simm.s32 $0x0;
	[sflag:s17] =	ssyncadd.s32 $0xFFFFC000  }
0xe4: {  	v0 =	vld [tilespmem:s31+$0x230]  }
0xe5: {  	v1 =	vld [tilespmem:s31+$0x8230]  }
0xe6: {  	v2 =	vld [tilespmem:s31+$0x200]  }
0xe7: {  	v4 =	vld [tilespmem:s31+$0x8200];
	_ =	sdelay $0x1  }
0xe8: {  	v3 =	vld [tilespmem:s31+$0x210]  }
0xe9: {  	v7 =	vld [tilespmem:s31+$0x8210]  }
0xea: {  	v5 =	vld [tilespmem:s31+$0x220];
	v1 =	vsub.f32 v0, v1  }
0xeb: {  	s0 =	simm.s32 $0x80;
	v8 =	vld [tilespmem:s31+$0x8220];
	v0 =	vimm.f32 $0.0e+00;
	v10 =	vsub.f32 v2, v4;
	v4 =	vimm.f32 $0.0e+00  }
0xec: {  	s1 =	simm.s32 $0x400;
	v6 =	vld [tilespmem:s0+$0x230];
	v2 =	vimm.f32 $0.0e+00;
	v9 =	vmul.f32 v1, v1;
	v1 =	vimm.f32 $0.0e+00  }
.LBB2_6:
0xed: {  	p0 =	sne.s32 s1, $0xFE00;
	v11 =	vld [tilespmem:s0+$0x8230]  }
0xee: {  	v12 =	vld [tilespmem:s0+$0x200];
	v10 =	vmul.f32 v10, v10;
	v7 =	vsub.f32 v3, v7;
	v0 =	vadd.f32 v9, v0  }
0xef: {  	v9 =	vld [tilespmem:s0+$0x8200]  }
.Ltmp2:
0xf0: {  	v3 =	vld [tilespmem:s0+$0x210];
	v4 =	vadd.f32 v10, v4;
	v10 =	vmul.f32 v7, v7;
	v8 =	vsub.f32 v5, v8;
	(pc) =	sbr.rel @p0 .LBB2_6-.Ltmp2, $4  }
0xf1: {  	v7 =	vld [tilespmem:s0+$0x8210]  }
0xf2: {  	v5 =	vld [tilespmem:s0+$0x220];
	v11 =	vsub.f32 v6, v11;
	v2 =	vadd.f32 v10, v2;
	v13 =	vmul.f32 v8, v8  }
0xf3: {  	v8 =	vld [tilespmem:s0+$0x8220];
	s0 =	sshra.s32 s1, $0x2  }
0xf4: {  	s1 =	sadd.s32 $0x200, s1;
	v6 =	vld [tilespmem:s0+$0x230];
	v10 =	vsub.f32 v12, v9;
	v9 =	vmul.f32 v11, v11;
	v1 =	vadd.f32 v13, v1  }
0xf5: {  	v11 =	vld [tilespmem:s0+$0x8230]  }
0xf6: {  	v12 =	vld [tilespmem:s0+$0x200]  }
0xf7: {  	v13 =	vld [tilespmem:s0+$0x8200]  }
0xf8: {  	v14 =	vld [tilespmem:s0+$0x210]  }
0xf9: {  	v15 =	vld [tilespmem:s0+$0x8210];
	s31 =	simm.s32 $0x0  }
0xfa: {  	v16 =	vld [tilespmem:s0+$0x220];
	s1 =	rddreg [dreg:$0x5];
	s4 =	simm.s32 $0x200;
	s23 =	simm.s32 $0x100  }
0xfb: {  	v17 =	vld [tilespmem:s0+$0x8220];
	[tilespmem:s4], [sflag:$0x1] =	stream.linear.gather [hbm4b:s1+s31], $0x4000, $0x38  }
0xfc: {  	v18 =	vld [tilespmem:s23+$0x0];
	_ =	sdelay $0x2  }
0xfd: {  	v3 =	vsub.f32 v3, v7;
	v7 =	vmul.f32 v10, v10  }
0xfe: {  	v0 =	vadd.f32 v9, v0;
	v5 =	vsub.f32 v5, v8  }
0xff: {  	v3 =	vmul.f32 v3, v3;
	v7 =	vadd.f32 v7, v4;
	v4 =	vshll.u32 v18, $0x4  }
0x100: {  	v6 =	vsub.f32 v6, v11;
	(v2sf) =	vpush v4, $0x0  }
0x101: {  	v5 =	vmul.f32 v5, v5;
	v3 =	vadd.f32 v3, v2;
	(v2sf) =	vpush v4, $0x1  }
0x102: {  	v2 =	vsub.f32 v12, v13;
	(v2sf) =	vpush v4, $0x2  }
0x103: {  	v1 =	vadd.f32 v5, v1;
	v5 =	vmul.f32 v6, v6;
	v6 =	vsub.f32 v14, v15  }
0x104: {  	v63 =	vsub.f32 v16, v17;
	v2 =	vmul.f32 v2, v2;
	(v2sf) =	vpush v4, $0x4  }
0x105: {  	v0 =	vadd.f32 v5, v0;
	v5 =	vmul.f32 v6, v6  }
0x106: {  	v2 =	vadd.f32 v2, v7;
	v6 =	vmul.f32 v63, v63;
	(v2sf) =	vpush v4, $0x3  }
0x107: {  	v3 =	vadd.f32 v5, v3;
	(v2sf) =	vpush v4, $0x5  }
0x108: {  	s24 =	simm.s32 $0x2000;
	s22 =	simm.s32 $0x0;
	v1 =	vadd.f32 v6, v1;
	(v2sf) =	vpush v4, $0x6  }
.LBB2_8:
0x109: {  	p0 =	sne.s32 s24, $0xE000  }
0x10a: {  	s4 =	sadd.s32 $0x8280, s22;
	s29 =	sadd.s32 $0x8780, s22;
	s25 =	smov.u32 s24  }
0x10b: {  	s24 =	sadd.s32 $0x2000, s24;
	s0 =	sadd.s32 $0x8580, s22;
	s26 =	sadd.s32 $0x8800, s22;
	(v2sf) =	vpush v4, $0x7  }
0x10c: {  	s11 =	sadd.s32 $0x8480, s22;
	s31 =	sadd.s32 $0x8600, s22;
	s28 =	sadd.s32 $0x8880, s22  }
0x10d: {  	s5 =	sadd.s32 $0x8200, s22;
	s6 =	sadd.s32 $0x8400, s22;
	(v2sf) =	vpush v4, $0x8  }
0x10e: {  	s7 =	sadd.s32 $0x8500, s22;
	s23 =	sadd.s32 $0x10, s23  }
0x10f: {  	s12 =	sadd.s32 $0x8300, s22;
	s30 =	sadd.s32 $0x8700, s22;
	s1 =	spop (v2sf);
	(v2sf) =	vpush v4, $0x9  }
0x110: {  	s14 =	sand.u32 $0x1FFFFFF0, s1;
	s1 =	sadd.s32 $0x8680, s22;
	s15 =	spop (v2sf)  }
0x111: {  	s14 =	sadd.s32 s3, s14;
	s15 =	sand.u32 $0x1FFFFFF0, s15;
	s20 =	spop (v2sf);
	(v2sf) =	vpush v4, $0xA  }
0x112: {  	[tilespmem:s5], [sflag:$0x3] =	stream.linear.gather [hbm4b:s14+s2], $0x80, $0x38;
	[tilespmem:$0x10280] =	vst v63  }
0x113: {  	s5 =	sadd.s32 s3, s15;
	s14 =	sadd.s32 $0x8380, s22;
	s15 =	spop (v2sf);
	(v2sf) =	vpush v4, $0xB  }
0x114: {  	[tilespmem:s4], [sflag:$0x3] =	stream.linear.gather [hbm4b:s5+s2], $0x80, $0x38;
	[tilespmem:$0x10280] =	vst v63  }
0x115: {  	s4 =	sand.u32 $0x1FFFFFF0, s20;
	s5 =	sand.u32 $0x1FFFFFF0, s15;
	s15 =	spop (v2sf);
	(v2sf) =	vpush v4, $0xC  }
0x116: {  	s4 =	sadd.s32 s3, s4;
	s15 =	sand.u32 $0x1FFFFFF0, s15;
	s20 =	spop (v2sf)  }
0x117: {  	[tilespmem:s12], [sflag:$0x3] =	stream.linear.gather [hbm4b:s4+s2], $0x80, $0x38;
	(v2sf) =	vpush v4, $0xD;
	[tilespmem:$0x10280] =	vst v63  }
0x118: {  	s4 =	sadd.s32 s3, s15;
	s12 =	sand.u32 $0x1FFFFFF0, s20;
	s15 =	spop (v2sf)  }
0x119: {  	[tilespmem:s14], [sflag:$0x3] =	stream.linear.gather [hbm4b:s4+s2], $0x80, $0x38;
	(v2sf) =	vpush v4, $0xE;
	[tilespmem:$0x10280] =	vst v63  }
0x11a: {  	s4 =	sadd.s32 s3, s5;
	s5 =	sand.u32 $0x1FFFFFF0, s15;
	s14 =	spop (v2sf)  }
0x11b: {  	[tilespmem:s6], [sflag:$0x3] =	stream.linear.gather [hbm4b:s4+s2], $0x80, $0x38;
	(v2sf) =	vpush v4, $0xF;
	[tilespmem:$0x10280] =	vst v63  }
0x11c: {  	s4 =	sadd.s32 s3, s12;
	s6 =	sand.u32 $0x1FFFFFF0, s14;
	s12 =	spop (v2sf)  }
0x11d: {  	[tilespmem:s11], [sflag:$0x3] =	stream.linear.gather [hbm4b:s4+s2], $0x80, $0x38;
	[tilespmem:$0x10280] =	vst v63  }
0x11e: {  	s4 =	sadd.s32 s3, s5;
	s5 =	sand.u32 $0x1FFFFFF0, s12;
	s11 =	spop (v2sf)  }
0x11f: {  	[tilespmem:s7], [sflag:$0x3] =	stream.linear.gather [hbm4b:s4+s2], $0x80, $0x38;
	[tilespmem:$0x10280] =	vst v63  }
0x120: {  	s4 =	sadd.s32 s3, s6;
	s6 =	sand.u32 $0x1FFFFFF0, s11;
	s7 =	spop (v2sf)  }
0x121: {  	[tilespmem:s0], [sflag:$0x3] =	stream.linear.gather [hbm4b:s4+s2], $0x80, $0x38;
	[tilespmem:$0x10280] =	vst v63  }
0x122: {  	s0 =	sadd.s32 s3, s5;
	s4 =	sand.u32 $0x1FFFFFF0, s7;
	s5 =	spop (v2sf)  }
0x123: {  	[tilespmem:s31], [sflag:$0x3] =	stream.linear.gather [hbm4b:s0+s2], $0x80, $0x38;
	[tilespmem:$0x10280] =	vst v63  }
0x124: {  	s0 =	sadd.s32 s3, s6;
	s5 =	sand.u32 $0x1FFFFFF0, s5;
	s6 =	spop (v2sf)  }
0x125: {  	[tilespmem:s1], [sflag:$0x3] =	stream.linear.gather [hbm4b:s0+s2], $0x80, $0x38;
	[tilespmem:$0x10280] =	vst v63  }
0x126: {  	s0 =	sadd.s32 s3, s4;
	s1 =	sand.u32 $0x1FFFFFF0, s6;
	s4 =	spop (v2sf)  }
0x127: {  	[tilespmem:s30], [sflag:$0x3] =	stream.linear.gather [hbm4b:s0+s2], $0x80, $0x38;
	[tilespmem:$0x10280] =	vst v63  }
0x128: {  	s0 =	sadd.s32 s3, s5;
	s4 =	sand.u32 $0x1FFFFFF0, s4;
	s5 =	spop (v2sf)  }
0x129: {  	[tilespmem:s29], [sflag:$0x3] =	stream.linear.gather [hbm4b:s0+s2], $0x80, $0x38;
	[tilespmem:$0x10280] =	vst v63  }
0x12a: {  	s0 =	sadd.s32 s3, s1;
	s1 =	sand.u32 $0x1FFFFFF0, s5;
	s5 =	spop (v2sf)  }
0x12b: {  	[tilespmem:s26], [sflag:$0x3] =	stream.linear.gather [hbm4b:s0+s2], $0x80, $0x38;
	[tilespmem:$0x10280] =	vst v63  }
0x12c: {  	s0 =	sadd.s32 s3, s4;
	s4 =	sand.u32 $0x1FFFFFF0, s5  }
0x12d: {  	[tilespmem:s28], [sflag:$0x3] =	stream.linear.gather [hbm4b:s0+s2], $0x80, $0x38;
	[tilespmem:$0x10280] =	vst v63  }
0x12e: {  	s1 =	sadd.s32 s3, s1;
	s0 =	sadd.s32 $0x8900, s22  }
0x12f: {  	[tilespmem:s0], [sflag:$0x3] =	stream.linear.gather [hbm4b:s1+s2], $0x80, $0x38;
	[tilespmem:$0x10280] =	vst v63  }
0x130: {  	s0 =	sadd.s32 $0x8980, s22;
	s1 =	sadd.s32 s3, s4  }
0x131: {  	[tilespmem:s0], [sflag:$0x3] =	stream.linear.gather [hbm4b:s1+s2], $0x80, $0x38;
	[tilespmem:$0x10280] =	vst v63  }
0x132: {  	v4 =	vld [tilespmem:s23+$0x0];
	_ =	sdelay $0x4  }
0x133: {  	v4 =	vshll.u32 v4, $0x4  }
0x134: {  	(v2sf) =	vpush v4, $0x0  }
0x135: {  	(v2sf) =	vpush v4, $0x1  }
0x136: {  	(v2sf) =	vpush v4, $0x2;
	_ =	sdelay $0x1  }
0x137: {  	(v2sf) =	vpush v4, $0x4  }
.Ltmp3:
0x138: {  	(pc) =	sbr.rel @p0 .LBB2_8-.Ltmp3, $3  }
0x139: {  	(v2sf) =	vpush v4, $0x3  }
0x13a: {  	(v2sf) =	vpush v4, $0x5;
	_ =	sdelay $0x1  }
0x13b: {  	s22 =	sshra.s32 s25, $0x2;
	(v2sf) =	vpush v4, $0x6  }
0x13c: {  	_ =	sdelay $0x1  }
0x13d: {  	s1 =	sadd.s32 $0x8280, s22;
	s24 =	sadd.s32 $0x8780, s22  }
0x13e: {  	s4 =	sadd.s32 $0x8580, s22;
	s0 =	sadd.s32 $0x8800, s22;
	(v2sf) =	vpush v4, $0x7;
	s5 =	sadd.s32 $0x8480, s22  }
0x13f: {  	s6 =	sadd.s32 $0x8600, s22;
	s23 =	sadd.s32 $0x8880, s22;
	s7 =	sadd.s32 $0x8200, s22  }
0x140: {  	s11 =	sadd.s32 $0x8400, s22;
	s12 =	sadd.s32 $0x8500, s22;
	(v2sf) =	vpush v4, $0x8;
	s14 =	spop (v2sf)  }
0x141: {  	s15 =	sadd.s32 $0x8300, s22;
	s14 =	sand.u32 $0x1FFFFFF0, s14;
	s20 =	spop (v2sf)  }
0x142: {  	(v2sf) =	vpush v4, $0x9;
	s14 =	sadd.s32 s3, s14;
	s20 =	sand.u32 $0x1FFFFFF0, s20;
	s25 =	spop (v2sf)  }
0x143: {  	[tilespmem:s7], [sflag:$0x3] =	stream.linear.gather [hbm4b:s14+s2], $0x80, $0x38;
	[tilespmem:$0x10280] =	vst v63  }
0x144: {  	(v2sf) =	vpush v4, $0xA;
	s26 =	sadd.s32 s3, s20;
	s29 =	sand.u32 $0x1FFFFFF0, s25;
	s28 =	spop (v2sf)  }
0x145: {  	[tilespmem:s1], [sflag:$0x3] =	stream.linear.gather [hbm4b:s26+s2], $0x80, $0x38;
	[tilespmem:$0x10280] =	vst v63  }
0x146: {  	s7 =	sadd.s32 $0x8700, s22;
	(v2sf) =	vpush v4, $0xB;
	s14 =	sadd.s32 s3, s29;
	s30 =	spop (v2sf)  }
0x147: {  	s1 =	sadd.s32 $0x8680, s22;
	s26 =	sadd.s32 $0x8380, s22;
	s25 =	sand.u32 $0x1FFFFFF0, s30  }
0x148: {  	(v2sf) =	vpush v4, $0xC;
	[tilespmem:s15], [sflag:$0x3] =	stream.linear.gather [hbm4b:s14+s2], $0x80, $0x38;
	[tilespmem:$0x10280] =	vst v63  }
0x149: {  	s31 =	sand.u32 $0x1FFFFFF0, s28;
	s28 =	spop (v2sf);
	s29 =	sadd.s32 s3, s25  }
0x14a: {  	(v2sf) =	vpush v4, $0xD;
	[tilespmem:s26], [sflag:$0x3] =	stream.linear.gather [hbm4b:s29+s2], $0x80, $0x38;
	[tilespmem:$0x10280] =	vst v63  }
0x14b: {  	s14 =	sadd.s32 s3, s31;
	s15 =	sand.u32 $0x1FFFFFF0, s28;
	s30 =	spop (v2sf)  }
0x14c: {  	(v2sf) =	vpush v4, $0xE;
	[tilespmem:s11], [sflag:$0x3] =	stream.linear.gather [hbm4b:s14+s2], $0x80, $0x38;
	[tilespmem:$0x10280] =	vst v63  }
0x14d: {  	s15 =	sadd.s32 s3, s15;
	s31 =	sand.u32 $0x1FFFFFF0, s30;
	s20 =	spop (v2sf)  }
0x14e: {  	(v2sf) =	vpush v4, $0xF;
	[tilespmem:s5], [sflag:$0x3] =	stream.linear.gather [hbm4b:s15+s2], $0x80, $0x38;
	[tilespmem:$0x10280] =	vst v63  }
0x14f: {  	s25 =	sand.u32 $0x1FFFFFF0, s20;
	s26 =	spop (v2sf);
	s11 =	sadd.s32 s3, s31  }
0x150: {  	[tilespmem:s12], [sflag:$0x3] =	stream.linear.gather [hbm4b:s11+s2], $0x80, $0x38;
	[tilespmem:$0x10280] =	vst v63  }
0x151: {  	s28 =	sand.u32 $0x1FFFFFF0, s26;
	s5 =	sadd.s32 s3, s25;
	s29 =	spop (v2sf)  }
0x152: {  	[tilespmem:s4], [sflag:$0x3] =	stream.linear.gather [hbm4b:s5+s2], $0x80, $0x38;
	[tilespmem:$0x10280] =	vst v63  }
0x153: {  	s11 =	sadd.s32 s3, s28;
	s30 =	sand.u32 $0x1FFFFFF0, s29;
	s31 =	spop (v2sf)  }
0x154: {  	[tilespmem:s6], [sflag:$0x3] =	stream.linear.gather [hbm4b:s11+s2], $0x80, $0x38;
	[tilespmem:$0x10280] =	vst v63  }
0x155: {  	s5 =	sand.u32 $0x1FFFFFF0, s31;
	s4 =	sadd.s32 s3, s30;
	s11 =	spop (v2sf)  }
0x156: {  	[tilespmem:s1], [sflag:$0x3] =	stream.linear.gather [hbm4b:s4+s2], $0x80, $0x38;
	[tilespmem:$0x10280] =	vst v63  }
0x157: {  	s5 =	sadd.s32 s3, s5;
	s12 =	sand.u32 $0x1FFFFFF0, s11;
	s14 =	spop (v2sf)  }
0x158: {  	[tilespmem:s7], [sflag:$0x3] =	stream.linear.gather [hbm4b:s5+s2], $0x80, $0x38;
	[tilespmem:$0x10280] =	vst v63  }
0x159: {  	s1 =	sadd.s32 s3, s12;
	s4 =	sand.u32 $0x1FFFFFF0, s14;
	s15 =	spop (v2sf)  }
0x15a: {  	[tilespmem:s24], [sflag:$0x3] =	stream.linear.gather [hbm4b:s1+s2], $0x80, $0x38;
	[tilespmem:$0x10280] =	vst v63  }
0x15b: {  	s20 =	sand.u32 $0x1FFFFFF0, s15;
	s4 =	sadd.s32 s3, s4;
	s24 =	spop (v2sf)  }
0x15c: {  	[tilespmem:s0], [sflag:$0x3] =	stream.linear.gather [hbm4b:s4+s2], $0x80, $0x38;
	[tilespmem:$0x10280] =	vst v63  }
0x15d: {  	s1 =	sadd.s32 s3, s20;
	s25 =	sand.u32 $0x1FFFFFF0, s24;
	s26 =	spop (v2sf)  }
0x15e: {  	[tilespmem:s23], [sflag:$0x3] =	stream.linear.gather [hbm4b:s1+s2], $0x80, $0x38;
	[tilespmem:$0x10280] =	vst v63  }
0x15f: {  	s29 =	sadd.s32 $0x8900, s22;
	s28 =	sand.u32 $0x1FFFFFF0, s26;
	s0 =	sadd.s32 s3, s25  }
0x160: {  	[tilespmem:s29], [sflag:$0x3] =	stream.linear.gather [hbm4b:s0+s2], $0x80, $0x38;
	[tilespmem:$0x10280] =	vst v63  }
0x161: {  	s30 =	sadd.s32 $0x8980, s22;
	s1 =	sadd.s32 s3, s28  }
0x162: {  	[tilespmem:s30], [sflag:$0x3] =	stream.linear.gather [hbm4b:s1+s2], $0x80, $0x38;
	[tilespmem:$0x10280] =	vst v63  }
0x163: {  	_ =	swait.ge [sflag:s18], $0x4000  }
0x164: {  	[sflag:s18] =	ssyncset.done $0x0  }
0x165: {  	[sflag:s18] =	ssyncadd.s32 $0xFFFFC000  }
0x166: {  	_ =	swait.ge [sflag:s19], $0x4000  }
0x167: {  	[sflag:s19] =	ssyncset.done $0x0  }
0x168: {  	s31 =	simm.s32 $0x0;
	[sflag:s19] =	ssyncadd.s32 $0xFFFFC000  }
0x169: {  	v6 =	vld [tilespmem:s31+$0x4230]  }
0x16a: {  	v8 =	vld [tilespmem:s31+$0xC230]  }
0x16b: {  	v9 =	vld [tilespmem:s31+$0x4200]  }
0x16c: {  	v10 =	vld [tilespmem:s31+$0xC200]  }
0x16d: {  	v4 =	vld [tilespmem:s31+$0x4210]  }
0x16e: {  	v7 =	vld [tilespmem:s31+$0xC210]  }
0x16f: {  	v5 =	vld [tilespmem:s31+$0x4220];
	v11 =	vsub.f32 v6, v8  }
0x170: {  	s0 =	simm.s32 $0x80;
	v8 =	vld [tilespmem:s31+$0xC220]  }
0x171: {  	s1 =	simm.s32 $0x400;
	v6 =	vld [tilespmem:s0+$0x4230];
	v10 =	vsub.f32 v9, v10;
	v9 =	vmul.f32 v11, v11  }
.LBB2_10:
0x172: {  	p0 =	sne.s32 s1, $0xFE00;
	v11 =	vld [tilespmem:s0+$0xC230]  }
0x173: {  	v12 =	vld [tilespmem:s0+$0x4200];
	v10 =	vmul.f32 v10, v10;
	v7 =	vsub.f32 v4, v7;
	v0 =	vadd.f32 v9, v0  }
0x174: {  	v9 =	vld [tilespmem:s0+$0xC200]  }
.Ltmp4:
0x175: {  	v4 =	vld [tilespmem:s0+$0x4210];
	v2 =	vadd.f32 v10, v2;
	v10 =	vmul.f32 v7, v7;
	v8 =	vsub.f32 v5, v8;
	(pc) =	sbr.rel @p0 .LBB2_10-.Ltmp4, $4  }
0x176: {  	v7 =	vld [tilespmem:s0+$0xC210]  }
0x177: {  	v5 =	vld [tilespmem:s0+$0x4220];
	v11 =	vsub.f32 v6, v11;
	v3 =	vadd.f32 v10, v3;
	v13 =	vmul.f32 v8, v8  }
0x178: {  	v8 =	vld [tilespmem:s0+$0xC220];
	s0 =	sshra.s32 s1, $0x2  }
0x179: {  	s1 =	sadd.s32 $0x200, s1;
	v6 =	vld [tilespmem:s0+$0x4230];
	v10 =	vsub.f32 v12, v9;
	v9 =	vmul.f32 v11, v11;
	v1 =	vadd.f32 v13, v1  }
0x17a: {  	v11 =	vld [tilespmem:s0+$0xC230]  }
0x17b: {  	v12 =	vld [tilespmem:s0+$0x4200]  }
0x17c: {  	v13 =	vld [tilespmem:s0+$0xC200]  }
0x17d: {  	v14 =	vld [tilespmem:s0+$0x4210]  }
0x17e: {  	v15 =	vld [tilespmem:s0+$0xC210]  }
0x17f: {  	v16 =	vld [tilespmem:s0+$0x4220];
	s31 =	simm.s32 $0x0;
	s1 =	simm.s32 $0x4200;
	s23 =	simm.s32 $0x180  }
0x180: {  	v17 =	vld [tilespmem:s0+$0xC220];
	[tilespmem:s1], [sflag:$0x2] =	stream.linear.gather [hbm4b:s8+s31], $0x4000, $0x38  }
0x181: {  	v18 =	vld [tilespmem:s23+$0x0]  }
0x182: {  	v4 =	vsub.f32 v4, v7  }
0x183: {  	v7 =	vmul.f32 v10, v10  }
0x184: {  	v4 =	vmul.f32 v4, v4  }
0x185: {  	v5 =	vsub.f32 v5, v8;
	v7 =	vadd.f32 v7, v2  }
0x186: {  	v2 =	vsub.f32 v6, v11;
	v6 =	vadd.f32 v4, v3;
	v4 =	vshll.u32 v18, $0x4  }
0x187: {  	(v2sf) =	vpush v4, $0x0  }
0x188: {  	v0 =	vadd.f32 v9, v0;
	v5 =	vmul.f32 v5, v5;
	(v2sf) =	vpush v4, $0x1  }
0x189: {  	v3 =	vsub.f32 v12, v13;
	(v2sf) =	vpush v4, $0x2  }
0x18a: {  	v62 =	vsub.f32 v14, v15;
	v5 =	vadd.f32 v5, v1;
	v1 =	vmul.f32 v2, v2  }
0x18b: {  	v63 =	vsub.f32 v16, v17;
	v3 =	vmul.f32 v3, v3;
	(v2sf) =	vpush v4, $0x4  }
0x18c: {  	v2 =	vadd.f32 v1, v0;
	v0 =	vmul.f32 v62, v62  }
0x18d: {  	v3 =	vadd.f32 v3, v7;
	v7 =	vmul.f32 v63, v63;
	(v2sf) =	vpush v4, $0x3  }
0x18e: {  	v1 =	vadd.f32 v0, v6;
	(v2sf) =	vpush v4, $0x5  }
0x18f: {  	s24 =	simm.s32 $0x2000;
	s22 =	simm.s32 $0x0;
	v0 =	vadd.f32 v7, v5;
	(v2sf) =	vpush v4, $0x6  }
.LBB2_12:
0x190: {  	p0 =	sne.s32 s24, $0xE000  }
0x191: {  	s4 =	sadd.s32 $0xC280, s22;
	s29 =	sadd.s32 $0xC780, s22;
	s25 =	smov.u32 s24  }
0x192: {  	s24 =	sadd.s32 $0x2000, s24;
	s0 =	sadd.s32 $0xC580, s22;
	s26 =	sadd.s32 $0xC800, s22;
	(v2sf) =	vpush v4, $0x7  }
0x193: {  	s11 =	sadd.s32 $0xC480, s22;
	s31 =	sadd.s32 $0xC600, s22;
	s28 =	sadd.s32 $0xC880, s22  }
0x194: {  	s5 =	sadd.s32 $0xC200, s22;
	s6 =	sadd.s32 $0xC400, s22;
	(v2sf) =	vpush v4, $0x8  }
0x195: {  	s7 =	sadd.s32 $0xC500, s22;
	s23 =	sadd.s32 $0x10, s23  }
0x196: {  	s12 =	sadd.s32 $0xC300, s22;
	s30 =	sadd.s32 $0xC700, s22;
	s1 =	spop (v2sf);
	(v2sf) =	vpush v4, $0x9  }
0x197: {  	s14 =	sand.u32 $0x1FFFFFF0, s1;
	s1 =	sadd.s32 $0xC680, s22;
	s15 =	spop (v2sf)  }
0x198: {  	s14 =	sadd.s32 s3, s14;
	s15 =	sand.u32 $0x1FFFFFF0, s15;
	s20 =	spop (v2sf);
	(v2sf) =	vpush v4, $0xA  }
0x199: {  	[tilespmem:s5], [sflag:$0x4] =	stream.linear.gather [hbm4b:s14+s2], $0x80, $0x38;
	[tilespmem:$0x10280] =	vst v63  }
0x19a: {  	s5 =	sadd.s32 s3, s15;
	s14 =	sadd.s32 $0xC380, s22;
	s15 =	spop (v2sf);
	(v2sf) =	vpush v4, $0xB  }
0x19b: {  	[tilespmem:s4], [sflag:$0x4] =	stream.linear.gather [hbm4b:s5+s2], $0x80, $0x38;
	[tilespmem:$0x10280] =	vst v63  }
0x19c: {  	s4 =	sand.u32 $0x1FFFFFF0, s20;
	s5 =	sand.u32 $0x1FFFFFF0, s15;
	s15 =	spop (v2sf);
	(v2sf) =	vpush v4, $0xC  }
0x19d: {  	s4 =	sadd.s32 s3, s4;
	s15 =	sand.u32 $0x1FFFFFF0, s15;
	s20 =	spop (v2sf)  }
0x19e: {  	[tilespmem:s12], [sflag:$0x4] =	stream.linear.gather [hbm4b:s4+s2], $0x80, $0x38;
	(v2sf) =	vpush v4, $0xD;
	[tilespmem:$0x10280] =	vst v63  }
0x19f: {  	s4 =	sadd.s32 s3, s15;
	s12 =	sand.u32 $0x1FFFFFF0, s20;
	s15 =	spop (v2sf)  }
0x1a0: {  	[tilespmem:s14], [sflag:$0x4] =	stream.linear.gather [hbm4b:s4+s2], $0x80, $0x38;
	(v2sf) =	vpush v4, $0xE;
	[tilespmem:$0x10280] =	vst v63  }
0x1a1: {  	s4 =	sadd.s32 s3, s5;
	s5 =	sand.u32 $0x1FFFFFF0, s15;
	s14 =	spop (v2sf)  }
0x1a2: {  	[tilespmem:s6], [sflag:$0x4] =	stream.linear.gather [hbm4b:s4+s2], $0x80, $0x38;
	(v2sf) =	vpush v4, $0xF;
	[tilespmem:$0x10280] =	vst v63  }
0x1a3: {  	s4 =	sadd.s32 s3, s12;
	s6 =	sand.u32 $0x1FFFFFF0, s14;
	s12 =	spop (v2sf)  }
0x1a4: {  	[tilespmem:s11], [sflag:$0x4] =	stream.linear.gather [hbm4b:s4+s2], $0x80, $0x38;
	[tilespmem:$0x10280] =	vst v63  }
0x1a5: {  	s4 =	sadd.s32 s3, s5;
	s5 =	sand.u32 $0x1FFFFFF0, s12;
	s11 =	spop (v2sf)  }
0x1a6: {  	[tilespmem:s7], [sflag:$0x4] =	stream.linear.gather [hbm4b:s4+s2], $0x80, $0x38;
	[tilespmem:$0x10280] =	vst v63  }
0x1a7: {  	s4 =	sadd.s32 s3, s6;
	s6 =	sand.u32 $0x1FFFFFF0, s11;
	s7 =	spop (v2sf)  }
0x1a8: {  	[tilespmem:s0], [sflag:$0x4] =	stream.linear.gather [hbm4b:s4+s2], $0x80, $0x38;
	[tilespmem:$0x10280] =	vst v63  }
0x1a9: {  	s0 =	sadd.s32 s3, s5;
	s4 =	sand.u32 $0x1FFFFFF0, s7;
	s5 =	spop (v2sf)  }
0x1aa: {  	[tilespmem:s31], [sflag:$0x4] =	stream.linear.gather [hbm4b:s0+s2], $0x80, $0x38;
	[tilespmem:$0x10280] =	vst v63  }
0x1ab: {  	s0 =	sadd.s32 s3, s6;
	s5 =	sand.u32 $0x1FFFFFF0, s5;
	s6 =	spop (v2sf)  }
0x1ac: {  	[tilespmem:s1], [sflag:$0x4] =	stream.linear.gather [hbm4b:s0+s2], $0x80, $0x38;
	[tilespmem:$0x10280] =	vst v63  }
0x1ad: {  	s0 =	sadd.s32 s3, s4;
	s1 =	sand.u32 $0x1FFFFFF0, s6;
	s4 =	spop (v2sf)  }
0x1ae: {  	[tilespmem:s30], [sflag:$0x4] =	stream.linear.gather [hbm4b:s0+s2], $0x80, $0x38;
	[tilespmem:$0x10280] =	vst v63  }
0x1af: {  	s0 =	sadd.s32 s3, s5;
	s4 =	sand.u32 $0x1FFFFFF0, s4;
	s5 =	spop (v2sf)  }
0x1b0: {  	[tilespmem:s29], [sflag:$0x4] =	stream.linear.gather [hbm4b:s0+s2], $0x80, $0x38;
	[tilespmem:$0x10280] =	vst v63  }
0x1b1: {  	s0 =	sadd.s32 s3, s1;
	s1 =	sand.u32 $0x1FFFFFF0, s5;
	s5 =	spop (v2sf)  }
0x1b2: {  	[tilespmem:s26], [sflag:$0x4] =	stream.linear.gather [hbm4b:s0+s2], $0x80, $0x38;
	[tilespmem:$0x10280] =	vst v63  }
0x1b3: {  	s0 =	sadd.s32 s3, s4;
	s4 =	sand.u32 $0x1FFFFFF0, s5  }
0x1b4: {  	[tilespmem:s28], [sflag:$0x4] =	stream.linear.gather [hbm4b:s0+s2], $0x80, $0x38;
	[tilespmem:$0x10280] =	vst v63  }
0x1b5: {  	s1 =	sadd.s32 s3, s1;
	s0 =	sadd.s32 $0xC900, s22  }
0x1b6: {  	[tilespmem:s0], [sflag:$0x4] =	stream.linear.gather [hbm4b:s1+s2], $0x80, $0x38;
	[tilespmem:$0x10280] =	vst v63  }
0x1b7: {  	s0 =	sadd.s32 $0xC980, s22;
	s1 =	sadd.s32 s3, s4  }
0x1b8: {  	[tilespmem:s0], [sflag:$0x4] =	stream.linear.gather [hbm4b:s1+s2], $0x80, $0x38;
	[tilespmem:$0x10280] =	vst v63  }
0x1b9: {  	v4 =	vld [tilespmem:s23+$0x0];
	_ =	sdelay $0x4  }
0x1ba: {  	v4 =	vshll.u32 v4, $0x4  }
0x1bb: {  	(v2sf) =	vpush v4, $0x0  }
0x1bc: {  	(v2sf) =	vpush v4, $0x1  }
0x1bd: {  	(v2sf) =	vpush v4, $0x2;
	_ =	sdelay $0x1  }
0x1be: {  	(v2sf) =	vpush v4, $0x4  }
.Ltmp5:
0x1bf: {  	(pc) =	sbr.rel @p0 .LBB2_12-.Ltmp5, $3  }
0x1c0: {  	(v2sf) =	vpush v4, $0x3  }
0x1c1: {  	(v2sf) =	vpush v4, $0x5;
	_ =	sdelay $0x1  }
0x1c2: {  	s22 =	sshra.s32 s25, $0x2;
	(v2sf) =	vpush v4, $0x6  }
0x1c3: {  	_ =	sdelay $0x1  }
0x1c4: {  	s1 =	sadd.s32 $0xC280, s22;
	s24 =	sadd.s32 $0xC780, s22  }
0x1c5: {  	s4 =	sadd.s32 $0xC580, s22;
	s0 =	sadd.s32 $0xC800, s22;
	(v2sf) =	vpush v4, $0x7;
	s5 =	sadd.s32 $0xC480, s22  }
0x1c6: {  	s6 =	sadd.s32 $0xC600, s22;
	s23 =	sadd.s32 $0xC880, s22;
	s7 =	sadd.s32 $0xC200, s22  }
0x1c7: {  	s11 =	sadd.s32 $0xC400, s22;
	s12 =	sadd.s32 $0xC500, s22;
	(v2sf) =	vpush v4, $0x8;
	s14 =	spop (v2sf)  }
0x1c8: {  	s15 =	sadd.s32 $0xC300, s22;
	s14 =	sand.u32 $0x1FFFFFF0, s14;
	s20 =	spop (v2sf)  }
0x1c9: {  	(v2sf) =	vpush v4, $0x9;
	s14 =	sadd.s32 s3, s14;
	s20 =	sand.u32 $0x1FFFFFF0, s20;
	s25 =	spop (v2sf)  }
0x1ca: {  	[tilespmem:s7], [sflag:$0x4] =	stream.linear.gather [hbm4b:s14+s2], $0x80, $0x38;
	[tilespmem:$0x10280] =	vst v63  }
0x1cb: {  	(v2sf) =	vpush v4, $0xA;
	s26 =	sadd.s32 s3, s20;
	s29 =	sand.u32 $0x1FFFFFF0, s25;
	s28 =	spop (v2sf)  }
0x1cc: {  	[tilespmem:s1], [sflag:$0x4] =	stream.linear.gather [hbm4b:s26+s2], $0x80, $0x38;
	[tilespmem:$0x10280] =	vst v63  }
0x1cd: {  	s7 =	sadd.s32 $0xC700, s22;
	(v2sf) =	vpush v4, $0xB;
	s14 =	sadd.s32 s3, s29;
	s30 =	spop (v2sf)  }
0x1ce: {  	s1 =	sadd.s32 $0xC680, s22;
	s26 =	sadd.s32 $0xC380, s22;
	s25 =	sand.u32 $0x1FFFFFF0, s30  }
0x1cf: {  	(v2sf) =	vpush v4, $0xC;
	[tilespmem:s15], [sflag:$0x4] =	stream.linear.gather [hbm4b:s14+s2], $0x80, $0x38;
	[tilespmem:$0x10280] =	vst v63  }
0x1d0: {  	s31 =	sand.u32 $0x1FFFFFF0, s28;
	s28 =	spop (v2sf);
	s29 =	sadd.s32 s3, s25  }
0x1d1: {  	(v2sf) =	vpush v4, $0xD;
	[tilespmem:s26], [sflag:$0x4] =	stream.linear.gather [hbm4b:s29+s2], $0x80, $0x38;
	[tilespmem:$0x10280] =	vst v63  }
0x1d2: {  	s14 =	sadd.s32 s3, s31;
	s15 =	sand.u32 $0x1FFFFFF0, s28;
	s30 =	spop (v2sf)  }
0x1d3: {  	(v2sf) =	vpush v4, $0xE;
	[tilespmem:s11], [sflag:$0x4] =	stream.linear.gather [hbm4b:s14+s2], $0x80, $0x38;
	[tilespmem:$0x10280] =	vst v63  }
0x1d4: {  	s15 =	sadd.s32 s3, s15;
	s31 =	sand.u32 $0x1FFFFFF0, s30;
	s20 =	spop (v2sf)  }
0x1d5: {  	(v2sf) =	vpush v4, $0xF;
	[tilespmem:s5], [sflag:$0x4] =	stream.linear.gather [hbm4b:s15+s2], $0x80, $0x38;
	[tilespmem:$0x10280] =	vst v63  }
0x1d6: {  	s25 =	sand.u32 $0x1FFFFFF0, s20;
	s26 =	spop (v2sf);
	s11 =	sadd.s32 s3, s31  }
0x1d7: {  	[tilespmem:s12], [sflag:$0x4] =	stream.linear.gather [hbm4b:s11+s2], $0x80, $0x38;
	[tilespmem:$0x10280] =	vst v63  }
0x1d8: {  	s28 =	sand.u32 $0x1FFFFFF0, s26;
	s5 =	sadd.s32 s3, s25;
	s29 =	spop (v2sf)  }
0x1d9: {  	[tilespmem:s4], [sflag:$0x4] =	stream.linear.gather [hbm4b:s5+s2], $0x80, $0x38;
	[tilespmem:$0x10280] =	vst v63  }
0x1da: {  	s11 =	sadd.s32 s3, s28;
	s30 =	sand.u32 $0x1FFFFFF0, s29;
	s31 =	spop (v2sf)  }
0x1db: {  	[tilespmem:s6], [sflag:$0x4] =	stream.linear.gather [hbm4b:s11+s2], $0x80, $0x38;
	[tilespmem:$0x10280] =	vst v63  }
0x1dc: {  	s5 =	sand.u32 $0x1FFFFFF0, s31;
	s4 =	sadd.s32 s3, s30;
	s11 =	spop (v2sf)  }
0x1dd: {  	[tilespmem:s1], [sflag:$0x4] =	stream.linear.gather [hbm4b:s4+s2], $0x80, $0x38;
	[tilespmem:$0x10280] =	vst v63  }
0x1de: {  	s5 =	sadd.s32 s3, s5;
	s12 =	sand.u32 $0x1FFFFFF0, s11;
	s14 =	spop (v2sf)  }
0x1df: {  	[tilespmem:s7], [sflag:$0x4] =	stream.linear.gather [hbm4b:s5+s2], $0x80, $0x38;
	[tilespmem:$0x10280] =	vst v63  }
0x1e0: {  	s1 =	sadd.s32 s3, s12;
	s4 =	sand.u32 $0x1FFFFFF0, s14;
	s15 =	spop (v2sf)  }
0x1e1: {  	[tilespmem:s24], [sflag:$0x4] =	stream.linear.gather [hbm4b:s1+s2], $0x80, $0x38;
	[tilespmem:$0x10280] =	vst v63  }
0x1e2: {  	s20 =	sand.u32 $0x1FFFFFF0, s15;
	s4 =	sadd.s32 s3, s4;
	s24 =	spop (v2sf)  }
0x1e3: {  	[tilespmem:s0], [sflag:$0x4] =	stream.linear.gather [hbm4b:s4+s2], $0x80, $0x38;
	[tilespmem:$0x10280] =	vst v63  }
0x1e4: {  	s1 =	sadd.s32 s3, s20;
	s25 =	sand.u32 $0x1FFFFFF0, s24;
	s26 =	spop (v2sf)  }
0x1e5: {  	[tilespmem:s23], [sflag:$0x4] =	stream.linear.gather [hbm4b:s1+s2], $0x80, $0x38;
	[tilespmem:$0x10280] =	vst v63  }
0x1e6: {  	s29 =	sadd.s32 $0xC900, s22;
	s28 =	sand.u32 $0x1FFFFFF0, s26;
	s0 =	sadd.s32 s3, s25  }
0x1e7: {  	[tilespmem:s29], [sflag:$0x4] =	stream.linear.gather [hbm4b:s0+s2], $0x80, $0x38;
	[tilespmem:$0x10280] =	vst v63  }
0x1e8: {  	s30 =	sadd.s32 $0xC980, s22;
	s1 =	sadd.s32 s3, s28  }
0x1e9: {  	[tilespmem:s30], [sflag:$0x4] =	stream.linear.gather [hbm4b:s1+s2], $0x80, $0x38;
	[tilespmem:$0x10280] =	vst v63  }
0x1ea: {  	_ =	swait.ge [sflag:s16], $0x4000  }
0x1eb: {  	[sflag:s16] =	ssyncset.done $0x0  }
0x1ec: {  	[sflag:s16] =	ssyncadd.s32 $0xFFFFC000  }
0x1ed: {  	_ =	swait.ge [sflag:s17], $0x4000  }
0x1ee: {  	[sflag:s17] =	ssyncset.done $0x0  }
0x1ef: {  	s31 =	simm.s32 $0x0;
	[sflag:s17] =	ssyncadd.s32 $0xFFFFC000  }
0x1f0: {  	v6 =	vld [tilespmem:s31+$0x230]  }
0x1f1: {  	v8 =	vld [tilespmem:s31+$0x8230]  }
0x1f2: {  	v9 =	vld [tilespmem:s31+$0x200]  }
0x1f3: {  	v10 =	vld [tilespmem:s31+$0x8200]  }
0x1f4: {  	v5 =	vld [tilespmem:s31+$0x210]  }
0x1f5: {  	v7 =	vld [tilespmem:s31+$0x8210]  }
0x1f6: {  	v4 =	vld [tilespmem:s31+$0x220];
	v11 =	vsub.f32 v6, v8  }
0x1f7: {  	s0 =	simm.s32 $0x80;
	v8 =	vld [tilespmem:s31+$0x8220]  }
0x1f8: {  	s1 =	simm.s32 $0x400;
	v6 =	vld [tilespmem:s0+$0x230];
	v10 =	vsub.f32 v9, v10;
	v9 =	vmul.f32 v11, v11  }
.LBB2_14:
0x1f9: {  	p0 =	sne.s32 s1, $0xFE00;
	v11 =	vld [tilespmem:s0+$0x8230]  }
0x1fa: {  	v12 =	vld [tilespmem:s0+$0x200];
	v10 =	vmul.f32 v10, v10;
	v7 =	vsub.f32 v5, v7;
	v2 =	vadd.f32 v9, v2  }
0x1fb: {  	v9 =	vld [tilespmem:s0+$0x8200]  }
.Ltmp6:
0x1fc: {  	v5 =	vld [tilespmem:s0+$0x210];
	v3 =	vadd.f32 v10, v3;
	v10 =	vmul.f32 v7, v7;
	v8 =	vsub.f32 v4, v8;
	(pc) =	sbr.rel @p0 .LBB2_14-.Ltmp6, $4  }
0x1fd: {  	v7 =	vld [tilespmem:s0+$0x8210]  }
0x1fe: {  	v4 =	vld [tilespmem:s0+$0x220];
	v11 =	vsub.f32 v6, v11;
	v1 =	vadd.f32 v10, v1;
	v13 =	vmul.f32 v8, v8  }
0x1ff: {  	v8 =	vld [tilespmem:s0+$0x8220];
	s0 =	sshra.s32 s1, $0x2  }
0x200: {  	s1 =	sadd.s32 $0x200, s1;
	v6 =	vld [tilespmem:s0+$0x230];
	v10 =	vsub.f32 v12, v9;
	v9 =	vmul.f32 v11, v11;
	v0 =	vadd.f32 v13, v0  }
0x201: {  	v11 =	vld [tilespmem:s0+$0x8230]  }
0x202: {  	v12 =	vld [tilespmem:s0+$0x200]  }
0x203: {  	v13 =	vld [tilespmem:s0+$0x8200]  }
0x204: {  	v14 =	vld [tilespmem:s0+$0x210]  }
0x205: {  	v15 =	vld [tilespmem:s0+$0x8210]  }
0x206: {  	v16 =	vld [tilespmem:s0+$0x220]  }
0x207: {  	v17 =	vld [tilespmem:s0+$0x8220];
	_ =	swait.ge [sflag:s18], $0x4000  }
0x208: {  	[sflag:s18] =	ssyncset.done $0x0  }
0x209: {  	[sflag:s18] =	ssyncadd.s32 $0xFFFFC000  }
0x20a: {  	_ =	swait.ge [sflag:s19], $0x4000  }
0x20b: {  	[sflag:s19] =	ssyncset.done $0x0  }
0x20c: {  	s1 =	simm.s32 $0x0;
	[sflag:s19] =	ssyncadd.s32 $0xFFFFC000  }
0x20d: {  	v10 =	vmul.f32 v10, v10;
	v5 =	vsub.f32 v5, v7;
	v18 =	vld [tilespmem:s1+$0x4230]  }
0x20e: {  	v2 =	vadd.f32 v9, v2;
	v4 =	vsub.f32 v4, v8;
	v8 =	vld [tilespmem:s1+$0xC230]  }
0x20f: {  	v3 =	vadd.f32 v10, v3;
	v5 =	vmul.f32 v5, v5;
	v6 =	vsub.f32 v6, v11;
	v9 =	vld [tilespmem:s1+$0x4200]  }
0x210: {  	v7 =	vsub.f32 v12, v13;
	v10 =	vmul.f32 v4, v4;
	v11 =	vsub.f32 v14, v15;
	v62 =	vld [tilespmem:s1+$0xC200]  }
0x211: {  	v1 =	vadd.f32 v5, v1;
	v4 =	vld [tilespmem:s1+$0x4210];
	v5 =	vmul.f32 v6, v6;
	v6 =	vsub.f32 v16, v17  }
0x212: {  	v10 =	vadd.f32 v10, v0;
	v13 =	vmul.f32 v7, v7;
	v11 =	vmul.f32 v11, v11;
	v7 =	vld [tilespmem:s1+$0xC210]  }
0x213: {  	v0 =	vadd.f32 v5, v2;
	v5 =	vmul.f32 v6, v6;
	v6 =	vld [tilespmem:s1+$0x4220];
	v63 =	vsub.f32 v18, v8  }
0x214: {  	s0 =	simm.s32 $0x80;
	v2 =	vadd.f32 v13, v3;
	v3 =	vadd.f32 v11, v1;
	v8 =	vld [tilespmem:s1+$0xC220]  }
0x215: {  	v1 =	vadd.f32 v5, v10;
	v5 =	vld [tilespmem:s0+$0x4230];
	s1 =	simm.s32 $0x400;
	v10 =	vsub.f32 v9, v62;
	v9 =	vmul.f32 v63, v63  }
.LBB2_16:
0x216: {  	p0 =	sne.s32 s1, $0xFE00;
	v11 =	vld [tilespmem:s0+$0xC230]  }
0x217: {  	v12 =	vld [tilespmem:s0+$0x4200];
	v10 =	vmul.f32 v10, v10;
	v7 =	vsub.f32 v4, v7;
	v0 =	vadd.f32 v9, v0  }
0x218: {  	v9 =	vld [tilespmem:s0+$0xC200]  }
.Ltmp7:
0x219: {  	v4 =	vld [tilespmem:s0+$0x4210];
	v2 =	vadd.f32 v10, v2;
	v10 =	vmul.f32 v7, v7;
	v8 =	vsub.f32 v6, v8;
	(pc) =	sbr.rel @p0 .LBB2_16-.Ltmp7, $4  }
0x21a: {  	v7 =	vld [tilespmem:s0+$0xC210]  }
0x21b: {  	v6 =	vld [tilespmem:s0+$0x4220];
	v11 =	vsub.f32 v5, v11;
	v3 =	vadd.f32 v10, v3;
	v13 =	vmul.f32 v8, v8  }
0x21c: {  	v8 =	vld [tilespmem:s0+$0xC220];
	s0 =	sshra.s32 s1, $0x2  }
0x21d: {  	s1 =	sadd.s32 $0x200, s1;
	v5 =	vld [tilespmem:s0+$0x4230];
	v10 =	vsub.f32 v12, v9;
	v9 =	vmul.f32 v11, v11;
	v1 =	vadd.f32 v13, v1  }
0x21e: {  	v11 =	vld [tilespmem:s0+$0x4200]  }
0x21f: {  	v12 =	vld [tilespmem:s0+$0xC200]  }
0x220: {  	v13 =	vld [tilespmem:s0+$0x4210]  }
0x221: {  	v14 =	vld [tilespmem:s0+$0xC210]  }
0x222: {  	v15 =	vld [tilespmem:s0+$0x4220]  }
0x223: {  	v56 =	vld [tilespmem:s0+$0xC220];
	v4 =	vsub.f32 v4, v7  }
0x224: {  	v16 =	vld [tilespmem:s0+$0xC230]  }
0x225: {  	v57 =	vmul.f32 v10, v10;
	v6 =	vsub.f32 v6, v8;
	v4 =	vmul.f32 v4, v4  }
0x226: {  	v58 =	vsub.f32 v11, v12;
	v59 =	vsub.f32 v13, v14  }
0x227: {  	v2 =	vadd.f32 v57, v2;
	v3 =	vadd.f32 v4, v3;
	v60 =	vmul.f32 v6, v6  }
0x228: {  	v7 =	vsub.f32 v15, v56;
	v61 =	vmul.f32 v58, v58;
	v62 =	vmul.f32 v59, v59  }
0x229: {  	v5 =	vsub.f32 v5, v16;
	v1 =	vadd.f32 v60, v1  }
0x22a: {  	v63 =	vmul.f32 v7, v7;
	v2 =	vadd.f32 v61, v2;
	v3 =	vadd.f32 v62, v3  }
0x22b: {  	v0 =	vadd.f32 v9, v0  }
0x22c: {  	v5 =	vmul.f32 v5, v5;
	v1 =	vadd.f32 v63, v1;
	v2 =	vadd.f32 v3, v2;
	_ =	sdelay $0x1  }
0x22d: {  	v0 =	vadd.f32 v5, v0;
	v1 =	vadd.f32 v1, v2;
	_ =	sdelay $0x1  }
0x22e: {  	s21 =	sadd.s32 $0x1, s21;
	v0 =	vadd.f32 v0, v1  }
0x22f: {  	p0 =	sne.s32 s21, s10  }
.Ltmp8:
0x230: {  	s31 =	simm.s32 $0x10200;
	[tilespmem:$0x10200] =	vst v0;
	(pc) =	sbr.rel @p0 .LBB2_1-.Ltmp8, $4  }
0x231: {  	[hbm4b:s9+s2] =	stream.linear.scatter [tilespmem:s31], [sflag:$0x5], $0x80, $0x38;
	[tilespmem:$0x10280] =	vst v63  }
0x232: {  	_ =	swait.ge [sflag:s13], $0x80  }
0x233: {  	[sflag:s13] =	ssyncset.done $0x0  }
0x234: {  	[sflag:s13] =	ssyncadd.s32 $0xFFFFFF80  }
0x235: {  	_ =	sfence.sel $0x180000  }
0x236: {  	[bflag:$0x0] =	sbarrier.arrive $0xFFFF  }
0x237: {  	_ =	strace $0x90000047  }
0x238: {  	s0 =	stileid.u32;
	[bflag:$0x2] =	sbarrier.arrive $0xFFFF  }
0x239: {  	p0 =	sne.s32 s0, $0x0;
	s0 =	rddreg [dreg:$0x1]  }
0x23a: {  	s0 =	sadd.s32 @!p0 $0x100000, s0  }
0x23b: {  	[sflag:s0] =	ssyncadd.tile.s32 @!p0 $0x1;
	_ =	shalt  }
.Lfunc_end2:
_tile_overlayer_lowered:
.L_overlay_start_2:
0x23c: {  	(tag) =	ssettag $0x2  }
0x23d: {  	s0 =	rddreg [dreg:$0x0];
	s2 =	stileid.u32  }
0x23e: {  	s1 =	rddreg [dreg:$0x1];
	p0 =	sne.s32 s2, $0x0  }
0x23f: {  	s3 =	rddreg [dreg:$0x2];
	[bflag:$0x3] =	sbarrier.arrive $0xFFFF;
	s2 =	simm.s32 @!p0 $0x1C05  }
0x240: {  	[timem:s3], [sflag:s2] =	dma.local @!p0 [hbm:s0], s1  }
0x241: {  	s0 =	simm.s32 @!p0 $0x5  }
0x242: {  	_ =	swait.ge @!p0 [sflag:s0], s1  }
0x243: {  	s1 =	ssub.s32 @!p0 $0x0, s1;
	[sflag:s0] =	ssyncset.done @!p0 $0x0  }
0x244: {  	[sflag:s0] =	ssyncadd.s32 @!p0 s1  }
0x245: {  	[bflag:$0x3] =	sbarrier.arrive $0xFFFF  }
0x246: {  	_ =	shalt  }

</sc_bundles>
